<compile_context>
chip_gen: v7x
topology: tpu7x:2x2x1
jax: 0.10.2.dev20260603
libtpu: 0.0.44.dev20260713+nightly
codegen_flags: <defaults>
</compile_context>

<pallas_src>
import functools
import numpy as np
import jax
import jax.numpy as jnp
from jax import lax
from jax.experimental import pallas as pl
from jax.experimental.pallas import tpu as pltpu
from jax.experimental.pallas import tpu_sc as plsc

N = 1048576
C = 20
NUM_BINS = 20

NSC = 131072
NTC = N - NSC

SB = 65536
GRID = NTC // SB
TROWS = 128
TCOLS = N // TROWS

NC, NS = 2, 16
NW = NC * NS
PERW = NSC // NW
CH = 2048
NCHUNK = PERW // CH

_LN2 = 0.6931471805599453


def _ce_tc_kernel(x_ref, t_ref, ones_ref, out_ref):
    i = pl.program_id(0)
    x = x_ref[...]
    e = jnp.exp(x)
    se = jnp.dot(ones_ref[...], e, preferred_element_type=jnp.float32)
    lse_sum = jnp.sum(jnp.log(se))

    t8 = t_ref[...]
    y8 = jnp.clip(jnp.ceil((t8 + 1.0) * 10.0), 0.0, float(NUM_BINS - 1))
    y = y8.reshape(1, SB).astype(jnp.int32)
    cls = jax.lax.broadcasted_iota(jnp.int32, (C, SB), 0)
    ll_sum = jnp.sum(jnp.where(cls == y, x, 0.0))

    @pl.when(i == 0)
    def _init():
        out_ref[0, 0] = 0.0

    out_ref[0, 0] += lse_sum - ll_sum


def _log16(v):
    bits = lax.bitcast_convert_type(v, jnp.int32)
    expo = lax.shift_right_logical(bits, 23) - 127
    m = lax.bitcast_convert_type(
        lax.bitwise_or(lax.bitwise_and(bits, 0x7FFFFF), 0x3F800000),
        jnp.float32)
    z = (m - 1.0) / (m + 1.0)
    z2 = z * z
    p = 1.0 + z2 * (1.0 / 3.0 + z2 * (1.0 / 5.0 + z2 * (1.0 / 7.0 + z2 / 9.0)))
    return expo.astype(jnp.float32) * _LN2 + 2.0 * z * p


def _ce_sc_kernel(x_hbm, t_hbm, out_hbm, x_v, t_v, acc_v, sem):
    wid = lax.axis_index("s") * NC + lax.axis_index("c")
    base = NTC + wid * PERW
    zero = jnp.zeros((16,), jnp.float32)
    acc_v[...] = zero
    for j in range(NCHUNK):
        cbase = base + j * CH
        copies = [pltpu.async_copy(x_hbm.at[c, pl.ds(cbase, CH)],
                                   x_v.at[pl.ds(c * CH, CH)], sem)
                  for c in range(C)]
        pltpu.sync_copy(t_hbm.at[pl.ds(cbase, CH)], t_v)
        for cp in copies:
            cp.wait()

        def body(g, acc):
            off = g * 16
            t16 = t_v[pl.ds(off, 16)]
            v = (t16 + 1.0) * 10.0
            vi = v.astype(jnp.int32)
            vf = vi.astype(jnp.float32)
            yc = vi + jnp.where(v > vf, 1, 0)
            y = jnp.minimum(jnp.maximum(yc, 0), NUM_BINS - 1)
            se = zero
            ll = zero
            for c in range(C):
                xc = x_v[pl.ds(c * CH + off, 16)]
                se = se + jnp.exp(xc)
                ll = ll + jnp.where(y == c, xc, 0.0)
            return acc + _log16(se) - ll

        acc_v[...] = lax.fori_loop(0, CH // 16, body, acc_v[...])
    pltpu.sync_copy(acc_v, out_hbm.at[wid])


def _sc_call(xt, target):
    mesh = plsc.VectorSubcoreMesh(core_axis_name="c", subcore_axis_name="s")
    fn = functools.partial(
        pl.kernel, mesh=mesh,
        out_type=jax.ShapeDtypeStruct((NW, 16), jnp.float32),
        scratch_types=[
            pltpu.VMEM((C * CH,), jnp.float32),
            pltpu.VMEM((CH,), jnp.float32),
            pltpu.VMEM((16,), jnp.float32),
            pltpu.SemaphoreType.DMA,
        ],
    )(_ce_sc_kernel)
    return fn(xt, target)


def kernel(input, target):
    xt = input.T
    tp = target.reshape(TROWS, TCOLS)
    ones = jnp.ones((1, C), jnp.float32)
    sc_parts = _sc_call(xt, target)
    tc_sum = pl.pallas_call(
        _ce_tc_kernel,
        grid=(GRID,),
        in_specs=[
            pl.BlockSpec((C, SB), lambda i: (0, i)),
            pl.BlockSpec((SB // TCOLS, TCOLS), lambda i: (i, 0)),
            pl.BlockSpec((1, C), lambda i: (0, 0)),
        ],
        out_specs=pl.BlockSpec((1, 1), lambda i: (0, 0), memory_space=pltpu.SMEM),
        out_shape=jax.ShapeDtypeStruct((1, 1), jnp.float32),
    )(xt, tp, ones)
    return (tc_sum[0, 0] + jnp.sum(sc_parts)) / N

# --- scband reference (transcript-rebuilt; emitter-appended) ---
"""Pipeline reference for scband-custom-cross-entropy-loss-87608742904251 (READ-ONLY COPY).

The authoritative reference and input builder live on the scoring server;
editing this copy changes nothing except your own understanding.
"""

import jax, jax.numpy as jnp
import numpy as np

DIGITIZE_NUM = 20
EDGES = jnp.linspace(-1.0, 1.0, DIGITIZE_NUM + 1)


def setup_inputs(seed: int = 0) -> dict:
    key = jax.random.key(seed)
    k1, k2 = jax.random.split(key)
    inp = jax.random.normal(k1, (1048576, 20), dtype=jnp.float32)
    # continuous regression-style targets; rand in [0,1) lies inside bin range [-1,1]
    target = jax.random.uniform(k2, (1048576,), dtype=jnp.float32)
    return {"input": inp, "target": target}


def reference(input, target):
    # target.view(-1)
    t = target.reshape(-1)
    # torch.bucketize(t, edges) with right=False == searchsorted side='left'
    y = jnp.searchsorted(EDGES, t, side='left')
    # y[y == digitize_num] = digitize_num - 1
    y = jnp.where(y == DIGITIZE_NUM, DIGITIZE_NUM - 1, y).astype(jnp.int32)
    # F.cross_entropy(input, y) with mean reduction
    logz = jax.nn.logsumexp(input, axis=-1)
    ll = jnp.take_along_axis(input, y[:, None], axis=1)[:, 0]
    return jnp.mean(logz - ll)

if __name__ == "__main__":
    import jax
    _d = setup_inputs()
    print(jax.jit(kernel)(*tuple(_d.values())))

</pallas_src>

<mosaic_0001>
#map = affine_map<(d0, d1) -> (0, 0)>
#map1 = affine_map<(d0, d1) -> (0)>
module attributes {stable_mosaic.version = 14 : i64} {
  func.func @_ce_sc_kernel(%arg0: i32, %arg1: i32, %arg2: memref<20x1048576xf32, #tpu.memory_space<hbm>>, %arg3: memref<1048576xf32, #tpu.memory_space<hbm>>, %arg4: memref<32x16xf32, #tpu.memory_space<hbm>>, %arg5: memref<40960xf32, #tpu.memory_space<vmem>>, %arg6: memref<2048xf32, #tpu.memory_space<vmem>>, %arg7: memref<16xf32, #tpu.memory_space<vmem>>, %arg8: memref<!tpu.dma_semaphore, #tpu.memory_space<semaphore_mem>>) attributes {dimension_semantics = [#tpu.dimension_semantics<core_parallel>, #tpu.dimension_semantics<subcore_parallel>], iteration_bounds = array<i64: 2, 16>, scalar_prefetch = 0 : i64, scratch_operands = 4 : i64, tpu.core_type = #tpu.core_type<sc_vector_subcore>, window_params = [{transform_indices = #map}, {transform_indices = #map1}, {transform_indices = #map}]} {
    %mul3A = arith.constant 2 : i32
    %mul3A_0 = arith.muli %arg1, %mul3A : i32
    %add3A = arith.addi %mul3A_0, %arg0 : i32
    %mul3A_1 = arith.constant 4096 : i32
    %mul3A_2 = arith.muli %add3A, %mul3A_1 : i32
    %add3A_3 = arith.constant 917504 : i32
    %add3A_4 = arith.addi %add3A_3, %mul3A_2 : i32
    %broadcast_in_dim3A = arith.constant 0.000000e+00 : f32
    %broadcast_in_dim3A_5 = vector.broadcast %broadcast_in_dim3A : f32 to vector<16xf32>
    %swap3A = arith.constant 0 : index
    %swap3A_6 = tpu.vector_load %arg7[%swap3A] {strides = array<i32>} : memref<16xf32, #tpu.memory_space<vmem>>, vector<16xf32>,
    %swap3A_7 = vector.shape_cast %swap3A_6 : vector<16xf32> to vector<16xf32>
    %swap3A_8 = vector.shape_cast %broadcast_in_dim3A_5 : vector<16xf32> to vector<16xf32>
    tpu.vector_store %arg7[%swap3A], %swap3A_8 {strides = array<i32>} : memref<16xf32, #tpu.memory_space<vmem>>, vector<16xf32>,
    %add3A_9 = arith.constant 0 : i32
    %add3A_10 = arith.addi %add3A_4, %add3A_9 : i32
    %dma_start3A = arith.constant 0 : i32
    %dma_start3A_11 = arith.constant 0 : i32
    %dma_start3A_12 = tpu.memref_slice %arg5[%dma_start3A_11] : memref<40960xf32, #tpu.memory_space<vmem>> -> memref<2048xf32, #tpu.memory_space<vmem>>
    %dma_start3A_13 = tpu.memref_slice %arg2[%dma_start3A, %add3A_10] : memref<20x1048576xf32, #tpu.memory_space<hbm>> -> memref<1x2048xf32, #tpu.memory_space<hbm>>
    %dma_start3A_14 = tpu.memref_squeeze %dma_start3A_13 : memref<1x2048xf32, #tpu.memory_space<hbm>> -> memref<2048xf32, #tpu.memory_space<hbm>>
    %dma_start3A_15 = arith.constant 0 : i32
    %dma_start3A_16 = tpu.memref_slice %arg5[%dma_start3A_15] : memref<40960xf32, #tpu.memory_space<vmem>> -> memref<2048xf32, #tpu.memory_space<vmem>>
    %dma_start3A_17 = tpu.memref_slice %arg2[%dma_start3A, %add3A_10] : memref<20x1048576xf32, #tpu.memory_space<hbm>> -> memref<1x2048xf32, #tpu.memory_space<hbm>>
    %dma_start3A_18 = tpu.memref_squeeze %dma_start3A_17 : memref<1x2048xf32, #tpu.memory_space<hbm>> -> memref<2048xf32, #tpu.memory_space<hbm>>
    tpu.enqueue_dma source(%dma_start3A_18 : memref<2048xf32, #tpu.memory_space<hbm>>) target(%dma_start3A_16 : memref<2048xf32, #tpu.memory_space<vmem>>) target_semaphore(%arg8 : memref<!tpu.dma_semaphore, #tpu.memory_space<semaphore_mem>>)
    %dma_start3A_19 = arith.constant 1 : i32
    %dma_start3A_20 = arith.constant 2048 : i32
    %dma_start3A_21 = tpu.memref_slice %arg5[%dma_start3A_20] : memref<40960xf32, #tpu.memory_space<vmem>> -> memref<2048xf32, #tpu.memory_space<vmem>>
    %dma_start3A_22 = tpu.memref_slice %arg2[%dma_start3A_19, %add3A_10] : memref<20x1048576xf32, #tpu.memory_space<hbm>> -> memref<1x2048xf32, #tpu.memory_space<hbm>>
    %dma_start3A_23 = tpu.memref_squeeze %dma_start3A_22 : memref<1x2048xf32, #tpu.memory_space<hbm>> -> memref<2048xf32, #tpu.memory_space<hbm>>
    %dma_start3A_24 = arith.constant 2048 : i32
    %dma_start3A_25 = tpu.memref_slice %arg5[%dma_start3A_24] : memref<40960xf32, #tpu.memory_space<vmem>> -> memref<2048xf32, #tpu.memory_space<vmem>>
    %dma_start3A_26 = tpu.memref_slice %arg2[%dma_start3A_19, %add3A_10] : memref<20x1048576xf32, #tpu.memory_space<hbm>> -> memref<1x2048xf32, #tpu.memory_space<hbm>>
    %dma_start3A_27 = tpu.memref_squeeze %dma_start3A_26 : memref<1x2048xf32, #tpu.memory_space<hbm>> -> memref<2048xf32, #tpu.memory_space<hbm>>
    tpu.enqueue_dma source(%dma_start3A_27 : memref<2048xf32, #tpu.memory_space<hbm>>) target(%dma_start3A_25 : memref<2048xf32, #tpu.memory_space<vmem>>) target_semaphore(%arg8 : memref<!tpu.dma_semaphore, #tpu.memory_space<semaphore_mem>>)
    %dma_start3A_28 = arith.constant 2 : i32
    %dma_start3A_29 = arith.constant 4096 : i32
    %dma_start3A_30 = tpu.memref_slice %arg5[%dma_start3A_29] : memref<40960xf32, #tpu.memory_space<vmem>> -> memref<2048xf32, #tpu.memory_space<vmem>>
    %dma_start3A_31 = tpu.memref_slice %arg2[%dma_start3A_28, %add3A_10] : memref<20x1048576xf32, #tpu.memory_space<hbm>> -> memref<1x2048xf32, #tpu.memory_space<hbm>>
    %dma_start3A_32 = tpu.memref_squeeze %dma_start3A_31 : memref<1x2048xf32, #tpu.memory_space<hbm>> -> memref<2048xf32, #tpu.memory_space<hbm>>
    %dma_start3A_33 = arith.constant 4096 : i32
    %dma_start3A_34 = tpu.memref_slice %arg5[%dma_start3A_33] : memref<40960xf32, #tpu.memory_space<vmem>> -> memref<2048xf32, #tpu.memory_space<vmem>>
    %dma_start3A_35 = tpu.memref_slice %arg2[%dma_start3A_28, %add3A_10] : memref<20x1048576xf32, #tpu.memory_space<hbm>> -> memref<1x2048xf32, #tpu.memory_space<hbm>>
    %dma_start3A_36 = tpu.memref_squeeze %dma_start3A_35 : memref<1x2048xf32, #tpu.memory_space<hbm>> -> memref<2048xf32, #tpu.memory_space<hbm>>
    tpu.enqueue_dma source(%dma_start3A_36 : memref<2048xf32, #tpu.memory_space<hbm>>) target(%dma_start3A_34 : memref<2048xf32, #tpu.memory_space<vmem>>) target_semaphore(%arg8 : memref<!tpu.dma_semaphore, #tpu.memory_space<semaphore_mem>>)
    %dma_start3A_37 = arith.constant 3 : i32
    %dma_start3A_38 = arith.constant 6144 : i32
    %dma_start3A_39 = tpu.memref_slice %arg5[%dma_start3A_38] : memref<40960xf32, #tpu.memory_space<vmem>> -> memref<2048xf32, #tpu.memory_space<vmem>>
    %dma_start3A_40 = tpu.memref_slice %arg2[%dma_start3A_37, %add3A_10] : memref<20x1048576xf32, #tpu.memory_space<hbm>> -> memref<1x2048xf32, #tpu.memory_space<hbm>>
    %dma_start3A_41 = tpu.memref_squeeze %dma_start3A_40 : memref<1x2048xf32, #tpu.memory_space<hbm>> -> memref<2048xf32, #tpu.memory_space<hbm>>
    %dma_start3A_42 = arith.constant 6144 : i32
    %dma_start3A_43 = tpu.memref_slice %arg5[%dma_start3A_42] : memref<40960xf32, #tpu.memory_space<vmem>> -> memref<2048xf32, #tpu.memory_space<vmem>>
    %dma_start3A_44 = tpu.memref_slice %arg2[%dma_start3A_37, %add3A_10] : memref<20x1048576xf32, #tpu.memory_space<hbm>> -> memref<1x2048xf32, #tpu.memory_space<hbm>>
    %dma_start3A_45 = tpu.memref_squeeze %dma_start3A_44 : memref<1x2048xf32, #tpu.memory_space<hbm>> -> memref<2048xf32, #tpu.memory_space<hbm>>
    tpu.enqueue_dma source(%dma_start3A_45 : memref<2048xf32, #tpu.memory_space<hbm>>) target(%dma_start3A_43 : memref<2048xf32, #tpu.memory_space<vmem>>) target_semaphore(%arg8 : memref<!tpu.dma_semaphore, #tpu.memory_space<semaphore_mem>>)
    %dma_start3A_46 = arith.constant 4 : i32
    %dma_start3A_47 = arith.constant 8192 : i32
    %dma_start3A_48 = tpu.memref_slice %arg5[%dma_start3A_47] : memref<40960xf32, #tpu.memory_space<vmem>> -> memref<2048xf32, #tpu.memory_space<vmem>>
    %dma_start3A_49 = tpu.memref_slice %arg2[%dma_start3A_46, %add3A_10] : memref<20x1048576xf32, #tpu.memory_space<hbm>> -> memref<1x2048xf32, #tpu.memory_space<hbm>>
    %dma_start3A_50 = tpu.memref_squeeze %dma_start3A_49 : memref<1x2048xf32, #tpu.memory_space<hbm>> -> memref<2048xf32, #tpu.memory_space<hbm>>
    %dma_start3A_51 = arith.constant 8192 : i32
    %dma_start3A_52 = tpu.memref_slice %arg5[%dma_start3A_51] : memref<40960xf32, #tpu.memory_space<vmem>> -> memref<2048xf32, #tpu.memory_space<vmem>>
    %dma_start3A_53 = tpu.memref_slice %arg2[%dma_start3A_46, %add3A_10] : memref<20x1048576xf32, #tpu.memory_space<hbm>> -> memref<1x2048xf32, #tpu.memory_space<hbm>>
    %dma_start3A_54 = tpu.memref_squeeze %dma_start3A_53 : memref<1x2048xf32, #tpu.memory_space<hbm>> -> memref<2048xf32, #tpu.memory_space<hbm>>
    tpu.enqueue_dma source(%dma_start3A_54 : memref<2048xf32, #tpu.memory_space<hbm>>) target(%dma_start3A_52 : memref<2048xf32, #tpu.memory_space<vmem>>) target_semaphore(%arg8 : memref<!tpu.dma_semaphore, #tpu.memory_space<semaphore_mem>>)
    %dma_start3A_55 = arith.constant 5 : i32
    %dma_start3A_56 = arith.constant 10240 : i32
    %dma_start3A_57 = tpu.memref_slice %arg5[%dma_start3A_56] : memref<40960xf32, #tpu.memory_space<vmem>> -> memref<2048xf32, #tpu.memory_space<vmem>>
    %dma_start3A_58 = tpu.memref_slice %arg2[%dma_start3A_55, %add3A_10] : memref<20x1048576xf32, #tpu.memory_space<hbm>> -> memref<1x2048xf32, #tpu.memory_space<hbm>>
    %dma_start3A_59 = tpu.memref_squeeze %dma_start3A_58 : memref<1x2048xf32, #tpu.memory_space<hbm>> -> memref<2048xf32, #tpu.memory_space<hbm>>
    %dma_start3A_60 = arith.constant 10240 : i32
    %dma_start3A_61 = tpu.memref_slice %arg5[%dma_start3A_60] : memref<40960xf32, #tpu.memory_space<vmem>> -> memref<2048xf32, #tpu.memory_space<vmem>>
    %dma_start3A_62 = tpu.memref_slice %arg2[%dma_start3A_55, %add3A_10] : memref<20x1048576xf32, #tpu.memory_space<hbm>> -> memref<1x2048xf32, #tpu.memory_space<hbm>>
    %dma_start3A_63 = tpu.memref_squeeze %dma_start3A_62 : memref<1x2048xf32, #tpu.memory_space<hbm>> -> memref<2048xf32, #tpu.memory_space<hbm>>
    tpu.enqueue_dma source(%dma_start3A_63 : memref<2048xf32, #tpu.memory_space<hbm>>) target(%dma_start3A_61 : memref<2048xf32, #tpu.memory_space<vmem>>) target_semaphore(%arg8 : memref<!tpu.dma_semaphore, #tpu.memory_space<semaphore_mem>>)
    %dma_start3A_64 = arith.constant 6 : i32
    %dma_start3A_65 = arith.constant 12288 : i32
    %dma_start3A_66 = tpu.memref_slice %arg5[%dma_start3A_65] : memref<40960xf32, #tpu.memory_space<vmem>> -> memref<2048xf32, #tpu.memory_space<vmem>>
    %dma_start3A_67 = tpu.memref_slice %arg2[%dma_start3A_64, %add3A_10] : memref<20x1048576xf32, #tpu.memory_space<hbm>> -> memref<1x2048xf32, #tpu.memory_space<hbm>>
    %dma_start3A_68 = tpu.memref_squeeze %dma_start3A_67 : memref<1x2048xf32, #tpu.memory_space<hbm>> -> memref<2048xf32, #tpu.memory_space<hbm>>
    %dma_start3A_69 = arith.constant 12288 : i32
    %dma_start3A_70 = tpu.memref_slice %arg5[%dma_start3A_69] : memref<40960xf32, #tpu.memory_space<vmem>> -> memref<2048xf32, #tpu.memory_space<vmem>>
    %dma_start3A_71 = tpu.memref_slice %arg2[%dma_start3A_64, %add3A_10] : memref<20x1048576xf32, #tpu.memory_space<hbm>> -> memref<1x2048xf32, #tpu.memory_space<hbm>>
    %dma_start3A_72 = tpu.memref_squeeze %dma_start3A_71 : memref<1x2048xf32, #tpu.memory_space<hbm>> -> memref<2048xf32, #tpu.memory_space<hbm>>
    tpu.enqueue_dma source(%dma_start3A_72 : memref<2048xf32, #tpu.memory_space<hbm>>) target(%dma_start3A_70 : memref<2048xf32, #tpu.memory_space<vmem>>) target_semaphore(%arg8 : memref<!tpu.dma_semaphore, #tpu.memory_space<semaphore_mem>>)
    %dma_start3A_73 = arith.constant 7 : i32
    %dma_start3A_74 = arith.constant 14336 : i32
    %dma_start3A_75 = tpu.memref_slice %arg5[%dma_start3A_74] : memref<40960xf32, #tpu.memory_space<vmem>> -> memref<2048xf32, #tpu.memory_space<vmem>>
    %dma_start3A_76 = tpu.memref_slice %arg2[%dma_start3A_73, %add3A_10] : memref<20x1048576xf32, #tpu.memory_space<hbm>> -> memref<1x2048xf32, #tpu.memory_space<hbm>>
    %dma_start3A_77 = tpu.memref_squeeze %dma_start3A_76 : memref<1x2048xf32, #tpu.memory_space<hbm>> -> memref<2048xf32, #tpu.memory_space<hbm>>
    %dma_start3A_78 = arith.constant 14336 : i32
    %dma_start3A_79 = tpu.memref_slice %arg5[%dma_start3A_78] : memref<40960xf32, #tpu.memory_space<vmem>> -> memref<2048xf32, #tpu.memory_space<vmem>>
    %dma_start3A_80 = tpu.memref_slice %arg2[%dma_start3A_73, %add3A_10] : memref<20x1048576xf32, #tpu.memory_space<hbm>> -> memref<1x2048xf32, #tpu.memory_space<hbm>>
    %dma_start3A_81 = tpu.memref_squeeze %dma_start3A_80 : memref<1x2048xf32, #tpu.memory_space<hbm>> -> memref<2048xf32, #tpu.memory_space<hbm>>
    tpu.enqueue_dma source(%dma_start3A_81 : memref<2048xf32, #tpu.memory_space<hbm>>) target(%dma_start3A_79 : memref<2048xf32, #tpu.memory_space<vmem>>) target_semaphore(%arg8 : memref<!tpu.dma_semaphore, #tpu.memory_space<semaphore_mem>>)
    %dma_start3A_82 = arith.constant 8 : i32
    %dma_start3A_83 = arith.constant 16384 : i32
    %dma_start3A_84 = tpu.memref_slice %arg5[%dma_start3A_83] : memref<40960xf32, #tpu.memory_space<vmem>> -> memref<2048xf32, #tpu.memory_space<vmem>>
    %dma_start3A_85 = tpu.memref_slice %arg2[%dma_start3A_82, %add3A_10] : memref<20x1048576xf32, #tpu.memory_space<hbm>> -> memref<1x2048xf32, #tpu.memory_space<hbm>>
    %dma_start3A_86 = tpu.memref_squeeze %dma_start3A_85 : memref<1x2048xf32, #tpu.memory_space<hbm>> -> memref<2048xf32, #tpu.memory_space<hbm>>
    %dma_start3A_87 = arith.constant 16384 : i32
    %dma_start3A_88 = tpu.memref_slice %arg5[%dma_start3A_87] : memref<40960xf32, #tpu.memory_space<vmem>> -> memref<2048xf32, #tpu.memory_space<vmem>>
    %dma_start3A_89 = tpu.memref_slice %arg2[%dma_start3A_82, %add3A_10] : memref<20x1048576xf32, #tpu.memory_space<hbm>> -> memref<1x2048xf32, #tpu.memory_space<hbm>>
    %dma_start3A_90 = tpu.memref_squeeze %dma_start3A_89 : memref<1x2048xf32, #tpu.memory_space<hbm>> -> memref<2048xf32, #tpu.memory_space<hbm>>
    tpu.enqueue_dma source(%dma_start3A_90 : memref<2048xf32, #tpu.memory_space<hbm>>) target(%dma_start3A_88 : memref<2048xf32, #tpu.memory_space<vmem>>) target_semaphore(%arg8 : memref<!tpu.dma_semaphore, #tpu.memory_space<semaphore_mem>>)
    %dma_start3A_91 = arith.constant 9 : i32
    %dma_start3A_92 = arith.constant 18432 : i32
    %dma_start3A_93 = tpu.memref_slice %arg5[%dma_start3A_92] : memref<40960xf32, #tpu.memory_space<vmem>> -> memref<2048xf32, #tpu.memory_space<vmem>>
    %dma_start3A_94 = tpu.memref_slice %arg2[%dma_start3A_91, %add3A_10] : memref<20x1048576xf32, #tpu.memory_space<hbm>> -> memref<1x2048xf32, #tpu.memory_space<hbm>>
    %dma_start3A_95 = tpu.memref_squeeze %dma_start3A_94 : memref<1x2048xf32, #tpu.memory_space<hbm>> -> memref<2048xf32, #tpu.memory_space<hbm>>
    %dma_start3A_96 = arith.constant 18432 : i32
    %dma_start3A_97 = tpu.memref_slice %arg5[%dma_start3A_96] : memref<40960xf32, #tpu.memory_space<vmem>> -> memref<2048xf32, #tpu.memory_space<vmem>>
    %dma_start3A_98 = tpu.memref_slice %arg2[%dma_start3A_91, %add3A_10] : memref<20x1048576xf32, #tpu.memory_space<hbm>> -> memref<1x2048xf32, #tpu.memory_space<hbm>>
    %dma_start3A_99 = tpu.memref_squeeze %dma_start3A_98 : memref<1x2048xf32, #tpu.memory_space<hbm>> -> memref<2048xf32, #tpu.memory_space<hbm>>
    tpu.enqueue_dma source(%dma_start3A_99 : memref<2048xf32, #tpu.memory_space<hbm>>) target(%dma_start3A_97 : memref<2048xf32, #tpu.memory_space<vmem>>) target_semaphore(%arg8 : memref<!tpu.dma_semaphore, #tpu.memory_space<semaphore_mem>>)
    %dma_start3A_100 = arith.constant 10 : i32
    %dma_start3A_101 = arith.constant 20480 : i32
    %dma_start3A_102 = tpu.memref_slice %arg5[%dma_start3A_101] : memref<40960xf32, #tpu.memory_space<vmem>> -> memref<2048xf32, #tpu.memory_space<vmem>>
    %dma_start3A_103 = tpu.memref_slice %arg2[%dma_start3A_100, %add3A_10] : memref<20x1048576xf32, #tpu.memory_space<hbm>> -> memref<1x2048xf32, #tpu.memory_space<hbm>>
    %dma_start3A_104 = tpu.memref_squeeze %dma_start3A_103 : memref<1x2048xf32, #tpu.memory_space<hbm>> -> memref<2048xf32, #tpu.memory_space<hbm>>
    %dma_start3A_105 = arith.constant 20480 : i32
    %dma_start3A_106 = tpu.memref_slice %arg5[%dma_start3A_105] : memref<40960xf32, #tpu.memory_space<vmem>> -> memref<2048xf32, #tpu.memory_space<vmem>>
    %dma_start3A_107 = tpu.memref_slice %arg2[%dma_start3A_100, %add3A_10] : memref<20x1048576xf32, #tpu.memory_space<hbm>> -> memref<1x2048xf32, #tpu.memory_space<hbm>>
    %dma_start3A_108 = tpu.memref_squeeze %dma_start3A_107 : memref<1x2048xf32, #tpu.memory_space<hbm>> -> memref<2048xf32, #tpu.memory_space<hbm>>
    tpu.enqueue_dma source(%dma_start3A_108 : memref<2048xf32, #tpu.memory_space<hbm>>) target(%dma_start3A_106 : memref<2048xf32, #tpu.memory_space<vmem>>) target_semaphore(%arg8 : memref<!tpu.dma_semaphore, #tpu.memory_space<semaphore_mem>>)
    %dma_start3A_109 = arith.constant 11 : i32
    %dma_start3A_110 = arith.constant 22528 : i32
    %dma_start3A_111 = tpu.memref_slice %arg5[%dma_start3A_110] : memref<40960xf32, #tpu.memory_space<vmem>> -> memref<2048xf32, #tpu.memory_space<vmem>>
    %dma_start3A_112 = tpu.memref_slice %arg2[%dma_start3A_109, %add3A_10] : memref<20x1048576xf32, #tpu.memory_space<hbm>> -> memref<1x2048xf32, #tpu.memory_space<hbm>>
    %dma_start3A_113 = tpu.memref_squeeze %dma_start3A_112 : memref<1x2048xf32, #tpu.memory_space<hbm>> -> memref<2048xf32, #tpu.memory_space<hbm>>
    %dma_start3A_114 = arith.constant 22528 : i32
    %dma_start3A_115 = tpu.memref_slice %arg5[%dma_start3A_114] : memref<40960xf32, #tpu.memory_space<vmem>> -> memref<2048xf32, #tpu.memory_space<vmem>>
    %dma_start3A_116 = tpu.memref_slice %arg2[%dma_start3A_109, %add3A_10] : memref<20x1048576xf32, #tpu.memory_space<hbm>> -> memref<1x2048xf32, #tpu.memory_space<hbm>>
    %dma_start3A_117 = tpu.memref_squeeze %dma_start3A_116 : memref<1x2048xf32, #tpu.memory_space<hbm>> -> memref<2048xf32, #tpu.memory_space<hbm>>
    tpu.enqueue_dma source(%dma_start3A_117 : memref<2048xf32, #tpu.memory_space<hbm>>) target(%dma_start3A_115 : memref<2048xf32, #tpu.memory_space<vmem>>) target_semaphore(%arg8 : memref<!tpu.dma_semaphore, #tpu.memory_space<semaphore_mem>>)
    %dma_start3A_118 = arith.constant 12 : i32
    %dma_start3A_119 = arith.constant 24576 : i32
    %dma_start3A_120 = tpu.memref_slice %arg5[%dma_start3A_119] : memref<40960xf32, #tpu.memory_space<vmem>> -> memref<2048xf32, #tpu.memory_space<vmem>>
    %dma_start3A_121 = tpu.memref_slice %arg2[%dma_start3A_118, %add3A_10] : memref<20x1048576xf32, #tpu.memory_space<hbm>> -> memref<1x2048xf32, #tpu.memory_space<hbm>>
    %dma_start3A_122 = tpu.memref_squeeze %dma_start3A_121 : memref<1x2048xf32, #tpu.memory_space<hbm>> -> memref<2048xf32, #tpu.memory_space<hbm>>
    %dma_start3A_123 = arith.constant 24576 : i32
    %dma_start3A_124 = tpu.memref_slice %arg5[%dma_start3A_123] : memref<40960xf32, #tpu.memory_space<vmem>> -> memref<2048xf32, #tpu.memory_space<vmem>>
    %dma_start3A_125 = tpu.memref_slice %arg2[%dma_start3A_118, %add3A_10] : memref<20x1048576xf32, #tpu.memory_space<hbm>> -> memref<1x2048xf32, #tpu.memory_space<hbm>>
    %dma_start3A_126 = tpu.memref_squeeze %dma_start3A_125 : memref<1x2048xf32, #tpu.memory_space<hbm>> -> memref<2048xf32, #tpu.memory_space<hbm>>
    tpu.enqueue_dma source(%dma_start3A_126 : memref<2048xf32, #tpu.memory_space<hbm>>) target(%dma_start3A_124 : memref<2048xf32, #tpu.memory_space<vmem>>) target_semaphore(%arg8 : memref<!tpu.dma_semaphore, #tpu.memory_space<semaphore_mem>>)
    %dma_start3A_127 = arith.constant 13 : i32
    %dma_start3A_128 = arith.constant 26624 : i32
    %dma_start3A_129 = tpu.memref_slice %arg5[%dma_start3A_128] : memref<40960xf32, #tpu.memory_space<vmem>> -> memref<2048xf32, #tpu.memory_space<vmem>>
    %dma_start3A_130 = tpu.memref_slice %arg2[%dma_start3A_127, %add3A_10] : memref<20x1048576xf32, #tpu.memory_space<hbm>> -> memref<1x2048xf32, #tpu.memory_space<hbm>>
    %dma_start3A_131 = tpu.memref_squeeze %dma_start3A_130 : memref<1x2048xf32, #tpu.memory_space<hbm>> -> memref<2048xf32, #tpu.memory_space<hbm>>
    %dma_start3A_132 = arith.constant 26624 : i32
    %dma_start3A_133 = tpu.memref_slice %arg5[%dma_start3A_132] : memref<40960xf32, #tpu.memory_space<vmem>> -> memref<2048xf32, #tpu.memory_space<vmem>>
    %dma_start3A_134 = tpu.memref_slice %arg2[%dma_start3A_127, %add3A_10] : memref<20x1048576xf32, #tpu.memory_space<hbm>> -> memref<1x2048xf32, #tpu.memory_space<hbm>>
    %dma_start3A_135 = tpu.memref_squeeze %dma_start3A_134 : memref<1x2048xf32, #tpu.memory_space<hbm>> -> memref<2048xf32, #tpu.memory_space<hbm>>
    tpu.enqueue_dma source(%dma_start3A_135 : memref<2048xf32, #tpu.memory_space<hbm>>) target(%dma_start3A_133 : memref<2048xf32, #tpu.memory_space<vmem>>) target_semaphore(%arg8 : memref<!tpu.dma_semaphore, #tpu.memory_space<semaphore_mem>>)
    %dma_start3A_136 = arith.constant 14 : i32
    %dma_start3A_137 = arith.constant 28672 : i32
    %dma_start3A_138 = tpu.memref_slice %arg5[%dma_start3A_137] : memref<40960xf32, #tpu.memory_space<vmem>> -> memref<2048xf32, #tpu.memory_space<vmem>>
    %dma_start3A_139 = tpu.memref_slice %arg2[%dma_start3A_136, %add3A_10] : memref<20x1048576xf32, #tpu.memory_space<hbm>> -> memref<1x2048xf32, #tpu.memory_space<hbm>>
    %dma_start3A_140 = tpu.memref_squeeze %dma_start3A_139 : memref<1x2048xf32, #tpu.memory_space<hbm>> -> memref<2048xf32, #tpu.memory_space<hbm>>
    %dma_start3A_141 = arith.constant 28672 : i32
    %dma_start3A_142 = tpu.memref_slice %arg5[%dma_start3A_141] : memref<40960xf32, #tpu.memory_space<vmem>> -> memref<2048xf32, #tpu.memory_space<vmem>>
    %dma_start3A_143 = tpu.memref_slice %arg2[%dma_start3A_136, %add3A_10] : memref<20x1048576xf32, #tpu.memory_space<hbm>> -> memref<1x2048xf32, #tpu.memory_space<hbm>>
    %dma_start3A_144 = tpu.memref_squeeze %dma_start3A_143 : memref<1x2048xf32, #tpu.memory_space<hbm>> -> memref<2048xf32, #tpu.memory_space<hbm>>
    tpu.enqueue_dma source(%dma_start3A_144 : memref<2048xf32, #tpu.memory_space<hbm>>) target(%dma_start3A_142 : memref<2048xf32, #tpu.memory_space<vmem>>) target_semaphore(%arg8 : memref<!tpu.dma_semaphore, #tpu.memory_space<semaphore_mem>>)
    %dma_start3A_145 = arith.constant 15 : i32
    %dma_start3A_146 = arith.constant 30720 : i32
    %dma_start3A_147 = tpu.memref_slice %arg5[%dma_start3A_146] : memref<40960xf32, #tpu.memory_space<vmem>> -> memref<2048xf32, #tpu.memory_space<vmem>>
    %dma_start3A_148 = tpu.memref_slice %arg2[%dma_start3A_145, %add3A_10] : memref<20x1048576xf32, #tpu.memory_space<hbm>> -> memref<1x2048xf32, #tpu.memory_space<hbm>>
    %dma_start3A_149 = tpu.memref_squeeze %dma_start3A_148 : memref<1x2048xf32, #tpu.memory_space<hbm>> -> memref<2048xf32, #tpu.memory_space<hbm>>
    %dma_start3A_150 = arith.constant 30720 : i32
    %dma_start3A_151 = tpu.memref_slice %arg5[%dma_start3A_150] : memref<40960xf32, #tpu.memory_space<vmem>> -> memref<2048xf32, #tpu.memory_space<vmem>>
    %dma_start3A_152 = tpu.memref_slice %arg2[%dma_start3A_145, %add3A_10] : memref<20x1048576xf32, #tpu.memory_space<hbm>> -> memref<1x2048xf32, #tpu.memory_space<hbm>>
    %dma_start3A_153 = tpu.memref_squeeze %dma_start3A_152 : memref<1x2048xf32, #tpu.memory_space<hbm>> -> memref<2048xf32, #tpu.memory_space<hbm>>
    tpu.enqueue_dma source(%dma_start3A_153 : memref<2048xf32, #tpu.memory_space<hbm>>) target(%dma_start3A_151 : memref<2048xf32, #tpu.memory_space<vmem>>) target_semaphore(%arg8 : memref<!tpu.dma_semaphore, #tpu.memory_space<semaphore_mem>>)
    %dma_start3A_154 = arith.constant 16 : i32
    %dma_start3A_155 = arith.constant 32768 : i32
    %dma_start3A_156 = tpu.memref_slice %arg5[%dma_start3A_155] : memref<40960xf32, #tpu.memory_space<vmem>> -> memref<2048xf32, #tpu.memory_space<vmem>>
    %dma_start3A_157 = tpu.memref_slice %arg2[%dma_start3A_154, %add3A_10] : memref<20x1048576xf32, #tpu.memory_space<hbm>> -> memref<1x2048xf32, #tpu.memory_space<hbm>>
    %dma_start3A_158 = tpu.memref_squeeze %dma_start3A_157 : memref<1x2048xf32, #tpu.memory_space<hbm>> -> memref<2048xf32, #tpu.memory_space<hbm>>
    %dma_start3A_159 = arith.constant 32768 : i32
    %dma_start3A_160 = tpu.memref_slice %arg5[%dma_start3A_159] : memref<40960xf32, #tpu.memory_space<vmem>> -> memref<2048xf32, #tpu.memory_space<vmem>>
    %dma_start3A_161 = tpu.memref_slice %arg2[%dma_start3A_154, %add3A_10] : memref<20x1048576xf32, #tpu.memory_space<hbm>> -> memref<1x2048xf32, #tpu.memory_space<hbm>>
    %dma_start3A_162 = tpu.memref_squeeze %dma_start3A_161 : memref<1x2048xf32, #tpu.memory_space<hbm>> -> memref<2048xf32, #tpu.memory_space<hbm>>
    tpu.enqueue_dma source(%dma_start3A_162 : memref<2048xf32, #tpu.memory_space<hbm>>) target(%dma_start3A_160 : memref<2048xf32, #tpu.memory_space<vmem>>) target_semaphore(%arg8 : memref<!tpu.dma_semaphore, #tpu.memory_space<semaphore_mem>>)
    %dma_start3A_163 = arith.constant 17 : i32
    %dma_start3A_164 = arith.constant 34816 : i32
    %dma_start3A_165 = tpu.memref_slice %arg5[%dma_start3A_164] : memref<40960xf32, #tpu.memory_space<vmem>> -> memref<2048xf32, #tpu.memory_space<vmem>>
    %dma_start3A_166 = tpu.memref_slice %arg2[%dma_start3A_163, %add3A_10] : memref<20x1048576xf32, #tpu.memory_space<hbm>> -> memref<1x2048xf32, #tpu.memory_space<hbm>>
    %dma_start3A_167 = tpu.memref_squeeze %dma_start3A_166 : memref<1x2048xf32, #tpu.memory_space<hbm>> -> memref<2048xf32, #tpu.memory_space<hbm>>
    %dma_start3A_168 = arith.constant 34816 : i32
    %dma_start3A_169 = tpu.memref_slice %arg5[%dma_start3A_168] : memref<40960xf32, #tpu.memory_space<vmem>> -> memref<2048xf32, #tpu.memory_space<vmem>>
    %dma_start3A_170 = tpu.memref_slice %arg2[%dma_start3A_163, %add3A_10] : memref<20x1048576xf32, #tpu.memory_space<hbm>> -> memref<1x2048xf32, #tpu.memory_space<hbm>>
    %dma_start3A_171 = tpu.memref_squeeze %dma_start3A_170 : memref<1x2048xf32, #tpu.memory_space<hbm>> -> memref<2048xf32, #tpu.memory_space<hbm>>
    tpu.enqueue_dma source(%dma_start3A_171 : memref<2048xf32, #tpu.memory_space<hbm>>) target(%dma_start3A_169 : memref<2048xf32, #tpu.memory_space<vmem>>) target_semaphore(%arg8 : memref<!tpu.dma_semaphore, #tpu.memory_space<semaphore_mem>>)
    %dma_start3A_172 = arith.constant 18 : i32
    %dma_start3A_173 = arith.constant 36864 : i32
    %dma_start3A_174 = tpu.memref_slice %arg5[%dma_start3A_173] : memref<40960xf32, #tpu.memory_space<vmem>> -> memref<2048xf32, #tpu.memory_space<vmem>>
    %dma_start3A_175 = tpu.memref_slice %arg2[%dma_start3A_172, %add3A_10] : memref<20x1048576xf32, #tpu.memory_space<hbm>> -> memref<1x2048xf32, #tpu.memory_space<hbm>>
    %dma_start3A_176 = tpu.memref_squeeze %dma_start3A_175 : memref<1x2048xf32, #tpu.memory_space<hbm>> -> memref<2048xf32, #tpu.memory_space<hbm>>
    %dma_start3A_177 = arith.constant 36864 : i32
    %dma_start3A_178 = tpu.memref_slice %arg5[%dma_start3A_177] : memref<40960xf32, #tpu.memory_space<vmem>> -> memref<2048xf32, #tpu.memory_space<vmem>>
    %dma_start3A_179 = tpu.memref_slice %arg2[%dma_start3A_172, %add3A_10] : memref<20x1048576xf32, #tpu.memory_space<hbm>> -> memref<1x2048xf32, #tpu.memory_space<hbm>>
    %dma_start3A_180 = tpu.memref_squeeze %dma_start3A_179 : memref<1x2048xf32, #tpu.memory_space<hbm>> -> memref<2048xf32, #tpu.memory_space<hbm>>
    tpu.enqueue_dma source(%dma_start3A_180 : memref<2048xf32, #tpu.memory_space<hbm>>) target(%dma_start3A_178 : memref<2048xf32, #tpu.memory_space<vmem>>) target_semaphore(%arg8 : memref<!tpu.dma_semaphore, #tpu.memory_space<semaphore_mem>>)
    %dma_start3A_181 = arith.constant 19 : i32
    %dma_start3A_182 = arith.constant 38912 : i32
    %dma_start3A_183 = tpu.memref_slice %arg5[%dma_start3A_182] : memref<40960xf32, #tpu.memory_space<vmem>> -> memref<2048xf32, #tpu.memory_space<vmem>>
    %dma_start3A_184 = tpu.memref_slice %arg2[%dma_start3A_181, %add3A_10] : memref<20x1048576xf32, #tpu.memory_space<hbm>> -> memref<1x2048xf32, #tpu.memory_space<hbm>>
    %dma_start3A_185 = tpu.memref_squeeze %dma_start3A_184 : memref<1x2048xf32, #tpu.memory_space<hbm>> -> memref<2048xf32, #tpu.memory_space<hbm>>
    %dma_start3A_186 = arith.constant 38912 : i32
    %dma_start3A_187 = tpu.memref_slice %arg5[%dma_start3A_186] : memref<40960xf32, #tpu.memory_space<vmem>> -> memref<2048xf32, #tpu.memory_space<vmem>>
    %dma_start3A_188 = tpu.memref_slice %arg2[%dma_start3A_181, %add3A_10] : memref<20x1048576xf32, #tpu.memory_space<hbm>> -> memref<1x2048xf32, #tpu.memory_space<hbm>>
    %dma_start3A_189 = tpu.memref_squeeze %dma_start3A_188 : memref<1x2048xf32, #tpu.memory_space<hbm>> -> memref<2048xf32, #tpu.memory_space<hbm>>
    tpu.enqueue_dma source(%dma_start3A_189 : memref<2048xf32, #tpu.memory_space<hbm>>) target(%dma_start3A_187 : memref<2048xf32, #tpu.memory_space<vmem>>) target_semaphore(%arg8 : memref<!tpu.dma_semaphore, #tpu.memory_space<semaphore_mem>>)
    "tpu.region"() ({
      %run_scoped3A = tpu.sem_alloc : memref<!tpu.dma_semaphore, #tpu.memory_space<semaphore_mem>>
      %dma_start3A_755 = tpu.memref_slice %arg3[%add3A_10] : memref<1048576xf32, #tpu.memory_space<hbm>> -> memref<2048xf32, #tpu.memory_space<hbm>>
      %dma_start3A_756 = tpu.memref_slice %arg3[%add3A_10] : memref<1048576xf32, #tpu.memory_space<hbm>> -> memref<2048xf32, #tpu.memory_space<hbm>>
      tpu.enqueue_dma source(%dma_start3A_756 : memref<2048xf32, #tpu.memory_space<hbm>>) target(%arg6 : memref<2048xf32, #tpu.memory_space<vmem>>) target_semaphore(%run_scoped3A : memref<!tpu.dma_semaphore, #tpu.memory_space<semaphore_mem>>)
      %dma_wait3A_757 = tpu.memref_slice %arg3[%add3A_10] : memref<1048576xf32, #tpu.memory_space<hbm>> -> memref<2048xf32, #tpu.memory_space<hbm>>
      %dma_wait3A_758 = tpu.memref_slice %arg3[%add3A_10] : memref<1048576xf32, #tpu.memory_space<hbm>> -> memref<2048xf32, #tpu.memory_space<hbm>>
      tpu.wait_dma2 semaphore(%run_scoped3A : memref<!tpu.dma_semaphore, #tpu.memory_space<semaphore_mem>>) src(%dma_wait3A_758 : memref<2048xf32, #tpu.memory_space<hbm>>) dst(%arg6 : memref<2048xf32, #tpu.memory_space<vmem>>)
      tpu.yield
    }) : () -> ()
    %dma_wait3A = arith.constant 0 : i32
    %dma_wait3A_190 = arith.constant 0 : i32
    %dma_wait3A_191 = tpu.memref_slice %arg5[%dma_wait3A_190] : memref<40960xf32, #tpu.memory_space<vmem>> -> memref<2048xf32, #tpu.memory_space<vmem>>
    %dma_wait3A_192 = tpu.memref_slice %arg2[%dma_wait3A, %add3A_10] : memref<20x1048576xf32, #tpu.memory_space<hbm>> -> memref<1x2048xf32, #tpu.memory_space<hbm>>
    %dma_wait3A_193 = tpu.memref_squeeze %dma_wait3A_192 : memref<1x2048xf32, #tpu.memory_space<hbm>> -> memref<2048xf32, #tpu.memory_space<hbm>>
    %dma_wait3A_194 = arith.constant 0 : i32
    %dma_wait3A_195 = tpu.memref_slice %arg5[%dma_wait3A_194] : memref<40960xf32, #tpu.memory_space<vmem>> -> memref<2048xf32, #tpu.memory_space<vmem>>
    %dma_wait3A_196 = tpu.memref_slice %arg2[%dma_wait3A, %add3A_10] : memref<20x1048576xf32, #tpu.memory_space<hbm>> -> memref<1x2048xf32, #tpu.memory_space<hbm>>
    %dma_wait3A_197 = tpu.memref_squeeze %dma_wait3A_196 : memref<1x2048xf32, #tpu.memory_space<hbm>> -> memref<2048xf32, #tpu.memory_space<hbm>>
    tpu.wait_dma2 semaphore(%arg8 : memref<!tpu.dma_semaphore, #tpu.memory_space<semaphore_mem>>) src(%dma_wait3A_197 : memref<2048xf32, #tpu.memory_space<hbm>>) dst(%dma_wait3A_195 : memref<2048xf32, #tpu.memory_space<vmem>>)
    %dma_wait3A_198 = arith.constant 1 : i32
    %dma_wait3A_199 = arith.constant 2048 : i32
    %dma_wait3A_200 = tpu.memref_slice %arg5[%dma_wait3A_199] : memref<40960xf32, #tpu.memory_space<vmem>> -> memref<2048xf32, #tpu.memory_space<vmem>>
    %dma_wait3A_201 = tpu.memref_slice %arg2[%dma_wait3A_198, %add3A_10] : memref<20x1048576xf32, #tpu.memory_space<hbm>> -> memref<1x2048xf32, #tpu.memory_space<hbm>>
    %dma_wait3A_202 = tpu.memref_squeeze %dma_wait3A_201 : memref<1x2048xf32, #tpu.memory_space<hbm>> -> memref<2048xf32, #tpu.memory_space<hbm>>
    %dma_wait3A_203 = arith.constant 2048 : i32
    %dma_wait3A_204 = tpu.memref_slice %arg5[%dma_wait3A_203] : memref<40960xf32, #tpu.memory_space<vmem>> -> memref<2048xf32, #tpu.memory_space<vmem>>
    %dma_wait3A_205 = tpu.memref_slice %arg2[%dma_wait3A_198, %add3A_10] : memref<20x1048576xf32, #tpu.memory_space<hbm>> -> memref<1x2048xf32, #tpu.memory_space<hbm>>
    %dma_wait3A_206 = tpu.memref_squeeze %dma_wait3A_205 : memref<1x2048xf32, #tpu.memory_space<hbm>> -> memref<2048xf32, #tpu.memory_space<hbm>>
    tpu.wait_dma2 semaphore(%arg8 : memref<!tpu.dma_semaphore, #tpu.memory_space<semaphore_mem>>) src(%dma_wait3A_206 : memref<2048xf32, #tpu.memory_space<hbm>>) dst(%dma_wait3A_204 : memref<2048xf32, #tpu.memory_space<vmem>>)
    %dma_wait3A_207 = arith.constant 2 : i32
    %dma_wait3A_208 = arith.constant 4096 : i32
    %dma_wait3A_209 = tpu.memref_slice %arg5[%dma_wait3A_208] : memref<40960xf32, #tpu.memory_space<vmem>> -> memref<2048xf32, #tpu.memory_space<vmem>>
    %dma_wait3A_210 = tpu.memref_slice %arg2[%dma_wait3A_207, %add3A_10] : memref<20x1048576xf32, #tpu.memory_space<hbm>> -> memref<1x2048xf32, #tpu.memory_space<hbm>>
    %dma_wait3A_211 = tpu.memref_squeeze %dma_wait3A_210 : memref<1x2048xf32, #tpu.memory_space<hbm>> -> memref<2048xf32, #tpu.memory_space<hbm>>
    %dma_wait3A_212 = arith.constant 4096 : i32
    %dma_wait3A_213 = tpu.memref_slice %arg5[%dma_wait3A_212] : memref<40960xf32, #tpu.memory_space<vmem>> -> memref<2048xf32, #tpu.memory_space<vmem>>
    %dma_wait3A_214 = tpu.memref_slice %arg2[%dma_wait3A_207, %add3A_10] : memref<20x1048576xf32, #tpu.memory_space<hbm>> -> memref<1x2048xf32, #tpu.memory_space<hbm>>
    %dma_wait3A_215 = tpu.memref_squeeze %dma_wait3A_214 : memref<1x2048xf32, #tpu.memory_space<hbm>> -> memref<2048xf32, #tpu.memory_space<hbm>>
    tpu.wait_dma2 semaphore(%arg8 : memref<!tpu.dma_semaphore, #tpu.memory_space<semaphore_mem>>) src(%dma_wait3A_215 : memref<2048xf32, #tpu.memory_space<hbm>>) dst(%dma_wait3A_213 : memref<2048xf32, #tpu.memory_space<vmem>>)
    %dma_wait3A_216 = arith.constant 3 : i32
    %dma_wait3A_217 = arith.constant 6144 : i32
    %dma_wait3A_218 = tpu.memref_slice %arg5[%dma_wait3A_217] : memref<40960xf32, #tpu.memory_space<vmem>> -> memref<2048xf32, #tpu.memory_space<vmem>>
    %dma_wait3A_219 = tpu.memref_slice %arg2[%dma_wait3A_216, %add3A_10] : memref<20x1048576xf32, #tpu.memory_space<hbm>> -> memref<1x2048xf32, #tpu.memory_space<hbm>>
    %dma_wait3A_220 = tpu.memref_squeeze %dma_wait3A_219 : memref<1x2048xf32, #tpu.memory_space<hbm>> -> memref<2048xf32, #tpu.memory_space<hbm>>
    %dma_wait3A_221 = arith.constant 6144 : i32
    %dma_wait3A_222 = tpu.memref_slice %arg5[%dma_wait3A_221] : memref<40960xf32, #tpu.memory_space<vmem>> -> memref<2048xf32, #tpu.memory_space<vmem>>
    %dma_wait3A_223 = tpu.memref_slice %arg2[%dma_wait3A_216, %add3A_10] : memref<20x1048576xf32, #tpu.memory_space<hbm>> -> memref<1x2048xf32, #tpu.memory_space<hbm>>
    %dma_wait3A_224 = tpu.memref_squeeze %dma_wait3A_223 : memref<1x2048xf32, #tpu.memory_space<hbm>> -> memref<2048xf32, #tpu.memory_space<hbm>>
    tpu.wait_dma2 semaphore(%arg8 : memref<!tpu.dma_semaphore, #tpu.memory_space<semaphore_mem>>) src(%dma_wait3A_224 : memref<2048xf32, #tpu.memory_space<hbm>>) dst(%dma_wait3A_222 : memref<2048xf32, #tpu.memory_space<vmem>>)
    %dma_wait3A_225 = arith.constant 4 : i32
    %dma_wait3A_226 = arith.constant 8192 : i32
    %dma_wait3A_227 = tpu.memref_slice %arg5[%dma_wait3A_226] : memref<40960xf32, #tpu.memory_space<vmem>> -> memref<2048xf32, #tpu.memory_space<vmem>>
    %dma_wait3A_228 = tpu.memref_slice %arg2[%dma_wait3A_225, %add3A_10] : memref<20x1048576xf32, #tpu.memory_space<hbm>> -> memref<1x2048xf32, #tpu.memory_space<hbm>>
    %dma_wait3A_229 = tpu.memref_squeeze %dma_wait3A_228 : memref<1x2048xf32, #tpu.memory_space<hbm>> -> memref<2048xf32, #tpu.memory_space<hbm>>
    %dma_wait3A_230 = arith.constant 8192 : i32
    %dma_wait3A_231 = tpu.memref_slice %arg5[%dma_wait3A_230] : memref<40960xf32, #tpu.memory_space<vmem>> -> memref<2048xf32, #tpu.memory_space<vmem>>
    %dma_wait3A_232 = tpu.memref_slice %arg2[%dma_wait3A_225, %add3A_10] : memref<20x1048576xf32, #tpu.memory_space<hbm>> -> memref<1x2048xf32, #tpu.memory_space<hbm>>
    %dma_wait3A_233 = tpu.memref_squeeze %dma_wait3A_232 : memref<1x2048xf32, #tpu.memory_space<hbm>> -> memref<2048xf32, #tpu.memory_space<hbm>>
    tpu.wait_dma2 semaphore(%arg8 : memref<!tpu.dma_semaphore, #tpu.memory_space<semaphore_mem>>) src(%dma_wait3A_233 : memref<2048xf32, #tpu.memory_space<hbm>>) dst(%dma_wait3A_231 : memref<2048xf32, #tpu.memory_space<vmem>>)
    %dma_wait3A_234 = arith.constant 5 : i32
    %dma_wait3A_235 = arith.constant 10240 : i32
    %dma_wait3A_236 = tpu.memref_slice %arg5[%dma_wait3A_235] : memref<40960xf32, #tpu.memory_space<vmem>> -> memref<2048xf32, #tpu.memory_space<vmem>>
    %dma_wait3A_237 = tpu.memref_slice %arg2[%dma_wait3A_234, %add3A_10] : memref<20x1048576xf32, #tpu.memory_space<hbm>> -> memref<1x2048xf32, #tpu.memory_space<hbm>>
    %dma_wait3A_238 = tpu.memref_squeeze %dma_wait3A_237 : memref<1x2048xf32, #tpu.memory_space<hbm>> -> memref<2048xf32, #tpu.memory_space<hbm>>
    %dma_wait3A_239 = arith.constant 10240 : i32
    %dma_wait3A_240 = tpu.memref_slice %arg5[%dma_wait3A_239] : memref<40960xf32, #tpu.memory_space<vmem>> -> memref<2048xf32, #tpu.memory_space<vmem>>
    %dma_wait3A_241 = tpu.memref_slice %arg2[%dma_wait3A_234, %add3A_10] : memref<20x1048576xf32, #tpu.memory_space<hbm>> -> memref<1x2048xf32, #tpu.memory_space<hbm>>
    %dma_wait3A_242 = tpu.memref_squeeze %dma_wait3A_241 : memref<1x2048xf32, #tpu.memory_space<hbm>> -> memref<2048xf32, #tpu.memory_space<hbm>>
    tpu.wait_dma2 semaphore(%arg8 : memref<!tpu.dma_semaphore, #tpu.memory_space<semaphore_mem>>) src(%dma_wait3A_242 : memref<2048xf32, #tpu.memory_space<hbm>>) dst(%dma_wait3A_240 : memref<2048xf32, #tpu.memory_space<vmem>>)
    %dma_wait3A_243 = arith.constant 6 : i32
    %dma_wait3A_244 = arith.constant 12288 : i32
    %dma_wait3A_245 = tpu.memref_slice %arg5[%dma_wait3A_244] : memref<40960xf32, #tpu.memory_space<vmem>> -> memref<2048xf32, #tpu.memory_space<vmem>>
    %dma_wait3A_246 = tpu.memref_slice %arg2[%dma_wait3A_243, %add3A_10] : memref<20x1048576xf32, #tpu.memory_space<hbm>> -> memref<1x2048xf32, #tpu.memory_space<hbm>>
    %dma_wait3A_247 = tpu.memref_squeeze %dma_wait3A_246 : memref<1x2048xf32, #tpu.memory_space<hbm>> -> memref<2048xf32, #tpu.memory_space<hbm>>
    %dma_wait3A_248 = arith.constant 12288 : i32
    %dma_wait3A_249 = tpu.memref_slice %arg5[%dma_wait3A_248] : memref<40960xf32, #tpu.memory_space<vmem>> -> memref<2048xf32, #tpu.memory_space<vmem>>
    %dma_wait3A_250 = tpu.memref_slice %arg2[%dma_wait3A_243, %add3A_10] : memref<20x1048576xf32, #tpu.memory_space<hbm>> -> memref<1x2048xf32, #tpu.memory_space<hbm>>
    %dma_wait3A_251 = tpu.memref_squeeze %dma_wait3A_250 : memref<1x2048xf32, #tpu.memory_space<hbm>> -> memref<2048xf32, #tpu.memory_space<hbm>>
    tpu.wait_dma2 semaphore(%arg8 : memref<!tpu.dma_semaphore, #tpu.memory_space<semaphore_mem>>) src(%dma_wait3A_251 : memref<2048xf32, #tpu.memory_space<hbm>>) dst(%dma_wait3A_249 : memref<2048xf32, #tpu.memory_space<vmem>>)
    %dma_wait3A_252 = arith.constant 7 : i32
    %dma_wait3A_253 = arith.constant 14336 : i32
    %dma_wait3A_254 = tpu.memref_slice %arg5[%dma_wait3A_253] : memref<40960xf32, #tpu.memory_space<vmem>> -> memref<2048xf32, #tpu.memory_space<vmem>>
    %dma_wait3A_255 = tpu.memref_slice %arg2[%dma_wait3A_252, %add3A_10] : memref<20x1048576xf32, #tpu.memory_space<hbm>> -> memref<1x2048xf32, #tpu.memory_space<hbm>>
    %dma_wait3A_256 = tpu.memref_squeeze %dma_wait3A_255 : memref<1x2048xf32, #tpu.memory_space<hbm>> -> memref<2048xf32, #tpu.memory_space<hbm>>
    %dma_wait3A_257 = arith.constant 14336 : i32
    %dma_wait3A_258 = tpu.memref_slice %arg5[%dma_wait3A_257] : memref<40960xf32, #tpu.memory_space<vmem>> -> memref<2048xf32, #tpu.memory_space<vmem>>
    %dma_wait3A_259 = tpu.memref_slice %arg2[%dma_wait3A_252, %add3A_10] : memref<20x1048576xf32, #tpu.memory_space<hbm>> -> memref<1x2048xf32, #tpu.memory_space<hbm>>
    %dma_wait3A_260 = tpu.memref_squeeze %dma_wait3A_259 : memref<1x2048xf32, #tpu.memory_space<hbm>> -> memref<2048xf32, #tpu.memory_space<hbm>>
    tpu.wait_dma2 semaphore(%arg8 : memref<!tpu.dma_semaphore, #tpu.memory_space<semaphore_mem>>) src(%dma_wait3A_260 : memref<2048xf32, #tpu.memory_space<hbm>>) dst(%dma_wait3A_258 : memref<2048xf32, #tpu.memory_space<vmem>>)
    %dma_wait3A_261 = arith.constant 8 : i32
    %dma_wait3A_262 = arith.constant 16384 : i32
    %dma_wait3A_263 = tpu.memref_slice %arg5[%dma_wait3A_262] : memref<40960xf32, #tpu.memory_space<vmem>> -> memref<2048xf32, #tpu.memory_space<vmem>>
    %dma_wait3A_264 = tpu.memref_slice %arg2[%dma_wait3A_261, %add3A_10] : memref<20x1048576xf32, #tpu.memory_space<hbm>> -> memref<1x2048xf32, #tpu.memory_space<hbm>>
    %dma_wait3A_265 = tpu.memref_squeeze %dma_wait3A_264 : memref<1x2048xf32, #tpu.memory_space<hbm>> -> memref<2048xf32, #tpu.memory_space<hbm>>
    %dma_wait3A_266 = arith.constant 16384 : i32
    %dma_wait3A_267 = tpu.memref_slice %arg5[%dma_wait3A_266] : memref<40960xf32, #tpu.memory_space<vmem>> -> memref<2048xf32, #tpu.memory_space<vmem>>
    %dma_wait3A_268 = tpu.memref_slice %arg2[%dma_wait3A_261, %add3A_10] : memref<20x1048576xf32, #tpu.memory_space<hbm>> -> memref<1x2048xf32, #tpu.memory_space<hbm>>
    %dma_wait3A_269 = tpu.memref_squeeze %dma_wait3A_268 : memref<1x2048xf32, #tpu.memory_space<hbm>> -> memref<2048xf32, #tpu.memory_space<hbm>>
    tpu.wait_dma2 semaphore(%arg8 : memref<!tpu.dma_semaphore, #tpu.memory_space<semaphore_mem>>) src(%dma_wait3A_269 : memref<2048xf32, #tpu.memory_space<hbm>>) dst(%dma_wait3A_267 : memref<2048xf32, #tpu.memory_space<vmem>>)
    %dma_wait3A_270 = arith.constant 9 : i32
    %dma_wait3A_271 = arith.constant 18432 : i32
    %dma_wait3A_272 = tpu.memref_slice %arg5[%dma_wait3A_271] : memref<40960xf32, #tpu.memory_space<vmem>> -> memref<2048xf32, #tpu.memory_space<vmem>>
    %dma_wait3A_273 = tpu.memref_slice %arg2[%dma_wait3A_270, %add3A_10] : memref<20x1048576xf32, #tpu.memory_space<hbm>> -> memref<1x2048xf32, #tpu.memory_space<hbm>>
    %dma_wait3A_274 = tpu.memref_squeeze %dma_wait3A_273 : memref<1x2048xf32, #tpu.memory_space<hbm>> -> memref<2048xf32, #tpu.memory_space<hbm>>
    %dma_wait3A_275 = arith.constant 18432 : i32
    %dma_wait3A_276 = tpu.memref_slice %arg5[%dma_wait3A_275] : memref<40960xf32, #tpu.memory_space<vmem>> -> memref<2048xf32, #tpu.memory_space<vmem>>
    %dma_wait3A_277 = tpu.memref_slice %arg2[%dma_wait3A_270, %add3A_10] : memref<20x1048576xf32, #tpu.memory_space<hbm>> -> memref<1x2048xf32, #tpu.memory_space<hbm>>
    %dma_wait3A_278 = tpu.memref_squeeze %dma_wait3A_277 : memref<1x2048xf32, #tpu.memory_space<hbm>> -> memref<2048xf32, #tpu.memory_space<hbm>>
    tpu.wait_dma2 semaphore(%arg8 : memref<!tpu.dma_semaphore, #tpu.memory_space<semaphore_mem>>) src(%dma_wait3A_278 : memref<2048xf32, #tpu.memory_space<hbm>>) dst(%dma_wait3A_276 : memref<2048xf32, #tpu.memory_space<vmem>>)
    %dma_wait3A_279 = arith.constant 10 : i32
    %dma_wait3A_280 = arith.constant 20480 : i32
    %dma_wait3A_281 = tpu.memref_slice %arg5[%dma_wait3A_280] : memref<40960xf32, #tpu.memory_space<vmem>> -> memref<2048xf32, #tpu.memory_space<vmem>>
    %dma_wait3A_282 = tpu.memref_slice %arg2[%dma_wait3A_279, %add3A_10] : memref<20x1048576xf32, #tpu.memory_space<hbm>> -> memref<1x2048xf32, #tpu.memory_space<hbm>>
    %dma_wait3A_283 = tpu.memref_squeeze %dma_wait3A_282 : memref<1x2048xf32, #tpu.memory_space<hbm>> -> memref<2048xf32, #tpu.memory_space<hbm>>
    %dma_wait3A_284 = arith.constant 20480 : i32
    %dma_wait3A_285 = tpu.memref_slice %arg5[%dma_wait3A_284] : memref<40960xf32, #tpu.memory_space<vmem>> -> memref<2048xf32, #tpu.memory_space<vmem>>
    %dma_wait3A_286 = tpu.memref_slice %arg2[%dma_wait3A_279, %add3A_10] : memref<20x1048576xf32, #tpu.memory_space<hbm>> -> memref<1x2048xf32, #tpu.memory_space<hbm>>
    %dma_wait3A_287 = tpu.memref_squeeze %dma_wait3A_286 : memref<1x2048xf32, #tpu.memory_space<hbm>> -> memref<2048xf32, #tpu.memory_space<hbm>>
    tpu.wait_dma2 semaphore(%arg8 : memref<!tpu.dma_semaphore, #tpu.memory_space<semaphore_mem>>) src(%dma_wait3A_287 : memref<2048xf32, #tpu.memory_space<hbm>>) dst(%dma_wait3A_285 : memref<2048xf32, #tpu.memory_space<vmem>>)
    %dma_wait3A_288 = arith.constant 11 : i32
    %dma_wait3A_289 = arith.constant 22528 : i32
    %dma_wait3A_290 = tpu.memref_slice %arg5[%dma_wait3A_289] : memref<40960xf32, #tpu.memory_space<vmem>> -> memref<2048xf32, #tpu.memory_space<vmem>>
    %dma_wait3A_291 = tpu.memref_slice %arg2[%dma_wait3A_288, %add3A_10] : memref<20x1048576xf32, #tpu.memory_space<hbm>> -> memref<1x2048xf32, #tpu.memory_space<hbm>>
    %dma_wait3A_292 = tpu.memref_squeeze %dma_wait3A_291 : memref<1x2048xf32, #tpu.memory_space<hbm>> -> memref<2048xf32, #tpu.memory_space<hbm>>
    %dma_wait3A_293 = arith.constant 22528 : i32
    %dma_wait3A_294 = tpu.memref_slice %arg5[%dma_wait3A_293] : memref<40960xf32, #tpu.memory_space<vmem>> -> memref<2048xf32, #tpu.memory_space<vmem>>
    %dma_wait3A_295 = tpu.memref_slice %arg2[%dma_wait3A_288, %add3A_10] : memref<20x1048576xf32, #tpu.memory_space<hbm>> -> memref<1x2048xf32, #tpu.memory_space<hbm>>
    %dma_wait3A_296 = tpu.memref_squeeze %dma_wait3A_295 : memref<1x2048xf32, #tpu.memory_space<hbm>> -> memref<2048xf32, #tpu.memory_space<hbm>>
    tpu.wait_dma2 semaphore(%arg8 : memref<!tpu.dma_semaphore, #tpu.memory_space<semaphore_mem>>) src(%dma_wait3A_296 : memref<2048xf32, #tpu.memory_space<hbm>>) dst(%dma_wait3A_294 : memref<2048xf32, #tpu.memory_space<vmem>>)
    %dma_wait3A_297 = arith.constant 12 : i32
    %dma_wait3A_298 = arith.constant 24576 : i32
    %dma_wait3A_299 = tpu.memref_slice %arg5[%dma_wait3A_298] : memref<40960xf32, #tpu.memory_space<vmem>> -> memref<2048xf32, #tpu.memory_space<vmem>>
    %dma_wait3A_300 = tpu.memref_slice %arg2[%dma_wait3A_297, %add3A_10] : memref<20x1048576xf32, #tpu.memory_space<hbm>> -> memref<1x2048xf32, #tpu.memory_space<hbm>>
    %dma_wait3A_301 = tpu.memref_squeeze %dma_wait3A_300 : memref<1x2048xf32, #tpu.memory_space<hbm>> -> memref<2048xf32, #tpu.memory_space<hbm>>
    %dma_wait3A_302 = arith.constant 24576 : i32
    %dma_wait3A_303 = tpu.memref_slice %arg5[%dma_wait3A_302] : memref<40960xf32, #tpu.memory_space<vmem>> -> memref<2048xf32, #tpu.memory_space<vmem>>
    %dma_wait3A_304 = tpu.memref_slice %arg2[%dma_wait3A_297, %add3A_10] : memref<20x1048576xf32, #tpu.memory_space<hbm>> -> memref<1x2048xf32, #tpu.memory_space<hbm>>
    %dma_wait3A_305 = tpu.memref_squeeze %dma_wait3A_304 : memref<1x2048xf32, #tpu.memory_space<hbm>> -> memref<2048xf32, #tpu.memory_space<hbm>>
    tpu.wait_dma2 semaphore(%arg8 : memref<!tpu.dma_semaphore, #tpu.memory_space<semaphore_mem>>) src(%dma_wait3A_305 : memref<2048xf32, #tpu.memory_space<hbm>>) dst(%dma_wait3A_303 : memref<2048xf32, #tpu.memory_space<vmem>>)
    %dma_wait3A_306 = arith.constant 13 : i32
    %dma_wait3A_307 = arith.constant 26624 : i32
    %dma_wait3A_308 = tpu.memref_slice %arg5[%dma_wait3A_307] : memref<40960xf32, #tpu.memory_space<vmem>> -> memref<2048xf32, #tpu.memory_space<vmem>>
    %dma_wait3A_309 = tpu.memref_slice %arg2[%dma_wait3A_306, %add3A_10] : memref<20x1048576xf32, #tpu.memory_space<hbm>> -> memref<1x2048xf32, #tpu.memory_space<hbm>>
    %dma_wait3A_310 = tpu.memref_squeeze %dma_wait3A_309 : memref<1x2048xf32, #tpu.memory_space<hbm>> -> memref<2048xf32, #tpu.memory_space<hbm>>
    %dma_wait3A_311 = arith.constant 26624 : i32
    %dma_wait3A_312 = tpu.memref_slice %arg5[%dma_wait3A_311] : memref<40960xf32, #tpu.memory_space<vmem>> -> memref<2048xf32, #tpu.memory_space<vmem>>
    %dma_wait3A_313 = tpu.memref_slice %arg2[%dma_wait3A_306, %add3A_10] : memref<20x1048576xf32, #tpu.memory_space<hbm>> -> memref<1x2048xf32, #tpu.memory_space<hbm>>
    %dma_wait3A_314 = tpu.memref_squeeze %dma_wait3A_313 : memref<1x2048xf32, #tpu.memory_space<hbm>> -> memref<2048xf32, #tpu.memory_space<hbm>>
    tpu.wait_dma2 semaphore(%arg8 : memref<!tpu.dma_semaphore, #tpu.memory_space<semaphore_mem>>) src(%dma_wait3A_314 : memref<2048xf32, #tpu.memory_space<hbm>>) dst(%dma_wait3A_312 : memref<2048xf32, #tpu.memory_space<vmem>>)
    %dma_wait3A_315 = arith.constant 14 : i32
    %dma_wait3A_316 = arith.constant 28672 : i32
    %dma_wait3A_317 = tpu.memref_slice %arg5[%dma_wait3A_316] : memref<40960xf32, #tpu.memory_space<vmem>> -> memref<2048xf32, #tpu.memory_space<vmem>>
    %dma_wait3A_318 = tpu.memref_slice %arg2[%dma_wait3A_315, %add3A_10] : memref<20x1048576xf32, #tpu.memory_space<hbm>> -> memref<1x2048xf32, #tpu.memory_space<hbm>>
    %dma_wait3A_319 = tpu.memref_squeeze %dma_wait3A_318 : memref<1x2048xf32, #tpu.memory_space<hbm>> -> memref<2048xf32, #tpu.memory_space<hbm>>
    %dma_wait3A_320 = arith.constant 28672 : i32
    %dma_wait3A_321 = tpu.memref_slice %arg5[%dma_wait3A_320] : memref<40960xf32, #tpu.memory_space<vmem>> -> memref<2048xf32, #tpu.memory_space<vmem>>
    %dma_wait3A_322 = tpu.memref_slice %arg2[%dma_wait3A_315, %add3A_10] : memref<20x1048576xf32, #tpu.memory_space<hbm>> -> memref<1x2048xf32, #tpu.memory_space<hbm>>
    %dma_wait3A_323 = tpu.memref_squeeze %dma_wait3A_322 : memref<1x2048xf32, #tpu.memory_space<hbm>> -> memref<2048xf32, #tpu.memory_space<hbm>>
    tpu.wait_dma2 semaphore(%arg8 : memref<!tpu.dma_semaphore, #tpu.memory_space<semaphore_mem>>) src(%dma_wait3A_323 : memref<2048xf32, #tpu.memory_space<hbm>>) dst(%dma_wait3A_321 : memref<2048xf32, #tpu.memory_space<vmem>>)
    %dma_wait3A_324 = arith.constant 15 : i32
    %dma_wait3A_325 = arith.constant 30720 : i32
    %dma_wait3A_326 = tpu.memref_slice %arg5[%dma_wait3A_325] : memref<40960xf32, #tpu.memory_space<vmem>> -> memref<2048xf32, #tpu.memory_space<vmem>>
    %dma_wait3A_327 = tpu.memref_slice %arg2[%dma_wait3A_324, %add3A_10] : memref<20x1048576xf32, #tpu.memory_space<hbm>> -> memref<1x2048xf32, #tpu.memory_space<hbm>>
    %dma_wait3A_328 = tpu.memref_squeeze %dma_wait3A_327 : memref<1x2048xf32, #tpu.memory_space<hbm>> -> memref<2048xf32, #tpu.memory_space<hbm>>
    %dma_wait3A_329 = arith.constant 30720 : i32
    %dma_wait3A_330 = tpu.memref_slice %arg5[%dma_wait3A_329] : memref<40960xf32, #tpu.memory_space<vmem>> -> memref<2048xf32, #tpu.memory_space<vmem>>
    %dma_wait3A_331 = tpu.memref_slice %arg2[%dma_wait3A_324, %add3A_10] : memref<20x1048576xf32, #tpu.memory_space<hbm>> -> memref<1x2048xf32, #tpu.memory_space<hbm>>
    %dma_wait3A_332 = tpu.memref_squeeze %dma_wait3A_331 : memref<1x2048xf32, #tpu.memory_space<hbm>> -> memref<2048xf32, #tpu.memory_space<hbm>>
    tpu.wait_dma2 semaphore(%arg8 : memref<!tpu.dma_semaphore, #tpu.memory_space<semaphore_mem>>) src(%dma_wait3A_332 : memref<2048xf32, #tpu.memory_space<hbm>>) dst(%dma_wait3A_330 : memref<2048xf32, #tpu.memory_space<vmem>>)
    %dma_wait3A_333 = arith.constant 16 : i32
    %dma_wait3A_334 = arith.constant 32768 : i32
    %dma_wait3A_335 = tpu.memref_slice %arg5[%dma_wait3A_334] : memref<40960xf32, #tpu.memory_space<vmem>> -> memref<2048xf32, #tpu.memory_space<vmem>>
    %dma_wait3A_336 = tpu.memref_slice %arg2[%dma_wait3A_333, %add3A_10] : memref<20x1048576xf32, #tpu.memory_space<hbm>> -> memref<1x2048xf32, #tpu.memory_space<hbm>>
    %dma_wait3A_337 = tpu.memref_squeeze %dma_wait3A_336 : memref<1x2048xf32, #tpu.memory_space<hbm>> -> memref<2048xf32, #tpu.memory_space<hbm>>
    %dma_wait3A_338 = arith.constant 32768 : i32
    %dma_wait3A_339 = tpu.memref_slice %arg5[%dma_wait3A_338] : memref<40960xf32, #tpu.memory_space<vmem>> -> memref<2048xf32, #tpu.memory_space<vmem>>
    %dma_wait3A_340 = tpu.memref_slice %arg2[%dma_wait3A_333, %add3A_10] : memref<20x1048576xf32, #tpu.memory_space<hbm>> -> memref<1x2048xf32, #tpu.memory_space<hbm>>
    %dma_wait3A_341 = tpu.memref_squeeze %dma_wait3A_340 : memref<1x2048xf32, #tpu.memory_space<hbm>> -> memref<2048xf32, #tpu.memory_space<hbm>>
    tpu.wait_dma2 semaphore(%arg8 : memref<!tpu.dma_semaphore, #tpu.memory_space<semaphore_mem>>) src(%dma_wait3A_341 : memref<2048xf32, #tpu.memory_space<hbm>>) dst(%dma_wait3A_339 : memref<2048xf32, #tpu.memory_space<vmem>>)
    %dma_wait3A_342 = arith.constant 17 : i32
    %dma_wait3A_343 = arith.constant 34816 : i32
    %dma_wait3A_344 = tpu.memref_slice %arg5[%dma_wait3A_343] : memref<40960xf32, #tpu.memory_space<vmem>> -> memref<2048xf32, #tpu.memory_space<vmem>>
    %dma_wait3A_345 = tpu.memref_slice %arg2[%dma_wait3A_342, %add3A_10] : memref<20x1048576xf32, #tpu.memory_space<hbm>> -> memref<1x2048xf32, #tpu.memory_space<hbm>>
    %dma_wait3A_346 = tpu.memref_squeeze %dma_wait3A_345 : memref<1x2048xf32, #tpu.memory_space<hbm>> -> memref<2048xf32, #tpu.memory_space<hbm>>
    %dma_wait3A_347 = arith.constant 34816 : i32
    %dma_wait3A_348 = tpu.memref_slice %arg5[%dma_wait3A_347] : memref<40960xf32, #tpu.memory_space<vmem>> -> memref<2048xf32, #tpu.memory_space<vmem>>
    %dma_wait3A_349 = tpu.memref_slice %arg2[%dma_wait3A_342, %add3A_10] : memref<20x1048576xf32, #tpu.memory_space<hbm>> -> memref<1x2048xf32, #tpu.memory_space<hbm>>
    %dma_wait3A_350 = tpu.memref_squeeze %dma_wait3A_349 : memref<1x2048xf32, #tpu.memory_space<hbm>> -> memref<2048xf32, #tpu.memory_space<hbm>>
    tpu.wait_dma2 semaphore(%arg8 : memref<!tpu.dma_semaphore, #tpu.memory_space<semaphore_mem>>) src(%dma_wait3A_350 : memref<2048xf32, #tpu.memory_space<hbm>>) dst(%dma_wait3A_348 : memref<2048xf32, #tpu.memory_space<vmem>>)
    %dma_wait3A_351 = arith.constant 18 : i32
    %dma_wait3A_352 = arith.constant 36864 : i32
    %dma_wait3A_353 = tpu.memref_slice %arg5[%dma_wait3A_352] : memref<40960xf32, #tpu.memory_space<vmem>> -> memref<2048xf32, #tpu.memory_space<vmem>>
    %dma_wait3A_354 = tpu.memref_slice %arg2[%dma_wait3A_351, %add3A_10] : memref<20x1048576xf32, #tpu.memory_space<hbm>> -> memref<1x2048xf32, #tpu.memory_space<hbm>>
    %dma_wait3A_355 = tpu.memref_squeeze %dma_wait3A_354 : memref<1x2048xf32, #tpu.memory_space<hbm>> -> memref<2048xf32, #tpu.memory_space<hbm>>
    %dma_wait3A_356 = arith.constant 36864 : i32
    %dma_wait3A_357 = tpu.memref_slice %arg5[%dma_wait3A_356] : memref<40960xf32, #tpu.memory_space<vmem>> -> memref<2048xf32, #tpu.memory_space<vmem>>
    %dma_wait3A_358 = tpu.memref_slice %arg2[%dma_wait3A_351, %add3A_10] : memref<20x1048576xf32, #tpu.memory_space<hbm>> -> memref<1x2048xf32, #tpu.memory_space<hbm>>
    %dma_wait3A_359 = tpu.memref_squeeze %dma_wait3A_358 : memref<1x2048xf32, #tpu.memory_space<hbm>> -> memref<2048xf32, #tpu.memory_space<hbm>>
    tpu.wait_dma2 semaphore(%arg8 : memref<!tpu.dma_semaphore, #tpu.memory_space<semaphore_mem>>) src(%dma_wait3A_359 : memref<2048xf32, #tpu.memory_space<hbm>>) dst(%dma_wait3A_357 : memref<2048xf32, #tpu.memory_space<vmem>>)
    %dma_wait3A_360 = arith.constant 19 : i32
    %dma_wait3A_361 = arith.constant 38912 : i32
    %dma_wait3A_362 = tpu.memref_slice %arg5[%dma_wait3A_361] : memref<40960xf32, #tpu.memory_space<vmem>> -> memref<2048xf32, #tpu.memory_space<vmem>>
    %dma_wait3A_363 = tpu.memref_slice %arg2[%dma_wait3A_360, %add3A_10] : memref<20x1048576xf32, #tpu.memory_space<hbm>> -> memref<1x2048xf32, #tpu.memory_space<hbm>>
    %dma_wait3A_364 = tpu.memref_squeeze %dma_wait3A_363 : memref<1x2048xf32, #tpu.memory_space<hbm>> -> memref<2048xf32, #tpu.memory_space<hbm>>
    %dma_wait3A_365 = arith.constant 38912 : i32
    %dma_wait3A_366 = tpu.memref_slice %arg5[%dma_wait3A_365] : memref<40960xf32, #tpu.memory_space<vmem>> -> memref<2048xf32, #tpu.memory_space<vmem>>
    %dma_wait3A_367 = tpu.memref_slice %arg2[%dma_wait3A_360, %add3A_10] : memref<20x1048576xf32, #tpu.memory_space<hbm>> -> memref<1x2048xf32, #tpu.memory_space<hbm>>
    %dma_wait3A_368 = tpu.memref_squeeze %dma_wait3A_367 : memref<1x2048xf32, #tpu.memory_space<hbm>> -> memref<2048xf32, #tpu.memory_space<hbm>>
    tpu.wait_dma2 semaphore(%arg8 : memref<!tpu.dma_semaphore, #tpu.memory_space<semaphore_mem>>) src(%dma_wait3A_368 : memref<2048xf32, #tpu.memory_space<hbm>>) dst(%dma_wait3A_366 : memref<2048xf32, #tpu.memory_space<vmem>>)
    %get3A = arith.constant 0 : index
    %get3A_369 = tpu.vector_load %arg7[%get3A] {strides = array<i32>} : memref<16xf32, #tpu.memory_space<vmem>>, vector<16xf32>,
    %get3A_370 = vector.shape_cast %get3A_369 : vector<16xf32> to vector<16xf32>
    %scan3A = arith.constant 0 : i32
    %scan3A_371 = arith.constant 128 : i32
    %scan3A_372 = arith.addi %scan3A, %scan3A_371 : i32
    %scan3A_373 = arith.constant 1 : i32
    %scan3A_374 = scf.for %scan3A_755 = %scan3A to %scan3A_372 step %scan3A_373 iter_args(%scan3A_756 = %get3A_370) -> (vector<16xf32>)  : i32 {
      %mul3A_757 = arith.constant 16 : i32
      %mul3A_758 = arith.muli %scan3A_755, %mul3A_757 : i32
      %get3A_759 = arith.index_cast %mul3A_758 : i32 to index
      %get3A_760 = tpu.vector_load %arg6[%get3A_759] {strides = array<i32>} : memref<2048xf32, #tpu.memory_space<vmem>>, vector<16xf32>,
      %get3A_761 = vector.shape_cast %get3A_760 : vector<16xf32> to vector<16xf32>
      %add3A_762 = arith.constant 1.000000e+00 : f32
      %add3A_763 = vector.broadcast %add3A_762 : f32 to vector<16xf32>
      %add3A_764 = arith.addf %get3A_761, %add3A_763 : vector<16xf32>
      %mul3A_765 = arith.constant 1.000000e+01 : f32
      %mul3A_766 = vector.broadcast %mul3A_765 : f32 to vector<16xf32>
      %mul3A_767 = arith.mulf %add3A_764, %mul3A_766 : vector<16xf32>
      %convert_element_type3A = arith.fptosi %mul3A_767 : vector<16xf32> to vector<16xi32>
      %convert_element_type3A_768 = arith.sitofp %convert_element_type3A : vector<16xi32> to vector<16xf32>
      %gt3A = arith.cmpf ogt, %mul3A_767, %convert_element_type3A_768 : vector<16xf32>
      %jit3A = arith.constant 1 : i32
      %jit3A_769 = arith.constant 0 : i32
      %broadcast_in_dim3A_770 = vector.broadcast %jit3A : i32 to vector<16xi32>
      %broadcast_in_dim3A_771 = vector.broadcast %jit3A_769 : i32 to vector<16xi32>
      %select_n3A = arith.select %gt3A, %broadcast_in_dim3A_770, %broadcast_in_dim3A_771 : vector<16xi1>, vector<16xi32>
      %add3A_772 = arith.addi %convert_element_type3A, %select_n3A : vector<16xi32>
      %max3A = arith.constant 0 : i32
      %max3A_773 = vector.broadcast %max3A : i32 to vector<16xi32>
      %max3A_774 = arith.maxsi %add3A_772, %max3A_773 : vector<16xi32>
      %min3A = arith.constant 19 : i32
      %min3A_775 = vector.broadcast %min3A : i32 to vector<16xi32>
      %min3A_776 = arith.minsi %max3A_774, %min3A_775 : vector<16xi32>
      %add3A_777 = arith.constant 0 : i32
      %add3A_778 = arith.addi %add3A_777, %mul3A_758 : i32
      %get3A_779 = arith.index_cast %add3A_778 : i32 to index
      %get3A_780 = tpu.vector_load %arg5[%get3A_779] {strides = array<i32>} : memref<40960xf32, #tpu.memory_space<vmem>>, vector<16xf32>,
      %get3A_781 = vector.shape_cast %get3A_780 : vector<16xf32> to vector<16xf32>
      %exp3A = math.exp %get3A_781 : vector<16xf32>
      %add3A_782 = arith.addf %broadcast_in_dim3A_5, %exp3A : vector<16xf32>
      %eq3A = arith.constant 0 : i32
      %eq3A_783 = vector.broadcast %eq3A : i32 to vector<16xi32>
      %eq3A_784 = arith.cmpi eq, %min3A_776, %eq3A_783 : vector<16xi32>
      %jit3A_785 = arith.constant 0.000000e+00 : f32
      %broadcast_in_dim3A_786 = vector.broadcast %jit3A_785 : f32 to vector<16xf32>
      %select_n3A_787 = arith.select %eq3A_784, %get3A_781, %broadcast_in_dim3A_786 : vector<16xi1>, vector<16xf32>
      %add3A_788 = arith.addf %broadcast_in_dim3A_5, %select_n3A_787 : vector<16xf32>
      %add3A_789 = arith.constant 2048 : i32
      %add3A_790 = arith.addi %add3A_789, %mul3A_758 : i32
      %get3A_791 = arith.index_cast %add3A_790 : i32 to index
      %get3A_792 = tpu.vector_load %arg5[%get3A_791] {strides = array<i32>} : memref<40960xf32, #tpu.memory_space<vmem>>, vector<16xf32>,
      %get3A_793 = vector.shape_cast %get3A_792 : vector<16xf32> to vector<16xf32>
      %exp3A_794 = math.exp %get3A_793 : vector<16xf32>
      %add3A_795 = arith.addf %add3A_782, %exp3A_794 : vector<16xf32>
      %eq3A_796 = arith.constant 1 : i32
      %eq3A_797 = vector.broadcast %eq3A_796 : i32 to vector<16xi32>
      %eq3A_798 = arith.cmpi eq, %min3A_776, %eq3A_797 : vector<16xi32>
      %jit3A_799 = arith.constant 0.000000e+00 : f32
      %broadcast_in_dim3A_800 = vector.broadcast %jit3A_799 : f32 to vector<16xf32>
      %select_n3A_801 = arith.select %eq3A_798, %get3A_793, %broadcast_in_dim3A_800 : vector<16xi1>, vector<16xf32>
      %add3A_802 = arith.addf %add3A_788, %select_n3A_801 : vector<16xf32>
      %add3A_803 = arith.constant 4096 : i32
      %add3A_804 = arith.addi %add3A_803, %mul3A_758 : i32
      %get3A_805 = arith.index_cast %add3A_804 : i32 to index
      %get3A_806 = tpu.vector_load %arg5[%get3A_805] {strides = array<i32>} : memref<40960xf32, #tpu.memory_space<vmem>>, vector<16xf32>,
      %get3A_807 = vector.shape_cast %get3A_806 : vector<16xf32> to vector<16xf32>
      %exp3A_808 = math.exp %get3A_807 : vector<16xf32>
      %add3A_809 = arith.addf %add3A_795, %exp3A_808 : vector<16xf32>
      %eq3A_810 = arith.constant 2 : i32
      %eq3A_811 = vector.broadcast %eq3A_810 : i32 to vector<16xi32>
      %eq3A_812 = arith.cmpi eq, %min3A_776, %eq3A_811 : vector<16xi32>
      %jit3A_813 = arith.constant 0.000000e+00 : f32
      %broadcast_in_dim3A_814 = vector.broadcast %jit3A_813 : f32 to vector<16xf32>
      %select_n3A_815 = arith.select %eq3A_812, %get3A_807, %broadcast_in_dim3A_814 : vector<16xi1>, vector<16xf32>
      %add3A_816 = arith.addf %add3A_802, %select_n3A_815 : vector<16xf32>
      %add3A_817 = arith.constant 6144 : i32
      %add3A_818 = arith.addi %add3A_817, %mul3A_758 : i32
      %get3A_819 = arith.index_cast %add3A_818 : i32 to index
      %get3A_820 = tpu.vector_load %arg5[%get3A_819] {strides = array<i32>} : memref<40960xf32, #tpu.memory_space<vmem>>, vector<16xf32>,
      %get3A_821 = vector.shape_cast %get3A_820 : vector<16xf32> to vector<16xf32>
      %exp3A_822 = math.exp %get3A_821 : vector<16xf32>
      %add3A_823 = arith.addf %add3A_809, %exp3A_822 : vector<16xf32>
      %eq3A_824 = arith.constant 3 : i32
      %eq3A_825 = vector.broadcast %eq3A_824 : i32 to vector<16xi32>
      %eq3A_826 = arith.cmpi eq, %min3A_776, %eq3A_825 : vector<16xi32>
      %jit3A_827 = arith.constant 0.000000e+00 : f32
      %broadcast_in_dim3A_828 = vector.broadcast %jit3A_827 : f32 to vector<16xf32>
      %select_n3A_829 = arith.select %eq3A_826, %get3A_821, %broadcast_in_dim3A_828 : vector<16xi1>, vector<16xf32>
      %add3A_830 = arith.addf %add3A_816, %select_n3A_829 : vector<16xf32>
      %add3A_831 = arith.constant 8192 : i32
      %add3A_832 = arith.addi %add3A_831, %mul3A_758 : i32
      %get3A_833 = arith.index_cast %add3A_832 : i32 to index
      %get3A_834 = tpu.vector_load %arg5[%get3A_833] {strides = array<i32>} : memref<40960xf32, #tpu.memory_space<vmem>>, vector<16xf32>,
      %get3A_835 = vector.shape_cast %get3A_834 : vector<16xf32> to vector<16xf32>
      %exp3A_836 = math.exp %get3A_835 : vector<16xf32>
      %add3A_837 = arith.addf %add3A_823, %exp3A_836 : vector<16xf32>
      %eq3A_838 = arith.constant 4 : i32
      %eq3A_839 = vector.broadcast %eq3A_838 : i32 to vector<16xi32>
      %eq3A_840 = arith.cmpi eq, %min3A_776, %eq3A_839 : vector<16xi32>
      %jit3A_841 = arith.constant 0.000000e+00 : f32
      %broadcast_in_dim3A_842 = vector.broadcast %jit3A_841 : f32 to vector<16xf32>
      %select_n3A_843 = arith.select %eq3A_840, %get3A_835, %broadcast_in_dim3A_842 : vector<16xi1>, vector<16xf32>
      %add3A_844 = arith.addf %add3A_830, %select_n3A_843 : vector<16xf32>
      %add3A_845 = arith.constant 10240 : i32
      %add3A_846 = arith.addi %add3A_845, %mul3A_758 : i32
      %get3A_847 = arith.index_cast %add3A_846 : i32 to index
      %get3A_848 = tpu.vector_load %arg5[%get3A_847] {strides = array<i32>} : memref<40960xf32, #tpu.memory_space<vmem>>, vector<16xf32>,
      %get3A_849 = vector.shape_cast %get3A_848 : vector<16xf32> to vector<16xf32>
      %exp3A_850 = math.exp %get3A_849 : vector<16xf32>
      %add3A_851 = arith.addf %add3A_837, %exp3A_850 : vector<16xf32>
      %eq3A_852 = arith.constant 5 : i32
      %eq3A_853 = vector.broadcast %eq3A_852 : i32 to vector<16xi32>
      %eq3A_854 = arith.cmpi eq, %min3A_776, %eq3A_853 : vector<16xi32>
      %jit3A_855 = arith.constant 0.000000e+00 : f32
      %broadcast_in_dim3A_856 = vector.broadcast %jit3A_855 : f32 to vector<16xf32>
      %select_n3A_857 = arith.select %eq3A_854, %get3A_849, %broadcast_in_dim3A_856 : vector<16xi1>, vector<16xf32>
      %add3A_858 = arith.addf %add3A_844, %select_n3A_857 : vector<16xf32>
      %add3A_859 = arith.constant 12288 : i32
      %add3A_860 = arith.addi %add3A_859, %mul3A_758 : i32
      %get3A_861 = arith.index_cast %add3A_860 : i32 to index
      %get3A_862 = tpu.vector_load %arg5[%get3A_861] {strides = array<i32>} : memref<40960xf32, #tpu.memory_space<vmem>>, vector<16xf32>,
      %get3A_863 = vector.shape_cast %get3A_862 : vector<16xf32> to vector<16xf32>
      %exp3A_864 = math.exp %get3A_863 : vector<16xf32>
      %add3A_865 = arith.addf %add3A_851, %exp3A_864 : vector<16xf32>
      %eq3A_866 = arith.constant 6 : i32
      %eq3A_867 = vector.broadcast %eq3A_866 : i32 to vector<16xi32>
      %eq3A_868 = arith.cmpi eq, %min3A_776, %eq3A_867 : vector<16xi32>
      %jit3A_869 = arith.constant 0.000000e+00 : f32
      %broadcast_in_dim3A_870 = vector.broadcast %jit3A_869 : f32 to vector<16xf32>
      %select_n3A_871 = arith.select %eq3A_868, %get3A_863, %broadcast_in_dim3A_870 : vector<16xi1>, vector<16xf32>
      %add3A_872 = arith.addf %add3A_858, %select_n3A_871 : vector<16xf32>
      %add3A_873 = arith.constant 14336 : i32
      %add3A_874 = arith.addi %add3A_873, %mul3A_758 : i32
      %get3A_875 = arith.index_cast %add3A_874 : i32 to index
      %get3A_876 = tpu.vector_load %arg5[%get3A_875] {strides = array<i32>} : memref<40960xf32, #tpu.memory_space<vmem>>, vector<16xf32>,
      %get3A_877 = vector.shape_cast %get3A_876 : vector<16xf32> to vector<16xf32>
      %exp3A_878 = math.exp %get3A_877 : vector<16xf32>
      %add3A_879 = arith.addf %add3A_865, %exp3A_878 : vector<16xf32>
      %eq3A_880 = arith.constant 7 : i32
      %eq3A_881 = vector.broadcast %eq3A_880 : i32 to vector<16xi32>
      %eq3A_882 = arith.cmpi eq, %min3A_776, %eq3A_881 : vector<16xi32>
      %jit3A_883 = arith.constant 0.000000e+00 : f32
      %broadcast_in_dim3A_884 = vector.broadcast %jit3A_883 : f32 to vector<16xf32>
      %select_n3A_885 = arith.select %eq3A_882, %get3A_877, %broadcast_in_dim3A_884 : vector<16xi1>, vector<16xf32>
      %add3A_886 = arith.addf %add3A_872, %select_n3A_885 : vector<16xf32>
      %add3A_887 = arith.constant 16384 : i32
      %add3A_888 = arith.addi %add3A_887, %mul3A_758 : i32
      %get3A_889 = arith.index_cast %add3A_888 : i32 to index
      %get3A_890 = tpu.vector_load %arg5[%get3A_889] {strides = array<i32>} : memref<40960xf32, #tpu.memory_space<vmem>>, vector<16xf32>,
      %get3A_891 = vector.shape_cast %get3A_890 : vector<16xf32> to vector<16xf32>
      %exp3A_892 = math.exp %get3A_891 : vector<16xf32>
      %add3A_893 = arith.addf %add3A_879, %exp3A_892 : vector<16xf32>
      %eq3A_894 = arith.constant 8 : i32
      %eq3A_895 = vector.broadcast %eq3A_894 : i32 to vector<16xi32>
      %eq3A_896 = arith.cmpi eq, %min3A_776, %eq3A_895 : vector<16xi32>
      %jit3A_897 = arith.constant 0.000000e+00 : f32
      %broadcast_in_dim3A_898 = vector.broadcast %jit3A_897 : f32 to vector<16xf32>
      %select_n3A_899 = arith.select %eq3A_896, %get3A_891, %broadcast_in_dim3A_898 : vector<16xi1>, vector<16xf32>
      %add3A_900 = arith.addf %add3A_886, %select_n3A_899 : vector<16xf32>
      %add3A_901 = arith.constant 18432 : i32
      %add3A_902 = arith.addi %add3A_901, %mul3A_758 : i32
      %get3A_903 = arith.index_cast %add3A_902 : i32 to index
      %get3A_904 = tpu.vector_load %arg5[%get3A_903] {strides = array<i32>} : memref<40960xf32, #tpu.memory_space<vmem>>, vector<16xf32>,
      %get3A_905 = vector.shape_cast %get3A_904 : vector<16xf32> to vector<16xf32>
      %exp3A_906 = math.exp %get3A_905 : vector<16xf32>
      %add3A_907 = arith.addf %add3A_893, %exp3A_906 : vector<16xf32>
      %eq3A_908 = arith.constant 9 : i32
      %eq3A_909 = vector.broadcast %eq3A_908 : i32 to vector<16xi32>
      %eq3A_910 = arith.cmpi eq, %min3A_776, %eq3A_909 : vector<16xi32>
      %jit3A_911 = arith.constant 0.000000e+00 : f32
      %broadcast_in_dim3A_912 = vector.broadcast %jit3A_911 : f32 to vector<16xf32>
      %select_n3A_913 = arith.select %eq3A_910, %get3A_905, %broadcast_in_dim3A_912 : vector<16xi1>, vector<16xf32>
      %add3A_914 = arith.addf %add3A_900, %select_n3A_913 : vector<16xf32>
      %add3A_915 = arith.constant 20480 : i32
      %add3A_916 = arith.addi %add3A_915, %mul3A_758 : i32
      %get3A_917 = arith.index_cast %add3A_916 : i32 to index
      %get3A_918 = tpu.vector_load %arg5[%get3A_917] {strides = array<i32>} : memref<40960xf32, #tpu.memory_space<vmem>>, vector<16xf32>,
      %get3A_919 = vector.shape_cast %get3A_918 : vector<16xf32> to vector<16xf32>
      %exp3A_920 = math.exp %get3A_919 : vector<16xf32>
      %add3A_921 = arith.addf %add3A_907, %exp3A_920 : vector<16xf32>
      %eq3A_922 = arith.constant 10 : i32
      %eq3A_923 = vector.broadcast %eq3A_922 : i32 to vector<16xi32>
      %eq3A_924 = arith.cmpi eq, %min3A_776, %eq3A_923 : vector<16xi32>
      %jit3A_925 = arith.constant 0.000000e+00 : f32
      %broadcast_in_dim3A_926 = vector.broadcast %jit3A_925 : f32 to vector<16xf32>
      %select_n3A_927 = arith.select %eq3A_924, %get3A_919, %broadcast_in_dim3A_926 : vector<16xi1>, vector<16xf32>
      %add3A_928 = arith.addf %add3A_914, %select_n3A_927 : vector<16xf32>
      %add3A_929 = arith.constant 22528 : i32
      %add3A_930 = arith.addi %add3A_929, %mul3A_758 : i32
      %get3A_931 = arith.index_cast %add3A_930 : i32 to index
      %get3A_932 = tpu.vector_load %arg5[%get3A_931] {strides = array<i32>} : memref<40960xf32, #tpu.memory_space<vmem>>, vector<16xf32>,
      %get3A_933 = vector.shape_cast %get3A_932 : vector<16xf32> to vector<16xf32>
      %exp3A_934 = math.exp %get3A_933 : vector<16xf32>
      %add3A_935 = arith.addf %add3A_921, %exp3A_934 : vector<16xf32>
      %eq3A_936 = arith.constant 11 : i32
      %eq3A_937 = vector.broadcast %eq3A_936 : i32 to vector<16xi32>
      %eq3A_938 = arith.cmpi eq, %min3A_776, %eq3A_937 : vector<16xi32>
      %jit3A_939 = arith.constant 0.000000e+00 : f32
      %broadcast_in_dim3A_940 = vector.broadcast %jit3A_939 : f32 to vector<16xf32>
      %select_n3A_941 = arith.select %eq3A_938, %get3A_933, %broadcast_in_dim3A_940 : vector<16xi1>, vector<16xf32>
      %add3A_942 = arith.addf %add3A_928, %select_n3A_941 : vector<16xf32>
      %add3A_943 = arith.constant 24576 : i32
      %add3A_944 = arith.addi %add3A_943, %mul3A_758 : i32
      %get3A_945 = arith.index_cast %add3A_944 : i32 to index
      %get3A_946 = tpu.vector_load %arg5[%get3A_945] {strides = array<i32>} : memref<40960xf32, #tpu.memory_space<vmem>>, vector<16xf32>,
      %get3A_947 = vector.shape_cast %get3A_946 : vector<16xf32> to vector<16xf32>
      %exp3A_948 = math.exp %get3A_947 : vector<16xf32>
      %add3A_949 = arith.addf %add3A_935, %exp3A_948 : vector<16xf32>
      %eq3A_950 = arith.constant 12 : i32
      %eq3A_951 = vector.broadcast %eq3A_950 : i32 to vector<16xi32>
      %eq3A_952 = arith.cmpi eq, %min3A_776, %eq3A_951 : vector<16xi32>
      %jit3A_953 = arith.constant 0.000000e+00 : f32
      %broadcast_in_dim3A_954 = vector.broadcast %jit3A_953 : f32 to vector<16xf32>
      %select_n3A_955 = arith.select %eq3A_952, %get3A_947, %broadcast_in_dim3A_954 : vector<16xi1>, vector<16xf32>
      %add3A_956 = arith.addf %add3A_942, %select_n3A_955 : vector<16xf32>
      %add3A_957 = arith.constant 26624 : i32
      %add3A_958 = arith.addi %add3A_957, %mul3A_758 : i32
      %get3A_959 = arith.index_cast %add3A_958 : i32 to index
      %get3A_960 = tpu.vector_load %arg5[%get3A_959] {strides = array<i32>} : memref<40960xf32, #tpu.memory_space<vmem>>, vector<16xf32>,
      %get3A_961 = vector.shape_cast %get3A_960 : vector<16xf32> to vector<16xf32>
      %exp3A_962 = math.exp %get3A_961 : vector<16xf32>
      %add3A_963 = arith.addf %add3A_949, %exp3A_962 : vector<16xf32>
      %eq3A_964 = arith.constant 13 : i32
      %eq3A_965 = vector.broadcast %eq3A_964 : i32 to vector<16xi32>
      %eq3A_966 = arith.cmpi eq, %min3A_776, %eq3A_965 : vector<16xi32>
      %jit3A_967 = arith.constant 0.000000e+00 : f32
      %broadcast_in_dim3A_968 = vector.broadcast %jit3A_967 : f32 to vector<16xf32>
      %select_n3A_969 = arith.select %eq3A_966, %get3A_961, %broadcast_in_dim3A_968 : vector<16xi1>, vector<16xf32>
      %add3A_970 = arith.addf %add3A_956, %select_n3A_969 : vector<16xf32>
      %add3A_971 = arith.constant 28672 : i32
      %add3A_972 = arith.addi %add3A_971, %mul3A_758 : i32
      %get3A_973 = arith.index_cast %add3A_972 : i32 to index
      %get3A_974 = tpu.vector_load %arg5[%get3A_973] {strides = array<i32>} : memref<40960xf32, #tpu.memory_space<vmem>>, vector<16xf32>,
      %get3A_975 = vector.shape_cast %get3A_974 : vector<16xf32> to vector<16xf32>
      %exp3A_976 = math.exp %get3A_975 : vector<16xf32>
      %add3A_977 = arith.addf %add3A_963, %exp3A_976 : vector<16xf32>
      %eq3A_978 = arith.constant 14 : i32
      %eq3A_979 = vector.broadcast %eq3A_978 : i32 to vector<16xi32>
      %eq3A_980 = arith.cmpi eq, %min3A_776, %eq3A_979 : vector<16xi32>
      %jit3A_981 = arith.constant 0.000000e+00 : f32
      %broadcast_in_dim3A_982 = vector.broadcast %jit3A_981 : f32 to vector<16xf32>
      %select_n3A_983 = arith.select %eq3A_980, %get3A_975, %broadcast_in_dim3A_982 : vector<16xi1>, vector<16xf32>
      %add3A_984 = arith.addf %add3A_970, %select_n3A_983 : vector<16xf32>
      %add3A_985 = arith.constant 30720 : i32
      %add3A_986 = arith.addi %add3A_985, %mul3A_758 : i32
      %get3A_987 = arith.index_cast %add3A_986 : i32 to index
      %get3A_988 = tpu.vector_load %arg5[%get3A_987] {strides = array<i32>} : memref<40960xf32, #tpu.memory_space<vmem>>, vector<16xf32>,
      %get3A_989 = vector.shape_cast %get3A_988 : vector<16xf32> to vector<16xf32>
      %exp3A_990 = math.exp %get3A_989 : vector<16xf32>
      %add3A_991 = arith.addf %add3A_977, %exp3A_990 : vector<16xf32>
      %eq3A_992 = arith.constant 15 : i32
      %eq3A_993 = vector.broadcast %eq3A_992 : i32 to vector<16xi32>
      %eq3A_994 = arith.cmpi eq, %min3A_776, %eq3A_993 : vector<16xi32>
      %jit3A_995 = arith.constant 0.000000e+00 : f32
      %broadcast_in_dim3A_996 = vector.broadcast %jit3A_995 : f32 to vector<16xf32>
      %select_n3A_997 = arith.select %eq3A_994, %get3A_989, %broadcast_in_dim3A_996 : vector<16xi1>, vector<16xf32>
      %add3A_998 = arith.addf %add3A_984, %select_n3A_997 : vector<16xf32>
      %add3A_999 = arith.constant 32768 : i32
      %add3A_1000 = arith.addi %add3A_999, %mul3A_758 : i32
      %get3A_1001 = arith.index_cast %add3A_1000 : i32 to index
      %get3A_1002 = tpu.vector_load %arg5[%get3A_1001] {strides = array<i32>} : memref<40960xf32, #tpu.memory_space<vmem>>, vector<16xf32>,
      %get3A_1003 = vector.shape_cast %get3A_1002 : vector<16xf32> to vector<16xf32>
      %exp3A_1004 = math.exp %get3A_1003 : vector<16xf32>
      %add3A_1005 = arith.addf %add3A_991, %exp3A_1004 : vector<16xf32>
      %eq3A_1006 = arith.constant 16 : i32
      %eq3A_1007 = vector.broadcast %eq3A_1006 : i32 to vector<16xi32>
      %eq3A_1008 = arith.cmpi eq, %min3A_776, %eq3A_1007 : vector<16xi32>
      %jit3A_1009 = arith.constant 0.000000e+00 : f32
      %broadcast_in_dim3A_1010 = vector.broadcast %jit3A_1009 : f32 to vector<16xf32>
      %select_n3A_1011 = arith.select %eq3A_1008, %get3A_1003, %broadcast_in_dim3A_1010 : vector<16xi1>, vector<16xf32>
      %add3A_1012 = arith.addf %add3A_998, %select_n3A_1011 : vector<16xf32>
      %add3A_1013 = arith.constant 34816 : i32
      %add3A_1014 = arith.addi %add3A_1013, %mul3A_758 : i32
      %get3A_1015 = arith.index_cast %add3A_1014 : i32 to index
      %get3A_1016 = tpu.vector_load %arg5[%get3A_1015] {strides = array<i32>} : memref<40960xf32, #tpu.memory_space<vmem>>, vector<16xf32>,
      %get3A_1017 = vector.shape_cast %get3A_1016 : vector<16xf32> to vector<16xf32>
      %exp3A_1018 = math.exp %get3A_1017 : vector<16xf32>
      %add3A_1019 = arith.addf %add3A_1005, %exp3A_1018 : vector<16xf32>
      %eq3A_1020 = arith.constant 17 : i32
      %eq3A_1021 = vector.broadcast %eq3A_1020 : i32 to vector<16xi32>
      %eq3A_1022 = arith.cmpi eq, %min3A_776, %eq3A_1021 : vector<16xi32>
      %jit3A_1023 = arith.constant 0.000000e+00 : f32
      %broadcast_in_dim3A_1024 = vector.broadcast %jit3A_1023 : f32 to vector<16xf32>
      %select_n3A_1025 = arith.select %eq3A_1022, %get3A_1017, %broadcast_in_dim3A_1024 : vector<16xi1>, vector<16xf32>
      %add3A_1026 = arith.addf %add3A_1012, %select_n3A_1025 : vector<16xf32>
      %add3A_1027 = arith.constant 36864 : i32
      %add3A_1028 = arith.addi %add3A_1027, %mul3A_758 : i32
      %get3A_1029 = arith.index_cast %add3A_1028 : i32 to index
      %get3A_1030 = tpu.vector_load %arg5[%get3A_1029] {strides = array<i32>} : memref<40960xf32, #tpu.memory_space<vmem>>, vector<16xf32>,
      %get3A_1031 = vector.shape_cast %get3A_1030 : vector<16xf32> to vector<16xf32>
      %exp3A_1032 = math.exp %get3A_1031 : vector<16xf32>
      %add3A_1033 = arith.addf %add3A_1019, %exp3A_1032 : vector<16xf32>
      %eq3A_1034 = arith.constant 18 : i32
      %eq3A_1035 = vector.broadcast %eq3A_1034 : i32 to vector<16xi32>
      %eq3A_1036 = arith.cmpi eq, %min3A_776, %eq3A_1035 : vector<16xi32>
      %jit3A_1037 = arith.constant 0.000000e+00 : f32
      %broadcast_in_dim3A_1038 = vector.broadcast %jit3A_1037 : f32 to vector<16xf32>
      %select_n3A_1039 = arith.select %eq3A_1036, %get3A_1031, %broadcast_in_dim3A_1038 : vector<16xi1>, vector<16xf32>
      %add3A_1040 = arith.addf %add3A_1026, %select_n3A_1039 : vector<16xf32>
      %add3A_1041 = arith.constant 38912 : i32
      %add3A_1042 = arith.addi %add3A_1041, %mul3A_758 : i32
      %get3A_1043 = arith.index_cast %add3A_1042 : i32 to index
      %get3A_1044 = tpu.vector_load %arg5[%get3A_1043] {strides = array<i32>} : memref<40960xf32, #tpu.memory_space<vmem>>, vector<16xf32>,
      %get3A_1045 = vector.shape_cast %get3A_1044 : vector<16xf32> to vector<16xf32>
      %exp3A_1046 = math.exp %get3A_1045 : vector<16xf32>
      %add3A_1047 = arith.addf %add3A_1033, %exp3A_1046 : vector<16xf32>
      %eq3A_1048 = arith.constant 19 : i32
      %eq3A_1049 = vector.broadcast %eq3A_1048 : i32 to vector<16xi32>
      %eq3A_1050 = arith.cmpi eq, %min3A_776, %eq3A_1049 : vector<16xi32>
      %jit3A_1051 = arith.constant 0.000000e+00 : f32
      %broadcast_in_dim3A_1052 = vector.broadcast %jit3A_1051 : f32 to vector<16xf32>
      %select_n3A_1053 = arith.select %eq3A_1050, %get3A_1045, %broadcast_in_dim3A_1052 : vector<16xi1>, vector<16xf32>
      %add3A_1054 = arith.addf %add3A_1040, %select_n3A_1053 : vector<16xf32>
      %bitcast_convert_type3A = tpu.bitcast %add3A_1047 : vector<16xf32> -> vector<16xi32>
      %shift_right_logical3A = arith.constant 23 : i32
      %shift_right_logical3A_1055 = vector.broadcast %shift_right_logical3A : i32 to vector<16xi32>
      %shift_right_logical3A_1056 = arith.shrui %bitcast_convert_type3A, %shift_right_logical3A_1055 : vector<16xi32>
      %sub3A = arith.constant 127 : i32
      %sub3A_1057 = vector.broadcast %sub3A : i32 to vector<16xi32>
      %sub3A_1058 = arith.subi %shift_right_logical3A_1056, %sub3A_1057 : vector<16xi32>
      %and3A = arith.constant 8388607 : i32
      %and3A_1059 = vector.broadcast %and3A : i32 to vector<16xi32>
      %and3A_1060 = arith.andi %bitcast_convert_type3A, %and3A_1059 : vector<16xi32>
      %or3A = arith.constant 1065353216 : i32
      %or3A_1061 = vector.broadcast %or3A : i32 to vector<16xi32>
      %or3A_1062 = arith.ori %and3A_1060, %or3A_1061 : vector<16xi32>
      %bitcast_convert_type3A_1063 = tpu.bitcast %or3A_1062 : vector<16xi32> -> vector<16xf32>
      %sub3A_1064 = arith.constant 1.000000e+00 : f32
      %sub3A_1065 = vector.broadcast %sub3A_1064 : f32 to vector<16xf32>
      %sub3A_1066 = arith.subf %bitcast_convert_type3A_1063, %sub3A_1065 : vector<16xf32>
      %add3A_1067 = arith.constant 1.000000e+00 : f32
      %add3A_1068 = vector.broadcast %add3A_1067 : f32 to vector<16xf32>
      %add3A_1069 = arith.addf %bitcast_convert_type3A_1063, %add3A_1068 : vector<16xf32>
      %div3A = arith.divf %sub3A_1066, %add3A_1069 : vector<16xf32>
      %mul3A_1070 = arith.mulf %div3A, %div3A : vector<16xf32>
      %div3A_1071 = arith.constant 9.000000e+00 : f32
      %div3A_1072 = vector.broadcast %div3A_1071 : f32 to vector<16xf32>
      %div3A_1073 = arith.divf %mul3A_1070, %div3A_1072 : vector<16xf32>
      %add3A_1074 = arith.constant 0.142857149 : f32
      %add3A_1075 = vector.broadcast %add3A_1074 : f32 to vector<16xf32>
      %add3A_1076 = arith.addf %add3A_1075, %div3A_1073 : vector<16xf32>
      %mul3A_1077 = arith.mulf %mul3A_1070, %add3A_1076 : vector<16xf32>
      %add3A_1078 = arith.constant 2.000000e-01 : f32
      %add3A_1079 = vector.broadcast %add3A_1078 : f32 to vector<16xf32>
      %add3A_1080 = arith.addf %add3A_1079, %mul3A_1077 : vector<16xf32>
      %mul3A_1081 = arith.mulf %mul3A_1070, %add3A_1080 : vector<16xf32>
      %add3A_1082 = arith.constant 0.333333343 : f32
      %add3A_1083 = vector.broadcast %add3A_1082 : f32 to vector<16xf32>
      %add3A_1084 = arith.addf %add3A_1083, %mul3A_1081 : vector<16xf32>
      %mul3A_1085 = arith.mulf %mul3A_1070, %add3A_1084 : vector<16xf32>
      %add3A_1086 = arith.constant 1.000000e+00 : f32
      %add3A_1087 = vector.broadcast %add3A_1086 : f32 to vector<16xf32>
      %add3A_1088 = arith.addf %add3A_1087, %mul3A_1085 : vector<16xf32>
      %convert_element_type3A_1089 = arith.sitofp %sub3A_1058 : vector<16xi32> to vector<16xf32>
      %mul3A_1090 = arith.constant 0.693147182 : f32
      %mul3A_1091 = vector.broadcast %mul3A_1090 : f32 to vector<16xf32>
      %mul3A_1092 = arith.mulf %convert_element_type3A_1089, %mul3A_1091 : vector<16xf32>
      %mul3A_1093 = arith.constant 2.000000e+00 : f32
      %mul3A_1094 = vector.broadcast %mul3A_1093 : f32 to vector<16xf32>
      %mul3A_1095 = arith.mulf %mul3A_1094, %div3A : vector<16xf32>
      %mul3A_1096 = arith.mulf %mul3A_1095, %add3A_1088 : vector<16xf32>
      %add3A_1097 = arith.addf %mul3A_1092, %mul3A_1096 : vector<16xf32>
      %add3A_1098 = arith.addf %scan3A_756, %add3A_1097 : vector<16xf32>
      %sub3A_1099 = arith.subf %add3A_1098, %add3A_1054 : vector<16xf32>
      scf.yield %sub3A_1099 : vector<16xf32>
    }
    %scan3A_375 = arith.constant 128 : i32
    %swap3A_376 = arith.constant 0 : index
    %swap3A_377 = tpu.vector_load %arg7[%swap3A_376] {strides = array<i32>} : memref<16xf32, #tpu.memory_space<vmem>>, vector<16xf32>,
    %swap3A_378 = vector.shape_cast %swap3A_377 : vector<16xf32> to vector<16xf32>
    %swap3A_379 = vector.shape_cast %scan3A_374 : vector<16xf32> to vector<16xf32>
    tpu.vector_store %arg7[%swap3A_376], %swap3A_379 {strides = array<i32>} : memref<16xf32, #tpu.memory_space<vmem>>, vector<16xf32>,
    %add3A_380 = arith.constant 2048 : i32
    %add3A_381 = arith.addi %add3A_4, %add3A_380 : i32
    %dma_start3A_382 = arith.constant 0 : i32
    %dma_start3A_383 = arith.constant 0 : i32
    %dma_start3A_384 = tpu.memref_slice %arg5[%dma_start3A_383] : memref<40960xf32, #tpu.memory_space<vmem>> -> memref<2048xf32, #tpu.memory_space<vmem>>
    %dma_start3A_385 = tpu.memref_slice %arg2[%dma_start3A_382, %add3A_381] : memref<20x1048576xf32, #tpu.memory_space<hbm>> -> memref<1x2048xf32, #tpu.memory_space<hbm>>
    %dma_start3A_386 = tpu.memref_squeeze %dma_start3A_385 : memref<1x2048xf32, #tpu.memory_space<hbm>> -> memref<2048xf32, #tpu.memory_space<hbm>>
    %dma_start3A_387 = arith.constant 0 : i32
    %dma_start3A_388 = tpu.memref_slice %arg5[%dma_start3A_387] : memref<40960xf32, #tpu.memory_space<vmem>> -> memref<2048xf32, #tpu.memory_space<vmem>>
    %dma_start3A_389 = tpu.memref_slice %arg2[%dma_start3A_382, %add3A_381] : memref<20x1048576xf32, #tpu.memory_space<hbm>> -> memref<1x2048xf32, #tpu.memory_space<hbm>>
    %dma_start3A_390 = tpu.memref_squeeze %dma_start3A_389 : memref<1x2048xf32, #tpu.memory_space<hbm>> -> memref<2048xf32, #tpu.memory_space<hbm>>
    tpu.enqueue_dma source(%dma_start3A_390 : memref<2048xf32, #tpu.memory_space<hbm>>) target(%dma_start3A_388 : memref<2048xf32, #tpu.memory_space<vmem>>) target_semaphore(%arg8 : memref<!tpu.dma_semaphore, #tpu.memory_space<semaphore_mem>>)
    %dma_start3A_391 = arith.constant 1 : i32
    %dma_start3A_392 = arith.constant 2048 : i32
    %dma_start3A_393 = tpu.memref_slice %arg5[%dma_start3A_392] : memref<40960xf32, #tpu.memory_space<vmem>> -> memref<2048xf32, #tpu.memory_space<vmem>>
    %dma_start3A_394 = tpu.memref_slice %arg2[%dma_start3A_391, %add3A_381] : memref<20x1048576xf32, #tpu.memory_space<hbm>> -> memref<1x2048xf32, #tpu.memory_space<hbm>>
    %dma_start3A_395 = tpu.memref_squeeze %dma_start3A_394 : memref<1x2048xf32, #tpu.memory_space<hbm>> -> memref<2048xf32, #tpu.memory_space<hbm>>
    %dma_start3A_396 = arith.constant 2048 : i32
    %dma_start3A_397 = tpu.memref_slice %arg5[%dma_start3A_396] : memref<40960xf32, #tpu.memory_space<vmem>> -> memref<2048xf32, #tpu.memory_space<vmem>>
    %dma_start3A_398 = tpu.memref_slice %arg2[%dma_start3A_391, %add3A_381] : memref<20x1048576xf32, #tpu.memory_space<hbm>> -> memref<1x2048xf32, #tpu.memory_space<hbm>>
    %dma_start3A_399 = tpu.memref_squeeze %dma_start3A_398 : memref<1x2048xf32, #tpu.memory_space<hbm>> -> memref<2048xf32, #tpu.memory_space<hbm>>
    tpu.enqueue_dma source(%dma_start3A_399 : memref<2048xf32, #tpu.memory_space<hbm>>) target(%dma_start3A_397 : memref<2048xf32, #tpu.memory_space<vmem>>) target_semaphore(%arg8 : memref<!tpu.dma_semaphore, #tpu.memory_space<semaphore_mem>>)
    %dma_start3A_400 = arith.constant 2 : i32
    %dma_start3A_401 = arith.constant 4096 : i32
    %dma_start3A_402 = tpu.memref_slice %arg5[%dma_start3A_401] : memref<40960xf32, #tpu.memory_space<vmem>> -> memref<2048xf32, #tpu.memory_space<vmem>>
    %dma_start3A_403 = tpu.memref_slice %arg2[%dma_start3A_400, %add3A_381] : memref<20x1048576xf32, #tpu.memory_space<hbm>> -> memref<1x2048xf32, #tpu.memory_space<hbm>>
    %dma_start3A_404 = tpu.memref_squeeze %dma_start3A_403 : memref<1x2048xf32, #tpu.memory_space<hbm>> -> memref<2048xf32, #tpu.memory_space<hbm>>
    %dma_start3A_405 = arith.constant 4096 : i32
    %dma_start3A_406 = tpu.memref_slice %arg5[%dma_start3A_405] : memref<40960xf32, #tpu.memory_space<vmem>> -> memref<2048xf32, #tpu.memory_space<vmem>>
    %dma_start3A_407 = tpu.memref_slice %arg2[%dma_start3A_400, %add3A_381] : memref<20x1048576xf32, #tpu.memory_space<hbm>> -> memref<1x2048xf32, #tpu.memory_space<hbm>>
    %dma_start3A_408 = tpu.memref_squeeze %dma_start3A_407 : memref<1x2048xf32, #tpu.memory_space<hbm>> -> memref<2048xf32, #tpu.memory_space<hbm>>
    tpu.enqueue_dma source(%dma_start3A_408 : memref<2048xf32, #tpu.memory_space<hbm>>) target(%dma_start3A_406 : memref<2048xf32, #tpu.memory_space<vmem>>) target_semaphore(%arg8 : memref<!tpu.dma_semaphore, #tpu.memory_space<semaphore_mem>>)
    %dma_start3A_409 = arith.constant 3 : i32
    %dma_start3A_410 = arith.constant 6144 : i32
    %dma_start3A_411 = tpu.memref_slice %arg5[%dma_start3A_410] : memref<40960xf32, #tpu.memory_space<vmem>> -> memref<2048xf32, #tpu.memory_space<vmem>>
    %dma_start3A_412 = tpu.memref_slice %arg2[%dma_start3A_409, %add3A_381] : memref<20x1048576xf32, #tpu.memory_space<hbm>> -> memref<1x2048xf32, #tpu.memory_space<hbm>>
    %dma_start3A_413 = tpu.memref_squeeze %dma_start3A_412 : memref<1x2048xf32, #tpu.memory_space<hbm>> -> memref<2048xf32, #tpu.memory_space<hbm>>
    %dma_start3A_414 = arith.constant 6144 : i32
    %dma_start3A_415 = tpu.memref_slice %arg5[%dma_start3A_414] : memref<40960xf32, #tpu.memory_space<vmem>> -> memref<2048xf32, #tpu.memory_space<vmem>>
    %dma_start3A_416 = tpu.memref_slice %arg2[%dma_start3A_409, %add3A_381] : memref<20x1048576xf32, #tpu.memory_space<hbm>> -> memref<1x2048xf32, #tpu.memory_space<hbm>>
    %dma_start3A_417 = tpu.memref_squeeze %dma_start3A_416 : memref<1x2048xf32, #tpu.memory_space<hbm>> -> memref<2048xf32, #tpu.memory_space<hbm>>
    tpu.enqueue_dma source(%dma_start3A_417 : memref<2048xf32, #tpu.memory_space<hbm>>) target(%dma_start3A_415 : memref<2048xf32, #tpu.memory_space<vmem>>) target_semaphore(%arg8 : memref<!tpu.dma_semaphore, #tpu.memory_space<semaphore_mem>>)
    %dma_start3A_418 = arith.constant 4 : i32
    %dma_start3A_419 = arith.constant 8192 : i32
    %dma_start3A_420 = tpu.memref_slice %arg5[%dma_start3A_419] : memref<40960xf32, #tpu.memory_space<vmem>> -> memref<2048xf32, #tpu.memory_space<vmem>>
    %dma_start3A_421 = tpu.memref_slice %arg2[%dma_start3A_418, %add3A_381] : memref<20x1048576xf32, #tpu.memory_space<hbm>> -> memref<1x2048xf32, #tpu.memory_space<hbm>>
    %dma_start3A_422 = tpu.memref_squeeze %dma_start3A_421 : memref<1x2048xf32, #tpu.memory_space<hbm>> -> memref<2048xf32, #tpu.memory_space<hbm>>
    %dma_start3A_423 = arith.constant 8192 : i32
    %dma_start3A_424 = tpu.memref_slice %arg5[%dma_start3A_423] : memref<40960xf32, #tpu.memory_space<vmem>> -> memref<2048xf32, #tpu.memory_space<vmem>>
    %dma_start3A_425 = tpu.memref_slice %arg2[%dma_start3A_418, %add3A_381] : memref<20x1048576xf32, #tpu.memory_space<hbm>> -> memref<1x2048xf32, #tpu.memory_space<hbm>>
    %dma_start3A_426 = tpu.memref_squeeze %dma_start3A_425 : memref<1x2048xf32, #tpu.memory_space<hbm>> -> memref<2048xf32, #tpu.memory_space<hbm>>
    tpu.enqueue_dma source(%dma_start3A_426 : memref<2048xf32, #tpu.memory_space<hbm>>) target(%dma_start3A_424 : memref<2048xf32, #tpu.memory_space<vmem>>) target_semaphore(%arg8 : memref<!tpu.dma_semaphore, #tpu.memory_space<semaphore_mem>>)
    %dma_start3A_427 = arith.constant 5 : i32
    %dma_start3A_428 = arith.constant 10240 : i32
    %dma_start3A_429 = tpu.memref_slice %arg5[%dma_start3A_428] : memref<40960xf32, #tpu.memory_space<vmem>> -> memref<2048xf32, #tpu.memory_space<vmem>>
    %dma_start3A_430 = tpu.memref_slice %arg2[%dma_start3A_427, %add3A_381] : memref<20x1048576xf32, #tpu.memory_space<hbm>> -> memref<1x2048xf32, #tpu.memory_space<hbm>>
    %dma_start3A_431 = tpu.memref_squeeze %dma_start3A_430 : memref<1x2048xf32, #tpu.memory_space<hbm>> -> memref<2048xf32, #tpu.memory_space<hbm>>
    %dma_start3A_432 = arith.constant 10240 : i32
    %dma_start3A_433 = tpu.memref_slice %arg5[%dma_start3A_432] : memref<40960xf32, #tpu.memory_space<vmem>> -> memref<2048xf32, #tpu.memory_space<vmem>>
    %dma_start3A_434 = tpu.memref_slice %arg2[%dma_start3A_427, %add3A_381] : memref<20x1048576xf32, #tpu.memory_space<hbm>> -> memref<1x2048xf32, #tpu.memory_space<hbm>>
    %dma_start3A_435 = tpu.memref_squeeze %dma_start3A_434 : memref<1x2048xf32, #tpu.memory_space<hbm>> -> memref<2048xf32, #tpu.memory_space<hbm>>
    tpu.enqueue_dma source(%dma_start3A_435 : memref<2048xf32, #tpu.memory_space<hbm>>) target(%dma_start3A_433 : memref<2048xf32, #tpu.memory_space<vmem>>) target_semaphore(%arg8 : memref<!tpu.dma_semaphore, #tpu.memory_space<semaphore_mem>>)
    %dma_start3A_436 = arith.constant 6 : i32
    %dma_start3A_437 = arith.constant 12288 : i32
    %dma_start3A_438 = tpu.memref_slice %arg5[%dma_start3A_437] : memref<40960xf32, #tpu.memory_space<vmem>> -> memref<2048xf32, #tpu.memory_space<vmem>>
    %dma_start3A_439 = tpu.memref_slice %arg2[%dma_start3A_436, %add3A_381] : memref<20x1048576xf32, #tpu.memory_space<hbm>> -> memref<1x2048xf32, #tpu.memory_space<hbm>>
    %dma_start3A_440 = tpu.memref_squeeze %dma_start3A_439 : memref<1x2048xf32, #tpu.memory_space<hbm>> -> memref<2048xf32, #tpu.memory_space<hbm>>
    %dma_start3A_441 = arith.constant 12288 : i32
    %dma_start3A_442 = tpu.memref_slice %arg5[%dma_start3A_441] : memref<40960xf32, #tpu.memory_space<vmem>> -> memref<2048xf32, #tpu.memory_space<vmem>>
    %dma_start3A_443 = tpu.memref_slice %arg2[%dma_start3A_436, %add3A_381] : memref<20x1048576xf32, #tpu.memory_space<hbm>> -> memref<1x2048xf32, #tpu.memory_space<hbm>>
    %dma_start3A_444 = tpu.memref_squeeze %dma_start3A_443 : memref<1x2048xf32, #tpu.memory_space<hbm>> -> memref<2048xf32, #tpu.memory_space<hbm>>
    tpu.enqueue_dma source(%dma_start3A_444 : memref<2048xf32, #tpu.memory_space<hbm>>) target(%dma_start3A_442 : memref<2048xf32, #tpu.memory_space<vmem>>) target_semaphore(%arg8 : memref<!tpu.dma_semaphore, #tpu.memory_space<semaphore_mem>>)
    %dma_start3A_445 = arith.constant 7 : i32
    %dma_start3A_446 = arith.constant 14336 : i32
    %dma_start3A_447 = tpu.memref_slice %arg5[%dma_start3A_446] : memref<40960xf32, #tpu.memory_space<vmem>> -> memref<2048xf32, #tpu.memory_space<vmem>>
    %dma_start3A_448 = tpu.memref_slice %arg2[%dma_start3A_445, %add3A_381] : memref<20x1048576xf32, #tpu.memory_space<hbm>> -> memref<1x2048xf32, #tpu.memory_space<hbm>>
    %dma_start3A_449 = tpu.memref_squeeze %dma_start3A_448 : memref<1x2048xf32, #tpu.memory_space<hbm>> -> memref<2048xf32, #tpu.memory_space<hbm>>
    %dma_start3A_450 = arith.constant 14336 : i32
    %dma_start3A_451 = tpu.memref_slice %arg5[%dma_start3A_450] : memref<40960xf32, #tpu.memory_space<vmem>> -> memref<2048xf32, #tpu.memory_space<vmem>>
    %dma_start3A_452 = tpu.memref_slice %arg2[%dma_start3A_445, %add3A_381] : memref<20x1048576xf32, #tpu.memory_space<hbm>> -> memref<1x2048xf32, #tpu.memory_space<hbm>>
    %dma_start3A_453 = tpu.memref_squeeze %dma_start3A_452 : memref<1x2048xf32, #tpu.memory_space<hbm>> -> memref<2048xf32, #tpu.memory_space<hbm>>
    tpu.enqueue_dma source(%dma_start3A_453 : memref<2048xf32, #tpu.memory_space<hbm>>) target(%dma_start3A_451 : memref<2048xf32, #tpu.memory_space<vmem>>) target_semaphore(%arg8 : memref<!tpu.dma_semaphore, #tpu.memory_space<semaphore_mem>>)
    %dma_start3A_454 = arith.constant 8 : i32
    %dma_start3A_455 = arith.constant 16384 : i32
    %dma_start3A_456 = tpu.memref_slice %arg5[%dma_start3A_455] : memref<40960xf32, #tpu.memory_space<vmem>> -> memref<2048xf32, #tpu.memory_space<vmem>>
    %dma_start3A_457 = tpu.memref_slice %arg2[%dma_start3A_454, %add3A_381] : memref<20x1048576xf32, #tpu.memory_space<hbm>> -> memref<1x2048xf32, #tpu.memory_space<hbm>>
    %dma_start3A_458 = tpu.memref_squeeze %dma_start3A_457 : memref<1x2048xf32, #tpu.memory_space<hbm>> -> memref<2048xf32, #tpu.memory_space<hbm>>
    %dma_start3A_459 = arith.constant 16384 : i32
    %dma_start3A_460 = tpu.memref_slice %arg5[%dma_start3A_459] : memref<40960xf32, #tpu.memory_space<vmem>> -> memref<2048xf32, #tpu.memory_space<vmem>>
    %dma_start3A_461 = tpu.memref_slice %arg2[%dma_start3A_454, %add3A_381] : memref<20x1048576xf32, #tpu.memory_space<hbm>> -> memref<1x2048xf32, #tpu.memory_space<hbm>>
    %dma_start3A_462 = tpu.memref_squeeze %dma_start3A_461 : memref<1x2048xf32, #tpu.memory_space<hbm>> -> memref<2048xf32, #tpu.memory_space<hbm>>
    tpu.enqueue_dma source(%dma_start3A_462 : memref<2048xf32, #tpu.memory_space<hbm>>) target(%dma_start3A_460 : memref<2048xf32, #tpu.memory_space<vmem>>) target_semaphore(%arg8 : memref<!tpu.dma_semaphore, #tpu.memory_space<semaphore_mem>>)
    %dma_start3A_463 = arith.constant 9 : i32
    %dma_start3A_464 = arith.constant 18432 : i32
    %dma_start3A_465 = tpu.memref_slice %arg5[%dma_start3A_464] : memref<40960xf32, #tpu.memory_space<vmem>> -> memref<2048xf32, #tpu.memory_space<vmem>>
    %dma_start3A_466 = tpu.memref_slice %arg2[%dma_start3A_463, %add3A_381] : memref<20x1048576xf32, #tpu.memory_space<hbm>> -> memref<1x2048xf32, #tpu.memory_space<hbm>>
    %dma_start3A_467 = tpu.memref_squeeze %dma_start3A_466 : memref<1x2048xf32, #tpu.memory_space<hbm>> -> memref<2048xf32, #tpu.memory_space<hbm>>
    %dma_start3A_468 = arith.constant 18432 : i32
    %dma_start3A_469 = tpu.memref_slice %arg5[%dma_start3A_468] : memref<40960xf32, #tpu.memory_space<vmem>> -> memref<2048xf32, #tpu.memory_space<vmem>>
    %dma_start3A_470 = tpu.memref_slice %arg2[%dma_start3A_463, %add3A_381] : memref<20x1048576xf32, #tpu.memory_space<hbm>> -> memref<1x2048xf32, #tpu.memory_space<hbm>>
    %dma_start3A_471 = tpu.memref_squeeze %dma_start3A_470 : memref<1x2048xf32, #tpu.memory_space<hbm>> -> memref<2048xf32, #tpu.memory_space<hbm>>
    tpu.enqueue_dma source(%dma_start3A_471 : memref<2048xf32, #tpu.memory_space<hbm>>) target(%dma_start3A_469 : memref<2048xf32, #tpu.memory_space<vmem>>) target_semaphore(%arg8 : memref<!tpu.dma_semaphore, #tpu.memory_space<semaphore_mem>>)
    %dma_start3A_472 = arith.constant 10 : i32
    %dma_start3A_473 = arith.constant 20480 : i32
    %dma_start3A_474 = tpu.memref_slice %arg5[%dma_start3A_473] : memref<40960xf32, #tpu.memory_space<vmem>> -> memref<2048xf32, #tpu.memory_space<vmem>>
    %dma_start3A_475 = tpu.memref_slice %arg2[%dma_start3A_472, %add3A_381] : memref<20x1048576xf32, #tpu.memory_space<hbm>> -> memref<1x2048xf32, #tpu.memory_space<hbm>>
    %dma_start3A_476 = tpu.memref_squeeze %dma_start3A_475 : memref<1x2048xf32, #tpu.memory_space<hbm>> -> memref<2048xf32, #tpu.memory_space<hbm>>
    %dma_start3A_477 = arith.constant 20480 : i32
    %dma_start3A_478 = tpu.memref_slice %arg5[%dma_start3A_477] : memref<40960xf32, #tpu.memory_space<vmem>> -> memref<2048xf32, #tpu.memory_space<vmem>>
    %dma_start3A_479 = tpu.memref_slice %arg2[%dma_start3A_472, %add3A_381] : memref<20x1048576xf32, #tpu.memory_space<hbm>> -> memref<1x2048xf32, #tpu.memory_space<hbm>>
    %dma_start3A_480 = tpu.memref_squeeze %dma_start3A_479 : memref<1x2048xf32, #tpu.memory_space<hbm>> -> memref<2048xf32, #tpu.memory_space<hbm>>
    tpu.enqueue_dma source(%dma_start3A_480 : memref<2048xf32, #tpu.memory_space<hbm>>) target(%dma_start3A_478 : memref<2048xf32, #tpu.memory_space<vmem>>) target_semaphore(%arg8 : memref<!tpu.dma_semaphore, #tpu.memory_space<semaphore_mem>>)
    %dma_start3A_481 = arith.constant 11 : i32
    %dma_start3A_482 = arith.constant 22528 : i32
    %dma_start3A_483 = tpu.memref_slice %arg5[%dma_start3A_482] : memref<40960xf32, #tpu.memory_space<vmem>> -> memref<2048xf32, #tpu.memory_space<vmem>>
    %dma_start3A_484 = tpu.memref_slice %arg2[%dma_start3A_481, %add3A_381] : memref<20x1048576xf32, #tpu.memory_space<hbm>> -> memref<1x2048xf32, #tpu.memory_space<hbm>>
    %dma_start3A_485 = tpu.memref_squeeze %dma_start3A_484 : memref<1x2048xf32, #tpu.memory_space<hbm>> -> memref<2048xf32, #tpu.memory_space<hbm>>
    %dma_start3A_486 = arith.constant 22528 : i32
    %dma_start3A_487 = tpu.memref_slice %arg5[%dma_start3A_486] : memref<40960xf32, #tpu.memory_space<vmem>> -> memref<2048xf32, #tpu.memory_space<vmem>>
    %dma_start3A_488 = tpu.memref_slice %arg2[%dma_start3A_481, %add3A_381] : memref<20x1048576xf32, #tpu.memory_space<hbm>> -> memref<1x2048xf32, #tpu.memory_space<hbm>>
    %dma_start3A_489 = tpu.memref_squeeze %dma_start3A_488 : memref<1x2048xf32, #tpu.memory_space<hbm>> -> memref<2048xf32, #tpu.memory_space<hbm>>
    tpu.enqueue_dma source(%dma_start3A_489 : memref<2048xf32, #tpu.memory_space<hbm>>) target(%dma_start3A_487 : memref<2048xf32, #tpu.memory_space<vmem>>) target_semaphore(%arg8 : memref<!tpu.dma_semaphore, #tpu.memory_space<semaphore_mem>>)
    %dma_start3A_490 = arith.constant 12 : i32
    %dma_start3A_491 = arith.constant 24576 : i32
    %dma_start3A_492 = tpu.memref_slice %arg5[%dma_start3A_491] : memref<40960xf32, #tpu.memory_space<vmem>> -> memref<2048xf32, #tpu.memory_space<vmem>>
    %dma_start3A_493 = tpu.memref_slice %arg2[%dma_start3A_490, %add3A_381] : memref<20x1048576xf32, #tpu.memory_space<hbm>> -> memref<1x2048xf32, #tpu.memory_space<hbm>>
    %dma_start3A_494 = tpu.memref_squeeze %dma_start3A_493 : memref<1x2048xf32, #tpu.memory_space<hbm>> -> memref<2048xf32, #tpu.memory_space<hbm>>
    %dma_start3A_495 = arith.constant 24576 : i32
    %dma_start3A_496 = tpu.memref_slice %arg5[%dma_start3A_495] : memref<40960xf32, #tpu.memory_space<vmem>> -> memref<2048xf32, #tpu.memory_space<vmem>>
    %dma_start3A_497 = tpu.memref_slice %arg2[%dma_start3A_490, %add3A_381] : memref<20x1048576xf32, #tpu.memory_space<hbm>> -> memref<1x2048xf32, #tpu.memory_space<hbm>>
    %dma_start3A_498 = tpu.memref_squeeze %dma_start3A_497 : memref<1x2048xf32, #tpu.memory_space<hbm>> -> memref<2048xf32, #tpu.memory_space<hbm>>
    tpu.enqueue_dma source(%dma_start3A_498 : memref<2048xf32, #tpu.memory_space<hbm>>) target(%dma_start3A_496 : memref<2048xf32, #tpu.memory_space<vmem>>) target_semaphore(%arg8 : memref<!tpu.dma_semaphore, #tpu.memory_space<semaphore_mem>>)
    %dma_start3A_499 = arith.constant 13 : i32
    %dma_start3A_500 = arith.constant 26624 : i32
    %dma_start3A_501 = tpu.memref_slice %arg5[%dma_start3A_500] : memref<40960xf32, #tpu.memory_space<vmem>> -> memref<2048xf32, #tpu.memory_space<vmem>>
    %dma_start3A_502 = tpu.memref_slice %arg2[%dma_start3A_499, %add3A_381] : memref<20x1048576xf32, #tpu.memory_space<hbm>> -> memref<1x2048xf32, #tpu.memory_space<hbm>>
    %dma_start3A_503 = tpu.memref_squeeze %dma_start3A_502 : memref<1x2048xf32, #tpu.memory_space<hbm>> -> memref<2048xf32, #tpu.memory_space<hbm>>
    %dma_start3A_504 = arith.constant 26624 : i32
    %dma_start3A_505 = tpu.memref_slice %arg5[%dma_start3A_504] : memref<40960xf32, #tpu.memory_space<vmem>> -> memref<2048xf32, #tpu.memory_space<vmem>>
    %dma_start3A_506 = tpu.memref_slice %arg2[%dma_start3A_499, %add3A_381] : memref<20x1048576xf32, #tpu.memory_space<hbm>> -> memref<1x2048xf32, #tpu.memory_space<hbm>>
    %dma_start3A_507 = tpu.memref_squeeze %dma_start3A_506 : memref<1x2048xf32, #tpu.memory_space<hbm>> -> memref<2048xf32, #tpu.memory_space<hbm>>
    tpu.enqueue_dma source(%dma_start3A_507 : memref<2048xf32, #tpu.memory_space<hbm>>) target(%dma_start3A_505 : memref<2048xf32, #tpu.memory_space<vmem>>) target_semaphore(%arg8 : memref<!tpu.dma_semaphore, #tpu.memory_space<semaphore_mem>>)
    %dma_start3A_508 = arith.constant 14 : i32
    %dma_start3A_509 = arith.constant 28672 : i32
    %dma_start3A_510 = tpu.memref_slice %arg5[%dma_start3A_509] : memref<40960xf32, #tpu.memory_space<vmem>> -> memref<2048xf32, #tpu.memory_space<vmem>>
    %dma_start3A_511 = tpu.memref_slice %arg2[%dma_start3A_508, %add3A_381] : memref<20x1048576xf32, #tpu.memory_space<hbm>> -> memref<1x2048xf32, #tpu.memory_space<hbm>>
    %dma_start3A_512 = tpu.memref_squeeze %dma_start3A_511 : memref<1x2048xf32, #tpu.memory_space<hbm>> -> memref<2048xf32, #tpu.memory_space<hbm>>
    %dma_start3A_513 = arith.constant 28672 : i32
    %dma_start3A_514 = tpu.memref_slice %arg5[%dma_start3A_513] : memref<40960xf32, #tpu.memory_space<vmem>> -> memref<2048xf32, #tpu.memory_space<vmem>>
    %dma_start3A_515 = tpu.memref_slice %arg2[%dma_start3A_508, %add3A_381] : memref<20x1048576xf32, #tpu.memory_space<hbm>> -> memref<1x2048xf32, #tpu.memory_space<hbm>>
    %dma_start3A_516 = tpu.memref_squeeze %dma_start3A_515 : memref<1x2048xf32, #tpu.memory_space<hbm>> -> memref<2048xf32, #tpu.memory_space<hbm>>
    tpu.enqueue_dma source(%dma_start3A_516 : memref<2048xf32, #tpu.memory_space<hbm>>) target(%dma_start3A_514 : memref<2048xf32, #tpu.memory_space<vmem>>) target_semaphore(%arg8 : memref<!tpu.dma_semaphore, #tpu.memory_space<semaphore_mem>>)
    %dma_start3A_517 = arith.constant 15 : i32
    %dma_start3A_518 = arith.constant 30720 : i32
    %dma_start3A_519 = tpu.memref_slice %arg5[%dma_start3A_518] : memref<40960xf32, #tpu.memory_space<vmem>> -> memref<2048xf32, #tpu.memory_space<vmem>>
    %dma_start3A_520 = tpu.memref_slice %arg2[%dma_start3A_517, %add3A_381] : memref<20x1048576xf32, #tpu.memory_space<hbm>> -> memref<1x2048xf32, #tpu.memory_space<hbm>>
    %dma_start3A_521 = tpu.memref_squeeze %dma_start3A_520 : memref<1x2048xf32, #tpu.memory_space<hbm>> -> memref<2048xf32, #tpu.memory_space<hbm>>
    %dma_start3A_522 = arith.constant 30720 : i32
    %dma_start3A_523 = tpu.memref_slice %arg5[%dma_start3A_522] : memref<40960xf32, #tpu.memory_space<vmem>> -> memref<2048xf32, #tpu.memory_space<vmem>>
    %dma_start3A_524 = tpu.memref_slice %arg2[%dma_start3A_517, %add3A_381] : memref<20x1048576xf32, #tpu.memory_space<hbm>> -> memref<1x2048xf32, #tpu.memory_space<hbm>>
    %dma_start3A_525 = tpu.memref_squeeze %dma_start3A_524 : memref<1x2048xf32, #tpu.memory_space<hbm>> -> memref<2048xf32, #tpu.memory_space<hbm>>
    tpu.enqueue_dma source(%dma_start3A_525 : memref<2048xf32, #tpu.memory_space<hbm>>) target(%dma_start3A_523 : memref<2048xf32, #tpu.memory_space<vmem>>) target_semaphore(%arg8 : memref<!tpu.dma_semaphore, #tpu.memory_space<semaphore_mem>>)
    %dma_start3A_526 = arith.constant 16 : i32
    %dma_start3A_527 = arith.constant 32768 : i32
    %dma_start3A_528 = tpu.memref_slice %arg5[%dma_start3A_527] : memref<40960xf32, #tpu.memory_space<vmem>> -> memref<2048xf32, #tpu.memory_space<vmem>>
    %dma_start3A_529 = tpu.memref_slice %arg2[%dma_start3A_526, %add3A_381] : memref<20x1048576xf32, #tpu.memory_space<hbm>> -> memref<1x2048xf32, #tpu.memory_space<hbm>>
    %dma_start3A_530 = tpu.memref_squeeze %dma_start3A_529 : memref<1x2048xf32, #tpu.memory_space<hbm>> -> memref<2048xf32, #tpu.memory_space<hbm>>
    %dma_start3A_531 = arith.constant 32768 : i32
    %dma_start3A_532 = tpu.memref_slice %arg5[%dma_start3A_531] : memref<40960xf32, #tpu.memory_space<vmem>> -> memref<2048xf32, #tpu.memory_space<vmem>>
    %dma_start3A_533 = tpu.memref_slice %arg2[%dma_start3A_526, %add3A_381] : memref<20x1048576xf32, #tpu.memory_space<hbm>> -> memref<1x2048xf32, #tpu.memory_space<hbm>>
    %dma_start3A_534 = tpu.memref_squeeze %dma_start3A_533 : memref<1x2048xf32, #tpu.memory_space<hbm>> -> memref<2048xf32, #tpu.memory_space<hbm>>
    tpu.enqueue_dma source(%dma_start3A_534 : memref<2048xf32, #tpu.memory_space<hbm>>) target(%dma_start3A_532 : memref<2048xf32, #tpu.memory_space<vmem>>) target_semaphore(%arg8 : memref<!tpu.dma_semaphore, #tpu.memory_space<semaphore_mem>>)
    %dma_start3A_535 = arith.constant 17 : i32
    %dma_start3A_536 = arith.constant 34816 : i32
    %dma_start3A_537 = tpu.memref_slice %arg5[%dma_start3A_536] : memref<40960xf32, #tpu.memory_space<vmem>> -> memref<2048xf32, #tpu.memory_space<vmem>>
    %dma_start3A_538 = tpu.memref_slice %arg2[%dma_start3A_535, %add3A_381] : memref<20x1048576xf32, #tpu.memory_space<hbm>> -> memref<1x2048xf32, #tpu.memory_space<hbm>>
    %dma_start3A_539 = tpu.memref_squeeze %dma_start3A_538 : memref<1x2048xf32, #tpu.memory_space<hbm>> -> memref<2048xf32, #tpu.memory_space<hbm>>
    %dma_start3A_540 = arith.constant 34816 : i32
    %dma_start3A_541 = tpu.memref_slice %arg5[%dma_start3A_540] : memref<40960xf32, #tpu.memory_space<vmem>> -> memref<2048xf32, #tpu.memory_space<vmem>>
    %dma_start3A_542 = tpu.memref_slice %arg2[%dma_start3A_535, %add3A_381] : memref<20x1048576xf32, #tpu.memory_space<hbm>> -> memref<1x2048xf32, #tpu.memory_space<hbm>>
    %dma_start3A_543 = tpu.memref_squeeze %dma_start3A_542 : memref<1x2048xf32, #tpu.memory_space<hbm>> -> memref<2048xf32, #tpu.memory_space<hbm>>
    tpu.enqueue_dma source(%dma_start3A_543 : memref<2048xf32, #tpu.memory_space<hbm>>) target(%dma_start3A_541 : memref<2048xf32, #tpu.memory_space<vmem>>) target_semaphore(%arg8 : memref<!tpu.dma_semaphore, #tpu.memory_space<semaphore_mem>>)
    %dma_start3A_544 = arith.constant 18 : i32
    %dma_start3A_545 = arith.constant 36864 : i32
    %dma_start3A_546 = tpu.memref_slice %arg5[%dma_start3A_545] : memref<40960xf32, #tpu.memory_space<vmem>> -> memref<2048xf32, #tpu.memory_space<vmem>>
    %dma_start3A_547 = tpu.memref_slice %arg2[%dma_start3A_544, %add3A_381] : memref<20x1048576xf32, #tpu.memory_space<hbm>> -> memref<1x2048xf32, #tpu.memory_space<hbm>>
    %dma_start3A_548 = tpu.memref_squeeze %dma_start3A_547 : memref<1x2048xf32, #tpu.memory_space<hbm>> -> memref<2048xf32, #tpu.memory_space<hbm>>
    %dma_start3A_549 = arith.constant 36864 : i32
    %dma_start3A_550 = tpu.memref_slice %arg5[%dma_start3A_549] : memref<40960xf32, #tpu.memory_space<vmem>> -> memref<2048xf32, #tpu.memory_space<vmem>>
    %dma_start3A_551 = tpu.memref_slice %arg2[%dma_start3A_544, %add3A_381] : memref<20x1048576xf32, #tpu.memory_space<hbm>> -> memref<1x2048xf32, #tpu.memory_space<hbm>>
    %dma_start3A_552 = tpu.memref_squeeze %dma_start3A_551 : memref<1x2048xf32, #tpu.memory_space<hbm>> -> memref<2048xf32, #tpu.memory_space<hbm>>
    tpu.enqueue_dma source(%dma_start3A_552 : memref<2048xf32, #tpu.memory_space<hbm>>) target(%dma_start3A_550 : memref<2048xf32, #tpu.memory_space<vmem>>) target_semaphore(%arg8 : memref<!tpu.dma_semaphore, #tpu.memory_space<semaphore_mem>>)
    %dma_start3A_553 = arith.constant 19 : i32
    %dma_start3A_554 = arith.constant 38912 : i32
    %dma_start3A_555 = tpu.memref_slice %arg5[%dma_start3A_554] : memref<40960xf32, #tpu.memory_space<vmem>> -> memref<2048xf32, #tpu.memory_space<vmem>>
    %dma_start3A_556 = tpu.memref_slice %arg2[%dma_start3A_553, %add3A_381] : memref<20x1048576xf32, #tpu.memory_space<hbm>> -> memref<1x2048xf32, #tpu.memory_space<hbm>>
    %dma_start3A_557 = tpu.memref_squeeze %dma_start3A_556 : memref<1x2048xf32, #tpu.memory_space<hbm>> -> memref<2048xf32, #tpu.memory_space<hbm>>
    %dma_start3A_558 = arith.constant 38912 : i32
    %dma_start3A_559 = tpu.memref_slice %arg5[%dma_start3A_558] : memref<40960xf32, #tpu.memory_space<vmem>> -> memref<2048xf32, #tpu.memory_space<vmem>>
    %dma_start3A_560 = tpu.memref_slice %arg2[%dma_start3A_553, %add3A_381] : memref<20x1048576xf32, #tpu.memory_space<hbm>> -> memref<1x2048xf32, #tpu.memory_space<hbm>>
    %dma_start3A_561 = tpu.memref_squeeze %dma_start3A_560 : memref<1x2048xf32, #tpu.memory_space<hbm>> -> memref<2048xf32, #tpu.memory_space<hbm>>
    tpu.enqueue_dma source(%dma_start3A_561 : memref<2048xf32, #tpu.memory_space<hbm>>) target(%dma_start3A_559 : memref<2048xf32, #tpu.memory_space<vmem>>) target_semaphore(%arg8 : memref<!tpu.dma_semaphore, #tpu.memory_space<semaphore_mem>>)
    "tpu.region"() ({
      %run_scoped3A = tpu.sem_alloc : memref<!tpu.dma_semaphore, #tpu.memory_space<semaphore_mem>>
      %dma_start3A_755 = tpu.memref_slice %arg3[%add3A_381] : memref<1048576xf32, #tpu.memory_space<hbm>> -> memref<2048xf32, #tpu.memory_space<hbm>>
      %dma_start3A_756 = tpu.memref_slice %arg3[%add3A_381] : memref<1048576xf32, #tpu.memory_space<hbm>> -> memref<2048xf32, #tpu.memory_space<hbm>>
      tpu.enqueue_dma source(%dma_start3A_756 : memref<2048xf32, #tpu.memory_space<hbm>>) target(%arg6 : memref<2048xf32, #tpu.memory_space<vmem>>) target_semaphore(%run_scoped3A : memref<!tpu.dma_semaphore, #tpu.memory_space<semaphore_mem>>)
      %dma_wait3A_757 = tpu.memref_slice %arg3[%add3A_381] : memref<1048576xf32, #tpu.memory_space<hbm>> -> memref<2048xf32, #tpu.memory_space<hbm>>
      %dma_wait3A_758 = tpu.memref_slice %arg3[%add3A_381] : memref<1048576xf32, #tpu.memory_space<hbm>> -> memref<2048xf32, #tpu.memory_space<hbm>>
      tpu.wait_dma2 semaphore(%run_scoped3A : memref<!tpu.dma_semaphore, #tpu.memory_space<semaphore_mem>>) src(%dma_wait3A_758 : memref<2048xf32, #tpu.memory_space<hbm>>) dst(%arg6 : memref<2048xf32, #tpu.memory_space<vmem>>)
      tpu.yield
    }) : () -> ()
    %dma_wait3A_562 = arith.constant 0 : i32
    %dma_wait3A_563 = arith.constant 0 : i32
    %dma_wait3A_564 = tpu.memref_slice %arg5[%dma_wait3A_563] : memref<40960xf32, #tpu.memory_space<vmem>> -> memref<2048xf32, #tpu.memory_space<vmem>>
    %dma_wait3A_565 = tpu.memref_slice %arg2[%dma_wait3A_562, %add3A_381] : memref<20x1048576xf32, #tpu.memory_space<hbm>> -> memref<1x2048xf32, #tpu.memory_space<hbm>>
    %dma_wait3A_566 = tpu.memref_squeeze %dma_wait3A_565 : memref<1x2048xf32, #tpu.memory_space<hbm>> -> memref<2048xf32, #tpu.memory_space<hbm>>
    %dma_wait3A_567 = arith.constant 0 : i32
    %dma_wait3A_568 = tpu.memref_slice %arg5[%dma_wait3A_567] : memref<40960xf32, #tpu.memory_space<vmem>> -> memref<2048xf32, #tpu.memory_space<vmem>>
    %dma_wait3A_569 = tpu.memref_slice %arg2[%dma_wait3A_562, %add3A_381] : memref<20x1048576xf32, #tpu.memory_space<hbm>> -> memref<1x2048xf32, #tpu.memory_space<hbm>>
    %dma_wait3A_570 = tpu.memref_squeeze %dma_wait3A_569 : memref<1x2048xf32, #tpu.memory_space<hbm>> -> memref<2048xf32, #tpu.memory_space<hbm>>
    tpu.wait_dma2 semaphore(%arg8 : memref<!tpu.dma_semaphore, #tpu.memory_space<semaphore_mem>>) src(%dma_wait3A_570 : memref<2048xf32, #tpu.memory_space<hbm>>) dst(%dma_wait3A_568 : memref<2048xf32, #tpu.memory_space<vmem>>)
    %dma_wait3A_571 = arith.constant 1 : i32
    %dma_wait3A_572 = arith.constant 2048 : i32
    %dma_wait3A_573 = tpu.memref_slice %arg5[%dma_wait3A_572] : memref<40960xf32, #tpu.memory_space<vmem>> -> memref<2048xf32, #tpu.memory_space<vmem>>
    %dma_wait3A_574 = tpu.memref_slice %arg2[%dma_wait3A_571, %add3A_381] : memref<20x1048576xf32, #tpu.memory_space<hbm>> -> memref<1x2048xf32, #tpu.memory_space<hbm>>
    %dma_wait3A_575 = tpu.memref_squeeze %dma_wait3A_574 : memref<1x2048xf32, #tpu.memory_space<hbm>> -> memref<2048xf32, #tpu.memory_space<hbm>>
    %dma_wait3A_576 = arith.constant 2048 : i32
    %dma_wait3A_577 = tpu.memref_slice %arg5[%dma_wait3A_576] : memref<40960xf32, #tpu.memory_space<vmem>> -> memref<2048xf32, #tpu.memory_space<vmem>>
    %dma_wait3A_578 = tpu.memref_slice %arg2[%dma_wait3A_571, %add3A_381] : memref<20x1048576xf32, #tpu.memory_space<hbm>> -> memref<1x2048xf32, #tpu.memory_space<hbm>>
    %dma_wait3A_579 = tpu.memref_squeeze %dma_wait3A_578 : memref<1x2048xf32, #tpu.memory_space<hbm>> -> memref<2048xf32, #tpu.memory_space<hbm>>
    tpu.wait_dma2 semaphore(%arg8 : memref<!tpu.dma_semaphore, #tpu.memory_space<semaphore_mem>>) src(%dma_wait3A_579 : memref<2048xf32, #tpu.memory_space<hbm>>) dst(%dma_wait3A_577 : memref<2048xf32, #tpu.memory_space<vmem>>)
    %dma_wait3A_580 = arith.constant 2 : i32
    %dma_wait3A_581 = arith.constant 4096 : i32
    %dma_wait3A_582 = tpu.memref_slice %arg5[%dma_wait3A_581] : memref<40960xf32, #tpu.memory_space<vmem>> -> memref<2048xf32, #tpu.memory_space<vmem>>
    %dma_wait3A_583 = tpu.memref_slice %arg2[%dma_wait3A_580, %add3A_381] : memref<20x1048576xf32, #tpu.memory_space<hbm>> -> memref<1x2048xf32, #tpu.memory_space<hbm>>
    %dma_wait3A_584 = tpu.memref_squeeze %dma_wait3A_583 : memref<1x2048xf32, #tpu.memory_space<hbm>> -> memref<2048xf32, #tpu.memory_space<hbm>>
    %dma_wait3A_585 = arith.constant 4096 : i32
    %dma_wait3A_586 = tpu.memref_slice %arg5[%dma_wait3A_585] : memref<40960xf32, #tpu.memory_space<vmem>> -> memref<2048xf32, #tpu.memory_space<vmem>>
    %dma_wait3A_587 = tpu.memref_slice %arg2[%dma_wait3A_580, %add3A_381] : memref<20x1048576xf32, #tpu.memory_space<hbm>> -> memref<1x2048xf32, #tpu.memory_space<hbm>>
    %dma_wait3A_588 = tpu.memref_squeeze %dma_wait3A_587 : memref<1x2048xf32, #tpu.memory_space<hbm>> -> memref<2048xf32, #tpu.memory_space<hbm>>
    tpu.wait_dma2 semaphore(%arg8 : memref<!tpu.dma_semaphore, #tpu.memory_space<semaphore_mem>>) src(%dma_wait3A_588 : memref<2048xf32, #tpu.memory_space<hbm>>) dst(%dma_wait3A_586 : memref<2048xf32, #tpu.memory_space<vmem>>)
    %dma_wait3A_589 = arith.constant 3 : i32
    %dma_wait3A_590 = arith.constant 6144 : i32
    %dma_wait3A_591 = tpu.memref_slice %arg5[%dma_wait3A_590] : memref<40960xf32, #tpu.memory_space<vmem>> -> memref<2048xf32, #tpu.memory_space<vmem>>
    %dma_wait3A_592 = tpu.memref_slice %arg2[%dma_wait3A_589, %add3A_381] : memref<20x1048576xf32, #tpu.memory_space<hbm>> -> memref<1x2048xf32, #tpu.memory_space<hbm>>
    %dma_wait3A_593 = tpu.memref_squeeze %dma_wait3A_592 : memref<1x2048xf32, #tpu.memory_space<hbm>> -> memref<2048xf32, #tpu.memory_space<hbm>>
    %dma_wait3A_594 = arith.constant 6144 : i32
    %dma_wait3A_595 = tpu.memref_slice %arg5[%dma_wait3A_594] : memref<40960xf32, #tpu.memory_space<vmem>> -> memref<2048xf32, #tpu.memory_space<vmem>>
    %dma_wait3A_596 = tpu.memref_slice %arg2[%dma_wait3A_589, %add3A_381] : memref<20x1048576xf32, #tpu.memory_space<hbm>> -> memref<1x2048xf32, #tpu.memory_space<hbm>>
    %dma_wait3A_597 = tpu.memref_squeeze %dma_wait3A_596 : memref<1x2048xf32, #tpu.memory_space<hbm>> -> memref<2048xf32, #tpu.memory_space<hbm>>
    tpu.wait_dma2 semaphore(%arg8 : memref<!tpu.dma_semaphore, #tpu.memory_space<semaphore_mem>>) src(%dma_wait3A_597 : memref<2048xf32, #tpu.memory_space<hbm>>) dst(%dma_wait3A_595 : memref<2048xf32, #tpu.memory_space<vmem>>)
    %dma_wait3A_598 = arith.constant 4 : i32
    %dma_wait3A_599 = arith.constant 8192 : i32
    %dma_wait3A_600 = tpu.memref_slice %arg5[%dma_wait3A_599] : memref<40960xf32, #tpu.memory_space<vmem>> -> memref<2048xf32, #tpu.memory_space<vmem>>
    %dma_wait3A_601 = tpu.memref_slice %arg2[%dma_wait3A_598, %add3A_381] : memref<20x1048576xf32, #tpu.memory_space<hbm>> -> memref<1x2048xf32, #tpu.memory_space<hbm>>
    %dma_wait3A_602 = tpu.memref_squeeze %dma_wait3A_601 : memref<1x2048xf32, #tpu.memory_space<hbm>> -> memref<2048xf32, #tpu.memory_space<hbm>>
    %dma_wait3A_603 = arith.constant 8192 : i32
    %dma_wait3A_604 = tpu.memref_slice %arg5[%dma_wait3A_603] : memref<40960xf32, #tpu.memory_space<vmem>> -> memref<2048xf32, #tpu.memory_space<vmem>>
    %dma_wait3A_605 = tpu.memref_slice %arg2[%dma_wait3A_598, %add3A_381] : memref<20x1048576xf32, #tpu.memory_space<hbm>> -> memref<1x2048xf32, #tpu.memory_space<hbm>>
    %dma_wait3A_606 = tpu.memref_squeeze %dma_wait3A_605 : memref<1x2048xf32, #tpu.memory_space<hbm>> -> memref<2048xf32, #tpu.memory_space<hbm>>
    tpu.wait_dma2 semaphore(%arg8 : memref<!tpu.dma_semaphore, #tpu.memory_space<semaphore_mem>>) src(%dma_wait3A_606 : memref<2048xf32, #tpu.memory_space<hbm>>) dst(%dma_wait3A_604 : memref<2048xf32, #tpu.memory_space<vmem>>)
    %dma_wait3A_607 = arith.constant 5 : i32
    %dma_wait3A_608 = arith.constant 10240 : i32
    %dma_wait3A_609 = tpu.memref_slice %arg5[%dma_wait3A_608] : memref<40960xf32, #tpu.memory_space<vmem>> -> memref<2048xf32, #tpu.memory_space<vmem>>
    %dma_wait3A_610 = tpu.memref_slice %arg2[%dma_wait3A_607, %add3A_381] : memref<20x1048576xf32, #tpu.memory_space<hbm>> -> memref<1x2048xf32, #tpu.memory_space<hbm>>
    %dma_wait3A_611 = tpu.memref_squeeze %dma_wait3A_610 : memref<1x2048xf32, #tpu.memory_space<hbm>> -> memref<2048xf32, #tpu.memory_space<hbm>>
    %dma_wait3A_612 = arith.constant 10240 : i32
    %dma_wait3A_613 = tpu.memref_slice %arg5[%dma_wait3A_612] : memref<40960xf32, #tpu.memory_space<vmem>> -> memref<2048xf32, #tpu.memory_space<vmem>>
    %dma_wait3A_614 = tpu.memref_slice %arg2[%dma_wait3A_607, %add3A_381] : memref<20x1048576xf32, #tpu.memory_space<hbm>> -> memref<1x2048xf32, #tpu.memory_space<hbm>>
    %dma_wait3A_615 = tpu.memref_squeeze %dma_wait3A_614 : memref<1x2048xf32, #tpu.memory_space<hbm>> -> memref<2048xf32, #tpu.memory_space<hbm>>
    tpu.wait_dma2 semaphore(%arg8 : memref<!tpu.dma_semaphore, #tpu.memory_space<semaphore_mem>>) src(%dma_wait3A_615 : memref<2048xf32, #tpu.memory_space<hbm>>) dst(%dma_wait3A_613 : memref<2048xf32, #tpu.memory_space<vmem>>)
    %dma_wait3A_616 = arith.constant 6 : i32
    %dma_wait3A_617 = arith.constant 12288 : i32
    %dma_wait3A_618 = tpu.memref_slice %arg5[%dma_wait3A_617] : memref<40960xf32, #tpu.memory_space<vmem>> -> memref<2048xf32, #tpu.memory_space<vmem>>
    %dma_wait3A_619 = tpu.memref_slice %arg2[%dma_wait3A_616, %add3A_381] : memref<20x1048576xf32, #tpu.memory_space<hbm>> -> memref<1x2048xf32, #tpu.memory_space<hbm>>
    %dma_wait3A_620 = tpu.memref_squeeze %dma_wait3A_619 : memref<1x2048xf32, #tpu.memory_space<hbm>> -> memref<2048xf32, #tpu.memory_space<hbm>>
    %dma_wait3A_621 = arith.constant 12288 : i32
    %dma_wait3A_622 = tpu.memref_slice %arg5[%dma_wait3A_621] : memref<40960xf32, #tpu.memory_space<vmem>> -> memref<2048xf32, #tpu.memory_space<vmem>>
    %dma_wait3A_623 = tpu.memref_slice %arg2[%dma_wait3A_616, %add3A_381] : memref<20x1048576xf32, #tpu.memory_space<hbm>> -> memref<1x2048xf32, #tpu.memory_space<hbm>>
    %dma_wait3A_624 = tpu.memref_squeeze %dma_wait3A_623 : memref<1x2048xf32, #tpu.memory_space<hbm>> -> memref<2048xf32, #tpu.memory_space<hbm>>
    tpu.wait_dma2 semaphore(%arg8 : memref<!tpu.dma_semaphore, #tpu.memory_space<semaphore_mem>>) src(%dma_wait3A_624 : memref<2048xf32, #tpu.memory_space<hbm>>) dst(%dma_wait3A_622 : memref<2048xf32, #tpu.memory_space<vmem>>)
    %dma_wait3A_625 = arith.constant 7 : i32
    %dma_wait3A_626 = arith.constant 14336 : i32
    %dma_wait3A_627 = tpu.memref_slice %arg5[%dma_wait3A_626] : memref<40960xf32, #tpu.memory_space<vmem>> -> memref<2048xf32, #tpu.memory_space<vmem>>
    %dma_wait3A_628 = tpu.memref_slice %arg2[%dma_wait3A_625, %add3A_381] : memref<20x1048576xf32, #tpu.memory_space<hbm>> -> memref<1x2048xf32, #tpu.memory_space<hbm>>
    %dma_wait3A_629 = tpu.memref_squeeze %dma_wait3A_628 : memref<1x2048xf32, #tpu.memory_space<hbm>> -> memref<2048xf32, #tpu.memory_space<hbm>>
    %dma_wait3A_630 = arith.constant 14336 : i32
    %dma_wait3A_631 = tpu.memref_slice %arg5[%dma_wait3A_630] : memref<40960xf32, #tpu.memory_space<vmem>> -> memref<2048xf32, #tpu.memory_space<vmem>>
    %dma_wait3A_632 = tpu.memref_slice %arg2[%dma_wait3A_625, %add3A_381] : memref<20x1048576xf32, #tpu.memory_space<hbm>> -> memref<1x2048xf32, #tpu.memory_space<hbm>>
    %dma_wait3A_633 = tpu.memref_squeeze %dma_wait3A_632 : memref<1x2048xf32, #tpu.memory_space<hbm>> -> memref<2048xf32, #tpu.memory_space<hbm>>
    tpu.wait_dma2 semaphore(%arg8 : memref<!tpu.dma_semaphore, #tpu.memory_space<semaphore_mem>>) src(%dma_wait3A_633 : memref<2048xf32, #tpu.memory_space<hbm>>) dst(%dma_wait3A_631 : memref<2048xf32, #tpu.memory_space<vmem>>)
    %dma_wait3A_634 = arith.constant 8 : i32
    %dma_wait3A_635 = arith.constant 16384 : i32
    %dma_wait3A_636 = tpu.memref_slice %arg5[%dma_wait3A_635] : memref<40960xf32, #tpu.memory_space<vmem>> -> memref<2048xf32, #tpu.memory_space<vmem>>
    %dma_wait3A_637 = tpu.memref_slice %arg2[%dma_wait3A_634, %add3A_381] : memref<20x1048576xf32, #tpu.memory_space<hbm>> -> memref<1x2048xf32, #tpu.memory_space<hbm>>
    %dma_wait3A_638 = tpu.memref_squeeze %dma_wait3A_637 : memref<1x2048xf32, #tpu.memory_space<hbm>> -> memref<2048xf32, #tpu.memory_space<hbm>>
    %dma_wait3A_639 = arith.constant 16384 : i32
    %dma_wait3A_640 = tpu.memref_slice %arg5[%dma_wait3A_639] : memref<40960xf32, #tpu.memory_space<vmem>> -> memref<2048xf32, #tpu.memory_space<vmem>>
    %dma_wait3A_641 = tpu.memref_slice %arg2[%dma_wait3A_634, %add3A_381] : memref<20x1048576xf32, #tpu.memory_space<hbm>> -> memref<1x2048xf32, #tpu.memory_space<hbm>>
    %dma_wait3A_642 = tpu.memref_squeeze %dma_wait3A_641 : memref<1x2048xf32, #tpu.memory_space<hbm>> -> memref<2048xf32, #tpu.memory_space<hbm>>
    tpu.wait_dma2 semaphore(%arg8 : memref<!tpu.dma_semaphore, #tpu.memory_space<semaphore_mem>>) src(%dma_wait3A_642 : memref<2048xf32, #tpu.memory_space<hbm>>) dst(%dma_wait3A_640 : memref<2048xf32, #tpu.memory_space<vmem>>)
    %dma_wait3A_643 = arith.constant 9 : i32
    %dma_wait3A_644 = arith.constant 18432 : i32
    %dma_wait3A_645 = tpu.memref_slice %arg5[%dma_wait3A_644] : memref<40960xf32, #tpu.memory_space<vmem>> -> memref<2048xf32, #tpu.memory_space<vmem>>
    %dma_wait3A_646 = tpu.memref_slice %arg2[%dma_wait3A_643, %add3A_381] : memref<20x1048576xf32, #tpu.memory_space<hbm>> -> memref<1x2048xf32, #tpu.memory_space<hbm>>
    %dma_wait3A_647 = tpu.memref_squeeze %dma_wait3A_646 : memref<1x2048xf32, #tpu.memory_space<hbm>> -> memref<2048xf32, #tpu.memory_space<hbm>>
    %dma_wait3A_648 = arith.constant 18432 : i32
    %dma_wait3A_649 = tpu.memref_slice %arg5[%dma_wait3A_648] : memref<40960xf32, #tpu.memory_space<vmem>> -> memref<2048xf32, #tpu.memory_space<vmem>>
    %dma_wait3A_650 = tpu.memref_slice %arg2[%dma_wait3A_643, %add3A_381] : memref<20x1048576xf32, #tpu.memory_space<hbm>> -> memref<1x2048xf32, #tpu.memory_space<hbm>>
    %dma_wait3A_651 = tpu.memref_squeeze %dma_wait3A_650 : memref<1x2048xf32, #tpu.memory_space<hbm>> -> memref<2048xf32, #tpu.memory_space<hbm>>
    tpu.wait_dma2 semaphore(%arg8 : memref<!tpu.dma_semaphore, #tpu.memory_space<semaphore_mem>>) src(%dma_wait3A_651 : memref<2048xf32, #tpu.memory_space<hbm>>) dst(%dma_wait3A_649 : memref<2048xf32, #tpu.memory_space<vmem>>)
    %dma_wait3A_652 = arith.constant 10 : i32
    %dma_wait3A_653 = arith.constant 20480 : i32
    %dma_wait3A_654 = tpu.memref_slice %arg5[%dma_wait3A_653] : memref<40960xf32, #tpu.memory_space<vmem>> -> memref<2048xf32, #tpu.memory_space<vmem>>
    %dma_wait3A_655 = tpu.memref_slice %arg2[%dma_wait3A_652, %add3A_381] : memref<20x1048576xf32, #tpu.memory_space<hbm>> -> memref<1x2048xf32, #tpu.memory_space<hbm>>
    %dma_wait3A_656 = tpu.memref_squeeze %dma_wait3A_655 : memref<1x2048xf32, #tpu.memory_space<hbm>> -> memref<2048xf32, #tpu.memory_space<hbm>>
    %dma_wait3A_657 = arith.constant 20480 : i32
    %dma_wait3A_658 = tpu.memref_slice %arg5[%dma_wait3A_657] : memref<40960xf32, #tpu.memory_space<vmem>> -> memref<2048xf32, #tpu.memory_space<vmem>>
    %dma_wait3A_659 = tpu.memref_slice %arg2[%dma_wait3A_652, %add3A_381] : memref<20x1048576xf32, #tpu.memory_space<hbm>> -> memref<1x2048xf32, #tpu.memory_space<hbm>>
    %dma_wait3A_660 = tpu.memref_squeeze %dma_wait3A_659 : memref<1x2048xf32, #tpu.memory_space<hbm>> -> memref<2048xf32, #tpu.memory_space<hbm>>
    tpu.wait_dma2 semaphore(%arg8 : memref<!tpu.dma_semaphore, #tpu.memory_space<semaphore_mem>>) src(%dma_wait3A_660 : memref<2048xf32, #tpu.memory_space<hbm>>) dst(%dma_wait3A_658 : memref<2048xf32, #tpu.memory_space<vmem>>)
    %dma_wait3A_661 = arith.constant 11 : i32
    %dma_wait3A_662 = arith.constant 22528 : i32
    %dma_wait3A_663 = tpu.memref_slice %arg5[%dma_wait3A_662] : memref<40960xf32, #tpu.memory_space<vmem>> -> memref<2048xf32, #tpu.memory_space<vmem>>
    %dma_wait3A_664 = tpu.memref_slice %arg2[%dma_wait3A_661, %add3A_381] : memref<20x1048576xf32, #tpu.memory_space<hbm>> -> memref<1x2048xf32, #tpu.memory_space<hbm>>
    %dma_wait3A_665 = tpu.memref_squeeze %dma_wait3A_664 : memref<1x2048xf32, #tpu.memory_space<hbm>> -> memref<2048xf32, #tpu.memory_space<hbm>>
    %dma_wait3A_666 = arith.constant 22528 : i32
    %dma_wait3A_667 = tpu.memref_slice %arg5[%dma_wait3A_666] : memref<40960xf32, #tpu.memory_space<vmem>> -> memref<2048xf32, #tpu.memory_space<vmem>>
    %dma_wait3A_668 = tpu.memref_slice %arg2[%dma_wait3A_661, %add3A_381] : memref<20x1048576xf32, #tpu.memory_space<hbm>> -> memref<1x2048xf32, #tpu.memory_space<hbm>>
    %dma_wait3A_669 = tpu.memref_squeeze %dma_wait3A_668 : memref<1x2048xf32, #tpu.memory_space<hbm>> -> memref<2048xf32, #tpu.memory_space<hbm>>
    tpu.wait_dma2 semaphore(%arg8 : memref<!tpu.dma_semaphore, #tpu.memory_space<semaphore_mem>>) src(%dma_wait3A_669 : memref<2048xf32, #tpu.memory_space<hbm>>) dst(%dma_wait3A_667 : memref<2048xf32, #tpu.memory_space<vmem>>)
    %dma_wait3A_670 = arith.constant 12 : i32
    %dma_wait3A_671 = arith.constant 24576 : i32
    %dma_wait3A_672 = tpu.memref_slice %arg5[%dma_wait3A_671] : memref<40960xf32, #tpu.memory_space<vmem>> -> memref<2048xf32, #tpu.memory_space<vmem>>
    %dma_wait3A_673 = tpu.memref_slice %arg2[%dma_wait3A_670, %add3A_381] : memref<20x1048576xf32, #tpu.memory_space<hbm>> -> memref<1x2048xf32, #tpu.memory_space<hbm>>
    %dma_wait3A_674 = tpu.memref_squeeze %dma_wait3A_673 : memref<1x2048xf32, #tpu.memory_space<hbm>> -> memref<2048xf32, #tpu.memory_space<hbm>>
    %dma_wait3A_675 = arith.constant 24576 : i32
    %dma_wait3A_676 = tpu.memref_slice %arg5[%dma_wait3A_675] : memref<40960xf32, #tpu.memory_space<vmem>> -> memref<2048xf32, #tpu.memory_space<vmem>>
    %dma_wait3A_677 = tpu.memref_slice %arg2[%dma_wait3A_670, %add3A_381] : memref<20x1048576xf32, #tpu.memory_space<hbm>> -> memref<1x2048xf32, #tpu.memory_space<hbm>>
    %dma_wait3A_678 = tpu.memref_squeeze %dma_wait3A_677 : memref<1x2048xf32, #tpu.memory_space<hbm>> -> memref<2048xf32, #tpu.memory_space<hbm>>
    tpu.wait_dma2 semaphore(%arg8 : memref<!tpu.dma_semaphore, #tpu.memory_space<semaphore_mem>>) src(%dma_wait3A_678 : memref<2048xf32, #tpu.memory_space<hbm>>) dst(%dma_wait3A_676 : memref<2048xf32, #tpu.memory_space<vmem>>)
    %dma_wait3A_679 = arith.constant 13 : i32
    %dma_wait3A_680 = arith.constant 26624 : i32
    %dma_wait3A_681 = tpu.memref_slice %arg5[%dma_wait3A_680] : memref<40960xf32, #tpu.memory_space<vmem>> -> memref<2048xf32, #tpu.memory_space<vmem>>
    %dma_wait3A_682 = tpu.memref_slice %arg2[%dma_wait3A_679, %add3A_381] : memref<20x1048576xf32, #tpu.memory_space<hbm>> -> memref<1x2048xf32, #tpu.memory_space<hbm>>
    %dma_wait3A_683 = tpu.memref_squeeze %dma_wait3A_682 : memref<1x2048xf32, #tpu.memory_space<hbm>> -> memref<2048xf32, #tpu.memory_space<hbm>>
    %dma_wait3A_684 = arith.constant 26624 : i32
    %dma_wait3A_685 = tpu.memref_slice %arg5[%dma_wait3A_684] : memref<40960xf32, #tpu.memory_space<vmem>> -> memref<2048xf32, #tpu.memory_space<vmem>>
    %dma_wait3A_686 = tpu.memref_slice %arg2[%dma_wait3A_679, %add3A_381] : memref<20x1048576xf32, #tpu.memory_space<hbm>> -> memref<1x2048xf32, #tpu.memory_space<hbm>>
    %dma_wait3A_687 = tpu.memref_squeeze %dma_wait3A_686 : memref<1x2048xf32, #tpu.memory_space<hbm>> -> memref<2048xf32, #tpu.memory_space<hbm>>
    tpu.wait_dma2 semaphore(%arg8 : memref<!tpu.dma_semaphore, #tpu.memory_space<semaphore_mem>>) src(%dma_wait3A_687 : memref<2048xf32, #tpu.memory_space<hbm>>) dst(%dma_wait3A_685 : memref<2048xf32, #tpu.memory_space<vmem>>)
    %dma_wait3A_688 = arith.constant 14 : i32
    %dma_wait3A_689 = arith.constant 28672 : i32
    %dma_wait3A_690 = tpu.memref_slice %arg5[%dma_wait3A_689] : memref<40960xf32, #tpu.memory_space<vmem>> -> memref<2048xf32, #tpu.memory_space<vmem>>
    %dma_wait3A_691 = tpu.memref_slice %arg2[%dma_wait3A_688, %add3A_381] : memref<20x1048576xf32, #tpu.memory_space<hbm>> -> memref<1x2048xf32, #tpu.memory_space<hbm>>
    %dma_wait3A_692 = tpu.memref_squeeze %dma_wait3A_691 : memref<1x2048xf32, #tpu.memory_space<hbm>> -> memref<2048xf32, #tpu.memory_space<hbm>>
    %dma_wait3A_693 = arith.constant 28672 : i32
    %dma_wait3A_694 = tpu.memref_slice %arg5[%dma_wait3A_693] : memref<40960xf32, #tpu.memory_space<vmem>> -> memref<2048xf32, #tpu.memory_space<vmem>>
    %dma_wait3A_695 = tpu.memref_slice %arg2[%dma_wait3A_688, %add3A_381] : memref<20x1048576xf32, #tpu.memory_space<hbm>> -> memref<1x2048xf32, #tpu.memory_space<hbm>>
    %dma_wait3A_696 = tpu.memref_squeeze %dma_wait3A_695 : memref<1x2048xf32, #tpu.memory_space<hbm>> -> memref<2048xf32, #tpu.memory_space<hbm>>
    tpu.wait_dma2 semaphore(%arg8 : memref<!tpu.dma_semaphore, #tpu.memory_space<semaphore_mem>>) src(%dma_wait3A_696 : memref<2048xf32, #tpu.memory_space<hbm>>) dst(%dma_wait3A_694 : memref<2048xf32, #tpu.memory_space<vmem>>)
    %dma_wait3A_697 = arith.constant 15 : i32
    %dma_wait3A_698 = arith.constant 30720 : i32
    %dma_wait3A_699 = tpu.memref_slice %arg5[%dma_wait3A_698] : memref<40960xf32, #tpu.memory_space<vmem>> -> memref<2048xf32, #tpu.memory_space<vmem>>
    %dma_wait3A_700 = tpu.memref_slice %arg2[%dma_wait3A_697, %add3A_381] : memref<20x1048576xf32, #tpu.memory_space<hbm>> -> memref<1x2048xf32, #tpu.memory_space<hbm>>
    %dma_wait3A_701 = tpu.memref_squeeze %dma_wait3A_700 : memref<1x2048xf32, #tpu.memory_space<hbm>> -> memref<2048xf32, #tpu.memory_space<hbm>>
    %dma_wait3A_702 = arith.constant 30720 : i32
    %dma_wait3A_703 = tpu.memref_slice %arg5[%dma_wait3A_702] : memref<40960xf32, #tpu.memory_space<vmem>> -> memref<2048xf32, #tpu.memory_space<vmem>>
    %dma_wait3A_704 = tpu.memref_slice %arg2[%dma_wait3A_697, %add3A_381] : memref<20x1048576xf32, #tpu.memory_space<hbm>> -> memref<1x2048xf32, #tpu.memory_space<hbm>>
    %dma_wait3A_705 = tpu.memref_squeeze %dma_wait3A_704 : memref<1x2048xf32, #tpu.memory_space<hbm>> -> memref<2048xf32, #tpu.memory_space<hbm>>
    tpu.wait_dma2 semaphore(%arg8 : memref<!tpu.dma_semaphore, #tpu.memory_space<semaphore_mem>>) src(%dma_wait3A_705 : memref<2048xf32, #tpu.memory_space<hbm>>) dst(%dma_wait3A_703 : memref<2048xf32, #tpu.memory_space<vmem>>)
    %dma_wait3A_706 = arith.constant 16 : i32
    %dma_wait3A_707 = arith.constant 32768 : i32
    %dma_wait3A_708 = tpu.memref_slice %arg5[%dma_wait3A_707] : memref<40960xf32, #tpu.memory_space<vmem>> -> memref<2048xf32, #tpu.memory_space<vmem>>
    %dma_wait3A_709 = tpu.memref_slice %arg2[%dma_wait3A_706, %add3A_381] : memref<20x1048576xf32, #tpu.memory_space<hbm>> -> memref<1x2048xf32, #tpu.memory_space<hbm>>
    %dma_wait3A_710 = tpu.memref_squeeze %dma_wait3A_709 : memref<1x2048xf32, #tpu.memory_space<hbm>> -> memref<2048xf32, #tpu.memory_space<hbm>>
    %dma_wait3A_711 = arith.constant 32768 : i32
    %dma_wait3A_712 = tpu.memref_slice %arg5[%dma_wait3A_711] : memref<40960xf32, #tpu.memory_space<vmem>> -> memref<2048xf32, #tpu.memory_space<vmem>>
    %dma_wait3A_713 = tpu.memref_slice %arg2[%dma_wait3A_706, %add3A_381] : memref<20x1048576xf32, #tpu.memory_space<hbm>> -> memref<1x2048xf32, #tpu.memory_space<hbm>>
    %dma_wait3A_714 = tpu.memref_squeeze %dma_wait3A_713 : memref<1x2048xf32, #tpu.memory_space<hbm>> -> memref<2048xf32, #tpu.memory_space<hbm>>
    tpu.wait_dma2 semaphore(%arg8 : memref<!tpu.dma_semaphore, #tpu.memory_space<semaphore_mem>>) src(%dma_wait3A_714 : memref<2048xf32, #tpu.memory_space<hbm>>) dst(%dma_wait3A_712 : memref<2048xf32, #tpu.memory_space<vmem>>)
    %dma_wait3A_715 = arith.constant 17 : i32
    %dma_wait3A_716 = arith.constant 34816 : i32
    %dma_wait3A_717 = tpu.memref_slice %arg5[%dma_wait3A_716] : memref<40960xf32, #tpu.memory_space<vmem>> -> memref<2048xf32, #tpu.memory_space<vmem>>
    %dma_wait3A_718 = tpu.memref_slice %arg2[%dma_wait3A_715, %add3A_381] : memref<20x1048576xf32, #tpu.memory_space<hbm>> -> memref<1x2048xf32, #tpu.memory_space<hbm>>
    %dma_wait3A_719 = tpu.memref_squeeze %dma_wait3A_718 : memref<1x2048xf32, #tpu.memory_space<hbm>> -> memref<2048xf32, #tpu.memory_space<hbm>>
    %dma_wait3A_720 = arith.constant 34816 : i32
    %dma_wait3A_721 = tpu.memref_slice %arg5[%dma_wait3A_720] : memref<40960xf32, #tpu.memory_space<vmem>> -> memref<2048xf32, #tpu.memory_space<vmem>>
    %dma_wait3A_722 = tpu.memref_slice %arg2[%dma_wait3A_715, %add3A_381] : memref<20x1048576xf32, #tpu.memory_space<hbm>> -> memref<1x2048xf32, #tpu.memory_space<hbm>>
    %dma_wait3A_723 = tpu.memref_squeeze %dma_wait3A_722 : memref<1x2048xf32, #tpu.memory_space<hbm>> -> memref<2048xf32, #tpu.memory_space<hbm>>
    tpu.wait_dma2 semaphore(%arg8 : memref<!tpu.dma_semaphore, #tpu.memory_space<semaphore_mem>>) src(%dma_wait3A_723 : memref<2048xf32, #tpu.memory_space<hbm>>) dst(%dma_wait3A_721 : memref<2048xf32, #tpu.memory_space<vmem>>)
    %dma_wait3A_724 = arith.constant 18 : i32
    %dma_wait3A_725 = arith.constant 36864 : i32
    %dma_wait3A_726 = tpu.memref_slice %arg5[%dma_wait3A_725] : memref<40960xf32, #tpu.memory_space<vmem>> -> memref<2048xf32, #tpu.memory_space<vmem>>
    %dma_wait3A_727 = tpu.memref_slice %arg2[%dma_wait3A_724, %add3A_381] : memref<20x1048576xf32, #tpu.memory_space<hbm>> -> memref<1x2048xf32, #tpu.memory_space<hbm>>
    %dma_wait3A_728 = tpu.memref_squeeze %dma_wait3A_727 : memref<1x2048xf32, #tpu.memory_space<hbm>> -> memref<2048xf32, #tpu.memory_space<hbm>>
    %dma_wait3A_729 = arith.constant 36864 : i32
    %dma_wait3A_730 = tpu.memref_slice %arg5[%dma_wait3A_729] : memref<40960xf32, #tpu.memory_space<vmem>> -> memref<2048xf32, #tpu.memory_space<vmem>>
    %dma_wait3A_731 = tpu.memref_slice %arg2[%dma_wait3A_724, %add3A_381] : memref<20x1048576xf32, #tpu.memory_space<hbm>> -> memref<1x2048xf32, #tpu.memory_space<hbm>>
    %dma_wait3A_732 = tpu.memref_squeeze %dma_wait3A_731 : memref<1x2048xf32, #tpu.memory_space<hbm>> -> memref<2048xf32, #tpu.memory_space<hbm>>
    tpu.wait_dma2 semaphore(%arg8 : memref<!tpu.dma_semaphore, #tpu.memory_space<semaphore_mem>>) src(%dma_wait3A_732 : memref<2048xf32, #tpu.memory_space<hbm>>) dst(%dma_wait3A_730 : memref<2048xf32, #tpu.memory_space<vmem>>)
    %dma_wait3A_733 = arith.constant 19 : i32
    %dma_wait3A_734 = arith.constant 38912 : i32
    %dma_wait3A_735 = tpu.memref_slice %arg5[%dma_wait3A_734] : memref<40960xf32, #tpu.memory_space<vmem>> -> memref<2048xf32, #tpu.memory_space<vmem>>
    %dma_wait3A_736 = tpu.memref_slice %arg2[%dma_wait3A_733, %add3A_381] : memref<20x1048576xf32, #tpu.memory_space<hbm>> -> memref<1x2048xf32, #tpu.memory_space<hbm>>
    %dma_wait3A_737 = tpu.memref_squeeze %dma_wait3A_736 : memref<1x2048xf32, #tpu.memory_space<hbm>> -> memref<2048xf32, #tpu.memory_space<hbm>>
    %dma_wait3A_738 = arith.constant 38912 : i32
    %dma_wait3A_739 = tpu.memref_slice %arg5[%dma_wait3A_738] : memref<40960xf32, #tpu.memory_space<vmem>> -> memref<2048xf32, #tpu.memory_space<vmem>>
    %dma_wait3A_740 = tpu.memref_slice %arg2[%dma_wait3A_733, %add3A_381] : memref<20x1048576xf32, #tpu.memory_space<hbm>> -> memref<1x2048xf32, #tpu.memory_space<hbm>>
    %dma_wait3A_741 = tpu.memref_squeeze %dma_wait3A_740 : memref<1x2048xf32, #tpu.memory_space<hbm>> -> memref<2048xf32, #tpu.memory_space<hbm>>
    tpu.wait_dma2 semaphore(%arg8 : memref<!tpu.dma_semaphore, #tpu.memory_space<semaphore_mem>>) src(%dma_wait3A_741 : memref<2048xf32, #tpu.memory_space<hbm>>) dst(%dma_wait3A_739 : memref<2048xf32, #tpu.memory_space<vmem>>)
    %get3A_742 = arith.constant 0 : index
    %get3A_743 = tpu.vector_load %arg7[%get3A_742] {strides = array<i32>} : memref<16xf32, #tpu.memory_space<vmem>>, vector<16xf32>,
    %get3A_744 = vector.shape_cast %get3A_743 : vector<16xf32> to vector<16xf32>
    %scan3A_745 = arith.constant 0 : i32
    %scan3A_746 = arith.constant 128 : i32
    %scan3A_747 = arith.addi %scan3A_745, %scan3A_746 : i32
    %scan3A_748 = arith.constant 1 : i32
    %scan3A_749 = scf.for %scan3A_755 = %scan3A_745 to %scan3A_747 step %scan3A_748 iter_args(%scan3A_756 = %get3A_744) -> (vector<16xf32>)  : i32 {
      %mul3A_757 = arith.constant 16 : i32
      %mul3A_758 = arith.muli %scan3A_755, %mul3A_757 : i32
      %get3A_759 = arith.index_cast %mul3A_758 : i32 to index
      %get3A_760 = tpu.vector_load %arg6[%get3A_759] {strides = array<i32>} : memref<2048xf32, #tpu.memory_space<vmem>>, vector<16xf32>,
      %get3A_761 = vector.shape_cast %get3A_760 : vector<16xf32> to vector<16xf32>
      %add3A_762 = arith.constant 1.000000e+00 : f32
      %add3A_763 = vector.broadcast %add3A_762 : f32 to vector<16xf32>
      %add3A_764 = arith.addf %get3A_761, %add3A_763 : vector<16xf32>
      %mul3A_765 = arith.constant 1.000000e+01 : f32
      %mul3A_766 = vector.broadcast %mul3A_765 : f32 to vector<16xf32>
      %mul3A_767 = arith.mulf %add3A_764, %mul3A_766 : vector<16xf32>
      %convert_element_type3A = arith.fptosi %mul3A_767 : vector<16xf32> to vector<16xi32>
      %convert_element_type3A_768 = arith.sitofp %convert_element_type3A : vector<16xi32> to vector<16xf32>
      %gt3A = arith.cmpf ogt, %mul3A_767, %convert_element_type3A_768 : vector<16xf32>
      %jit3A = arith.constant 1 : i32
      %jit3A_769 = arith.constant 0 : i32
      %broadcast_in_dim3A_770 = vector.broadcast %jit3A : i32 to vector<16xi32>
      %broadcast_in_dim3A_771 = vector.broadcast %jit3A_769 : i32 to vector<16xi32>
      %select_n3A = arith.select %gt3A, %broadcast_in_dim3A_770, %broadcast_in_dim3A_771 : vector<16xi1>, vector<16xi32>
      %add3A_772 = arith.addi %convert_element_type3A, %select_n3A : vector<16xi32>
      %max3A = arith.constant 0 : i32
      %max3A_773 = vector.broadcast %max3A : i32 to vector<16xi32>
      %max3A_774 = arith.maxsi %add3A_772, %max3A_773 : vector<16xi32>
      %min3A = arith.constant 19 : i32
      %min3A_775 = vector.broadcast %min3A : i32 to vector<16xi32>
      %min3A_776 = arith.minsi %max3A_774, %min3A_775 : vector<16xi32>
      %add3A_777 = arith.constant 0 : i32
      %add3A_778 = arith.addi %add3A_777, %mul3A_758 : i32
      %get3A_779 = arith.index_cast %add3A_778 : i32 to index
      %get3A_780 = tpu.vector_load %arg5[%get3A_779] {strides = array<i32>} : memref<40960xf32, #tpu.memory_space<vmem>>, vector<16xf32>,
      %get3A_781 = vector.shape_cast %get3A_780 : vector<16xf32> to vector<16xf32>
      %exp3A = math.exp %get3A_781 : vector<16xf32>
      %add3A_782 = arith.addf %broadcast_in_dim3A_5, %exp3A : vector<16xf32>
      %eq3A = arith.constant 0 : i32
      %eq3A_783 = vector.broadcast %eq3A : i32 to vector<16xi32>
      %eq3A_784 = arith.cmpi eq, %min3A_776, %eq3A_783 : vector<16xi32>
      %jit3A_785 = arith.constant 0.000000e+00 : f32
      %broadcast_in_dim3A_786 = vector.broadcast %jit3A_785 : f32 to vector<16xf32>
      %select_n3A_787 = arith.select %eq3A_784, %get3A_781, %broadcast_in_dim3A_786 : vector<16xi1>, vector<16xf32>
      %add3A_788 = arith.addf %broadcast_in_dim3A_5, %select_n3A_787 : vector<16xf32>
      %add3A_789 = arith.constant 2048 : i32
      %add3A_790 = arith.addi %add3A_789, %mul3A_758 : i32
      %get3A_791 = arith.index_cast %add3A_790 : i32 to index
      %get3A_792 = tpu.vector_load %arg5[%get3A_791] {strides = array<i32>} : memref<40960xf32, #tpu.memory_space<vmem>>, vector<16xf32>,
      %get3A_793 = vector.shape_cast %get3A_792 : vector<16xf32> to vector<16xf32>
      %exp3A_794 = math.exp %get3A_793 : vector<16xf32>
      %add3A_795 = arith.addf %add3A_782, %exp3A_794 : vector<16xf32>
      %eq3A_796 = arith.constant 1 : i32
      %eq3A_797 = vector.broadcast %eq3A_796 : i32 to vector<16xi32>
      %eq3A_798 = arith.cmpi eq, %min3A_776, %eq3A_797 : vector<16xi32>
      %jit3A_799 = arith.constant 0.000000e+00 : f32
      %broadcast_in_dim3A_800 = vector.broadcast %jit3A_799 : f32 to vector<16xf32>
      %select_n3A_801 = arith.select %eq3A_798, %get3A_793, %broadcast_in_dim3A_800 : vector<16xi1>, vector<16xf32>
      %add3A_802 = arith.addf %add3A_788, %select_n3A_801 : vector<16xf32>
      %add3A_803 = arith.constant 4096 : i32
      %add3A_804 = arith.addi %add3A_803, %mul3A_758 : i32
      %get3A_805 = arith.index_cast %add3A_804 : i32 to index
      %get3A_806 = tpu.vector_load %arg5[%get3A_805] {strides = array<i32>} : memref<40960xf32, #tpu.memory_space<vmem>>, vector<16xf32>,
      %get3A_807 = vector.shape_cast %get3A_806 : vector<16xf32> to vector<16xf32>
      %exp3A_808 = math.exp %get3A_807 : vector<16xf32>
      %add3A_809 = arith.addf %add3A_795, %exp3A_808 : vector<16xf32>
      %eq3A_810 = arith.constant 2 : i32
      %eq3A_811 = vector.broadcast %eq3A_810 : i32 to vector<16xi32>
      %eq3A_812 = arith.cmpi eq, %min3A_776, %eq3A_811 : vector<16xi32>
      %jit3A_813 = arith.constant 0.000000e+00 : f32
      %broadcast_in_dim3A_814 = vector.broadcast %jit3A_813 : f32 to vector<16xf32>
      %select_n3A_815 = arith.select %eq3A_812, %get3A_807, %broadcast_in_dim3A_814 : vector<16xi1>, vector<16xf32>
      %add3A_816 = arith.addf %add3A_802, %select_n3A_815 : vector<16xf32>
      %add3A_817 = arith.constant 6144 : i32
      %add3A_818 = arith.addi %add3A_817, %mul3A_758 : i32
      %get3A_819 = arith.index_cast %add3A_818 : i32 to index
      %get3A_820 = tpu.vector_load %arg5[%get3A_819] {strides = array<i32>} : memref<40960xf32, #tpu.memory_space<vmem>>, vector<16xf32>,
      %get3A_821 = vector.shape_cast %get3A_820 : vector<16xf32> to vector<16xf32>
      %exp3A_822 = math.exp %get3A_821 : vector<16xf32>
      %add3A_823 = arith.addf %add3A_809, %exp3A_822 : vector<16xf32>
      %eq3A_824 = arith.constant 3 : i32
      %eq3A_825 = vector.broadcast %eq3A_824 : i32 to vector<16xi32>
      %eq3A_826 = arith.cmpi eq, %min3A_776, %eq3A_825 : vector<16xi32>
      %jit3A_827 = arith.constant 0.000000e+00 : f32
      %broadcast_in_dim3A_828 = vector.broadcast %jit3A_827 : f32 to vector<16xf32>
      %select_n3A_829 = arith.select %eq3A_826, %get3A_821, %broadcast_in_dim3A_828 : vector<16xi1>, vector<16xf32>
      %add3A_830 = arith.addf %add3A_816, %select_n3A_829 : vector<16xf32>
      %add3A_831 = arith.constant 8192 : i32
      %add3A_832 = arith.addi %add3A_831, %mul3A_758 : i32
      %get3A_833 = arith.index_cast %add3A_832 : i32 to index
      %get3A_834 = tpu.vector_load %arg5[%get3A_833] {strides = array<i32>} : memref<40960xf32, #tpu.memory_space<vmem>>, vector<16xf32>,
      %get3A_835 = vector.shape_cast %get3A_834 : vector<16xf32> to vector<16xf32>
      %exp3A_836 = math.exp %get3A_835 : vector<16xf32>
      %add3A_837 = arith.addf %add3A_823, %exp3A_836 : vector<16xf32>
      %eq3A_838 = arith.constant 4 : i32
      %eq3A_839 = vector.broadcast %eq3A_838 : i32 to vector<16xi32>
      %eq3A_840 = arith.cmpi eq, %min3A_776, %eq3A_839 : vector<16xi32>
      %jit3A_841 = arith.constant 0.000000e+00 : f32
      %broadcast_in_dim3A_842 = vector.broadcast %jit3A_841 : f32 to vector<16xf32>
      %select_n3A_843 = arith.select %eq3A_840, %get3A_835, %broadcast_in_dim3A_842 : vector<16xi1>, vector<16xf32>
      %add3A_844 = arith.addf %add3A_830, %select_n3A_843 : vector<16xf32>
      %add3A_845 = arith.constant 10240 : i32
      %add3A_846 = arith.addi %add3A_845, %mul3A_758 : i32
      %get3A_847 = arith.index_cast %add3A_846 : i32 to index
      %get3A_848 = tpu.vector_load %arg5[%get3A_847] {strides = array<i32>} : memref<40960xf32, #tpu.memory_space<vmem>>, vector<16xf32>,
      %get3A_849 = vector.shape_cast %get3A_848 : vector<16xf32> to vector<16xf32>
      %exp3A_850 = math.exp %get3A_849 : vector<16xf32>
      %add3A_851 = arith.addf %add3A_837, %exp3A_850 : vector<16xf32>
      %eq3A_852 = arith.constant 5 : i32
      %eq3A_853 = vector.broadcast %eq3A_852 : i32 to vector<16xi32>
      %eq3A_854 = arith.cmpi eq, %min3A_776, %eq3A_853 : vector<16xi32>
      %jit3A_855 = arith.constant 0.000000e+00 : f32
      %broadcast_in_dim3A_856 = vector.broadcast %jit3A_855 : f32 to vector<16xf32>
      %select_n3A_857 = arith.select %eq3A_854, %get3A_849, %broadcast_in_dim3A_856 : vector<16xi1>, vector<16xf32>
      %add3A_858 = arith.addf %add3A_844, %select_n3A_857 : vector<16xf32>
      %add3A_859 = arith.constant 12288 : i32
      %add3A_860 = arith.addi %add3A_859, %mul3A_758 : i32
      %get3A_861 = arith.index_cast %add3A_860 : i32 to index
      %get3A_862 = tpu.vector_load %arg5[%get3A_861] {strides = array<i32>} : memref<40960xf32, #tpu.memory_space<vmem>>, vector<16xf32>,
      %get3A_863 = vector.shape_cast %get3A_862 : vector<16xf32> to vector<16xf32>
      %exp3A_864 = math.exp %get3A_863 : vector<16xf32>
      %add3A_865 = arith.addf %add3A_851, %exp3A_864 : vector<16xf32>
      %eq3A_866 = arith.constant 6 : i32
      %eq3A_867 = vector.broadcast %eq3A_866 : i32 to vector<16xi32>
      %eq3A_868 = arith.cmpi eq, %min3A_776, %eq3A_867 : vector<16xi32>
      %jit3A_869 = arith.constant 0.000000e+00 : f32
      %broadcast_in_dim3A_870 = vector.broadcast %jit3A_869 : f32 to vector<16xf32>
      %select_n3A_871 = arith.select %eq3A_868, %get3A_863, %broadcast_in_dim3A_870 : vector<16xi1>, vector<16xf32>
      %add3A_872 = arith.addf %add3A_858, %select_n3A_871 : vector<16xf32>
      %add3A_873 = arith.constant 14336 : i32
      %add3A_874 = arith.addi %add3A_873, %mul3A_758 : i32
      %get3A_875 = arith.index_cast %add3A_874 : i32 to index
      %get3A_876 = tpu.vector_load %arg5[%get3A_875] {strides = array<i32>} : memref<40960xf32, #tpu.memory_space<vmem>>, vector<16xf32>,
      %get3A_877 = vector.shape_cast %get3A_876 : vector<16xf32> to vector<16xf32>
      %exp3A_878 = math.exp %get3A_877 : vector<16xf32>
      %add3A_879 = arith.addf %add3A_865, %exp3A_878 : vector<16xf32>
      %eq3A_880 = arith.constant 7 : i32
      %eq3A_881 = vector.broadcast %eq3A_880 : i32 to vector<16xi32>
      %eq3A_882 = arith.cmpi eq, %min3A_776, %eq3A_881 : vector<16xi32>
      %jit3A_883 = arith.constant 0.000000e+00 : f32
      %broadcast_in_dim3A_884 = vector.broadcast %jit3A_883 : f32 to vector<16xf32>
      %select_n3A_885 = arith.select %eq3A_882, %get3A_877, %broadcast_in_dim3A_884 : vector<16xi1>, vector<16xf32>
      %add3A_886 = arith.addf %add3A_872, %select_n3A_885 : vector<16xf32>
      %add3A_887 = arith.constant 16384 : i32
      %add3A_888 = arith.addi %add3A_887, %mul3A_758 : i32
      %get3A_889 = arith.index_cast %add3A_888 : i32 to index
      %get3A_890 = tpu.vector_load %arg5[%get3A_889] {strides = array<i32>} : memref<40960xf32, #tpu.memory_space<vmem>>, vector<16xf32>,
      %get3A_891 = vector.shape_cast %get3A_890 : vector<16xf32> to vector<16xf32>
      %exp3A_892 = math.exp %get3A_891 : vector<16xf32>
      %add3A_893 = arith.addf %add3A_879, %exp3A_892 : vector<16xf32>
      %eq3A_894 = arith.constant 8 : i32
      %eq3A_895 = vector.broadcast %eq3A_894 : i32 to vector<16xi32>
      %eq3A_896 = arith.cmpi eq, %min3A_776, %eq3A_895 : vector<16xi32>
      %jit3A_897 = arith.constant 0.000000e+00 : f32
      %broadcast_in_dim3A_898 = vector.broadcast %jit3A_897 : f32 to vector<16xf32>
      %select_n3A_899 = arith.select %eq3A_896, %get3A_891, %broadcast_in_dim3A_898 : vector<16xi1>, vector<16xf32>
      %add3A_900 = arith.addf %add3A_886, %select_n3A_899 : vector<16xf32>
      %add3A_901 = arith.constant 18432 : i32
      %add3A_902 = arith.addi %add3A_901, %mul3A_758 : i32
      %get3A_903 = arith.index_cast %add3A_902 : i32 to index
      %get3A_904 = tpu.vector_load %arg5[%get3A_903] {strides = array<i32>} : memref<40960xf32, #tpu.memory_space<vmem>>, vector<16xf32>,
      %get3A_905 = vector.shape_cast %get3A_904 : vector<16xf32> to vector<16xf32>
      %exp3A_906 = math.exp %get3A_905 : vector<16xf32>
      %add3A_907 = arith.addf %add3A_893, %exp3A_906 : vector<16xf32>
      %eq3A_908 = arith.constant 9 : i32
      %eq3A_909 = vector.broadcast %eq3A_908 : i32 to vector<16xi32>
      %eq3A_910 = arith.cmpi eq, %min3A_776, %eq3A_909 : vector<16xi32>
      %jit3A_911 = arith.constant 0.000000e+00 : f32
      %broadcast_in_dim3A_912 = vector.broadcast %jit3A_911 : f32 to vector<16xf32>
      %select_n3A_913 = arith.select %eq3A_910, %get3A_905, %broadcast_in_dim3A_912 : vector<16xi1>, vector<16xf32>
      %add3A_914 = arith.addf %add3A_900, %select_n3A_913 : vector<16xf32>
      %add3A_915 = arith.constant 20480 : i32
      %add3A_916 = arith.addi %add3A_915, %mul3A_758 : i32
      %get3A_917 = arith.index_cast %add3A_916 : i32 to index
      %get3A_918 = tpu.vector_load %arg5[%get3A_917] {strides = array<i32>} : memref<40960xf32, #tpu.memory_space<vmem>>, vector<16xf32>,
      %get3A_919 = vector.shape_cast %get3A_918 : vector<16xf32> to vector<16xf32>
      %exp3A_920 = math.exp %get3A_919 : vector<16xf32>
      %add3A_921 = arith.addf %add3A_907, %exp3A_920 : vector<16xf32>
      %eq3A_922 = arith.constant 10 : i32
      %eq3A_923 = vector.broadcast %eq3A_922 : i32 to vector<16xi32>
      %eq3A_924 = arith.cmpi eq, %min3A_776, %eq3A_923 : vector<16xi32>
      %jit3A_925 = arith.constant 0.000000e+00 : f32
      %broadcast_in_dim3A_926 = vector.broadcast %jit3A_925 : f32 to vector<16xf32>
      %select_n3A_927 = arith.select %eq3A_924, %get3A_919, %broadcast_in_dim3A_926 : vector<16xi1>, vector<16xf32>
      %add3A_928 = arith.addf %add3A_914, %select_n3A_927 : vector<16xf32>
      %add3A_929 = arith.constant 22528 : i32
      %add3A_930 = arith.addi %add3A_929, %mul3A_758 : i32
      %get3A_931 = arith.index_cast %add3A_930 : i32 to index
      %get3A_932 = tpu.vector_load %arg5[%get3A_931] {strides = array<i32>} : memref<40960xf32, #tpu.memory_space<vmem>>, vector<16xf32>,
      %get3A_933 = vector.shape_cast %get3A_932 : vector<16xf32> to vector<16xf32>
      %exp3A_934 = math.exp %get3A_933 : vector<16xf32>
      %add3A_935 = arith.addf %add3A_921, %exp3A_934 : vector<16xf32>
      %eq3A_936 = arith.constant 11 : i32
      %eq3A_937 = vector.broadcast %eq3A_936 : i32 to vector<16xi32>
      %eq3A_938 = arith.cmpi eq, %min3A_776, %eq3A_937 : vector<16xi32>
      %jit3A_939 = arith.constant 0.000000e+00 : f32
      %broadcast_in_dim3A_940 = vector.broadcast %jit3A_939 : f32 to vector<16xf32>
      %select_n3A_941 = arith.select %eq3A_938, %get3A_933, %broadcast_in_dim3A_940 : vector<16xi1>, vector<16xf32>
      %add3A_942 = arith.addf %add3A_928, %select_n3A_941 : vector<16xf32>
      %add3A_943 = arith.constant 24576 : i32
      %add3A_944 = arith.addi %add3A_943, %mul3A_758 : i32
      %get3A_945 = arith.index_cast %add3A_944 : i32 to index
      %get3A_946 = tpu.vector_load %arg5[%get3A_945] {strides = array<i32>} : memref<40960xf32, #tpu.memory_space<vmem>>, vector<16xf32>,
      %get3A_947 = vector.shape_cast %get3A_946 : vector<16xf32> to vector<16xf32>
      %exp3A_948 = math.exp %get3A_947 : vector<16xf32>
      %add3A_949 = arith.addf %add3A_935, %exp3A_948 : vector<16xf32>
      %eq3A_950 = arith.constant 12 : i32
      %eq3A_951 = vector.broadcast %eq3A_950 : i32 to vector<16xi32>
      %eq3A_952 = arith.cmpi eq, %min3A_776, %eq3A_951 : vector<16xi32>
      %jit3A_953 = arith.constant 0.000000e+00 : f32
      %broadcast_in_dim3A_954 = vector.broadcast %jit3A_953 : f32 to vector<16xf32>
      %select_n3A_955 = arith.select %eq3A_952, %get3A_947, %broadcast_in_dim3A_954 : vector<16xi1>, vector<16xf32>
      %add3A_956 = arith.addf %add3A_942, %select_n3A_955 : vector<16xf32>
      %add3A_957 = arith.constant 26624 : i32
      %add3A_958 = arith.addi %add3A_957, %mul3A_758 : i32
      %get3A_959 = arith.index_cast %add3A_958 : i32 to index
      %get3A_960 = tpu.vector_load %arg5[%get3A_959] {strides = array<i32>} : memref<40960xf32, #tpu.memory_space<vmem>>, vector<16xf32>,
      %get3A_961 = vector.shape_cast %get3A_960 : vector<16xf32> to vector<16xf32>
      %exp3A_962 = math.exp %get3A_961 : vector<16xf32>
      %add3A_963 = arith.addf %add3A_949, %exp3A_962 : vector<16xf32>
      %eq3A_964 = arith.constant 13 : i32
      %eq3A_965 = vector.broadcast %eq3A_964 : i32 to vector<16xi32>
      %eq3A_966 = arith.cmpi eq, %min3A_776, %eq3A_965 : vector<16xi32>
      %jit3A_967 = arith.constant 0.000000e+00 : f32
      %broadcast_in_dim3A_968 = vector.broadcast %jit3A_967 : f32 to vector<16xf32>
      %select_n3A_969 = arith.select %eq3A_966, %get3A_961, %broadcast_in_dim3A_968 : vector<16xi1>, vector<16xf32>
      %add3A_970 = arith.addf %add3A_956, %select_n3A_969 : vector<16xf32>
      %add3A_971 = arith.constant 28672 : i32
      %add3A_972 = arith.addi %add3A_971, %mul3A_758 : i32
      %get3A_973 = arith.index_cast %add3A_972 : i32 to index
      %get3A_974 = tpu.vector_load %arg5[%get3A_973] {strides = array<i32>} : memref<40960xf32, #tpu.memory_space<vmem>>, vector<16xf32>,
      %get3A_975 = vector.shape_cast %get3A_974 : vector<16xf32> to vector<16xf32>
      %exp3A_976 = math.exp %get3A_975 : vector<16xf32>
      %add3A_977 = arith.addf %add3A_963, %exp3A_976 : vector<16xf32>
      %eq3A_978 = arith.constant 14 : i32
      %eq3A_979 = vector.broadcast %eq3A_978 : i32 to vector<16xi32>
      %eq3A_980 = arith.cmpi eq, %min3A_776, %eq3A_979 : vector<16xi32>
      %jit3A_981 = arith.constant 0.000000e+00 : f32
      %broadcast_in_dim3A_982 = vector.broadcast %jit3A_981 : f32 to vector<16xf32>
      %select_n3A_983 = arith.select %eq3A_980, %get3A_975, %broadcast_in_dim3A_982 : vector<16xi1>, vector<16xf32>
      %add3A_984 = arith.addf %add3A_970, %select_n3A_983 : vector<16xf32>
      %add3A_985 = arith.constant 30720 : i32
      %add3A_986 = arith.addi %add3A_985, %mul3A_758 : i32
      %get3A_987 = arith.index_cast %add3A_986 : i32 to index
      %get3A_988 = tpu.vector_load %arg5[%get3A_987] {strides = array<i32>} : memref<40960xf32, #tpu.memory_space<vmem>>, vector<16xf32>,
      %get3A_989 = vector.shape_cast %get3A_988 : vector<16xf32> to vector<16xf32>
      %exp3A_990 = math.exp %get3A_989 : vector<16xf32>
      %add3A_991 = arith.addf %add3A_977, %exp3A_990 : vector<16xf32>
      %eq3A_992 = arith.constant 15 : i32
      %eq3A_993 = vector.broadcast %eq3A_992 : i32 to vector<16xi32>
      %eq3A_994 = arith.cmpi eq, %min3A_776, %eq3A_993 : vector<16xi32>
      %jit3A_995 = arith.constant 0.000000e+00 : f32
      %broadcast_in_dim3A_996 = vector.broadcast %jit3A_995 : f32 to vector<16xf32>
      %select_n3A_997 = arith.select %eq3A_994, %get3A_989, %broadcast_in_dim3A_996 : vector<16xi1>, vector<16xf32>
      %add3A_998 = arith.addf %add3A_984, %select_n3A_997 : vector<16xf32>
      %add3A_999 = arith.constant 32768 : i32
      %add3A_1000 = arith.addi %add3A_999, %mul3A_758 : i32
      %get3A_1001 = arith.index_cast %add3A_1000 : i32 to index
      %get3A_1002 = tpu.vector_load %arg5[%get3A_1001] {strides = array<i32>} : memref<40960xf32, #tpu.memory_space<vmem>>, vector<16xf32>,
      %get3A_1003 = vector.shape_cast %get3A_1002 : vector<16xf32> to vector<16xf32>
      %exp3A_1004 = math.exp %get3A_1003 : vector<16xf32>
      %add3A_1005 = arith.addf %add3A_991, %exp3A_1004 : vector<16xf32>
      %eq3A_1006 = arith.constant 16 : i32
      %eq3A_1007 = vector.broadcast %eq3A_1006 : i32 to vector<16xi32>
      %eq3A_1008 = arith.cmpi eq, %min3A_776, %eq3A_1007 : vector<16xi32>
      %jit3A_1009 = arith.constant 0.000000e+00 : f32
      %broadcast_in_dim3A_1010 = vector.broadcast %jit3A_1009 : f32 to vector<16xf32>
      %select_n3A_1011 = arith.select %eq3A_1008, %get3A_1003, %broadcast_in_dim3A_1010 : vector<16xi1>, vector<16xf32>
      %add3A_1012 = arith.addf %add3A_998, %select_n3A_1011 : vector<16xf32>
      %add3A_1013 = arith.constant 34816 : i32
      %add3A_1014 = arith.addi %add3A_1013, %mul3A_758 : i32
      %get3A_1015 = arith.index_cast %add3A_1014 : i32 to index
      %get3A_1016 = tpu.vector_load %arg5[%get3A_1015] {strides = array<i32>} : memref<40960xf32, #tpu.memory_space<vmem>>, vector<16xf32>,
      %get3A_1017 = vector.shape_cast %get3A_1016 : vector<16xf32> to vector<16xf32>
      %exp3A_1018 = math.exp %get3A_1017 : vector<16xf32>
      %add3A_1019 = arith.addf %add3A_1005, %exp3A_1018 : vector<16xf32>
      %eq3A_1020 = arith.constant 17 : i32
      %eq3A_1021 = vector.broadcast %eq3A_1020 : i32 to vector<16xi32>
      %eq3A_1022 = arith.cmpi eq, %min3A_776, %eq3A_1021 : vector<16xi32>
      %jit3A_1023 = arith.constant 0.000000e+00 : f32
      %broadcast_in_dim3A_1024 = vector.broadcast %jit3A_1023 : f32 to vector<16xf32>
      %select_n3A_1025 = arith.select %eq3A_1022, %get3A_1017, %broadcast_in_dim3A_1024 : vector<16xi1>, vector<16xf32>
      %add3A_1026 = arith.addf %add3A_1012, %select_n3A_1025 : vector<16xf32>
      %add3A_1027 = arith.constant 36864 : i32
      %add3A_1028 = arith.addi %add3A_1027, %mul3A_758 : i32
      %get3A_1029 = arith.index_cast %add3A_1028 : i32 to index
      %get3A_1030 = tpu.vector_load %arg5[%get3A_1029] {strides = array<i32>} : memref<40960xf32, #tpu.memory_space<vmem>>, vector<16xf32>,
      %get3A_1031 = vector.shape_cast %get3A_1030 : vector<16xf32> to vector<16xf32>
      %exp3A_1032 = math.exp %get3A_1031 : vector<16xf32>
      %add3A_1033 = arith.addf %add3A_1019, %exp3A_1032 : vector<16xf32>
      %eq3A_1034 = arith.constant 18 : i32
      %eq3A_1035 = vector.broadcast %eq3A_1034 : i32 to vector<16xi32>
      %eq3A_1036 = arith.cmpi eq, %min3A_776, %eq3A_1035 : vector<16xi32>
      %jit3A_1037 = arith.constant 0.000000e+00 : f32
      %broadcast_in_dim3A_1038 = vector.broadcast %jit3A_1037 : f32 to vector<16xf32>
      %select_n3A_1039 = arith.select %eq3A_1036, %get3A_1031, %broadcast_in_dim3A_1038 : vector<16xi1>, vector<16xf32>
      %add3A_1040 = arith.addf %add3A_1026, %select_n3A_1039 : vector<16xf32>
      %add3A_1041 = arith.constant 38912 : i32
      %add3A_1042 = arith.addi %add3A_1041, %mul3A_758 : i32
      %get3A_1043 = arith.index_cast %add3A_1042 : i32 to index
      %get3A_1044 = tpu.vector_load %arg5[%get3A_1043] {strides = array<i32>} : memref<40960xf32, #tpu.memory_space<vmem>>, vector<16xf32>,
      %get3A_1045 = vector.shape_cast %get3A_1044 : vector<16xf32> to vector<16xf32>
      %exp3A_1046 = math.exp %get3A_1045 : vector<16xf32>
      %add3A_1047 = arith.addf %add3A_1033, %exp3A_1046 : vector<16xf32>
      %eq3A_1048 = arith.constant 19 : i32
      %eq3A_1049 = vector.broadcast %eq3A_1048 : i32 to vector<16xi32>
      %eq3A_1050 = arith.cmpi eq, %min3A_776, %eq3A_1049 : vector<16xi32>
      %jit3A_1051 = arith.constant 0.000000e+00 : f32
      %broadcast_in_dim3A_1052 = vector.broadcast %jit3A_1051 : f32 to vector<16xf32>
      %select_n3A_1053 = arith.select %eq3A_1050, %get3A_1045, %broadcast_in_dim3A_1052 : vector<16xi1>, vector<16xf32>
      %add3A_1054 = arith.addf %add3A_1040, %select_n3A_1053 : vector<16xf32>
      %bitcast_convert_type3A = tpu.bitcast %add3A_1047 : vector<16xf32> -> vector<16xi32>
      %shift_right_logical3A = arith.constant 23 : i32
      %shift_right_logical3A_1055 = vector.broadcast %shift_right_logical3A : i32 to vector<16xi32>
      %shift_right_logical3A_1056 = arith.shrui %bitcast_convert_type3A, %shift_right_logical3A_1055 : vector<16xi32>
      %sub3A = arith.constant 127 : i32
      %sub3A_1057 = vector.broadcast %sub3A : i32 to vector<16xi32>
      %sub3A_1058 = arith.subi %shift_right_logical3A_1056, %sub3A_1057 : vector<16xi32>
      %and3A = arith.constant 8388607 : i32
      %and3A_1059 = vector.broadcast %and3A : i32 to vector<16xi32>
      %and3A_1060 = arith.andi %bitcast_convert_type3A, %and3A_1059 : vector<16xi32>
      %or3A = arith.constant 1065353216 : i32
      %or3A_1061 = vector.broadcast %or3A : i32 to vector<16xi32>
      %or3A_1062 = arith.ori %and3A_1060, %or3A_1061 : vector<16xi32>
      %bitcast_convert_type3A_1063 = tpu.bitcast %or3A_1062 : vector<16xi32> -> vector<16xf32>
      %sub3A_1064 = arith.constant 1.000000e+00 : f32
      %sub3A_1065 = vector.broadcast %sub3A_1064 : f32 to vector<16xf32>
      %sub3A_1066 = arith.subf %bitcast_convert_type3A_1063, %sub3A_1065 : vector<16xf32>
      %add3A_1067 = arith.constant 1.000000e+00 : f32
      %add3A_1068 = vector.broadcast %add3A_1067 : f32 to vector<16xf32>
      %add3A_1069 = arith.addf %bitcast_convert_type3A_1063, %add3A_1068 : vector<16xf32>
      %div3A = arith.divf %sub3A_1066, %add3A_1069 : vector<16xf32>
      %mul3A_1070 = arith.mulf %div3A, %div3A : vector<16xf32>
      %div3A_1071 = arith.constant 9.000000e+00 : f32
      %div3A_1072 = vector.broadcast %div3A_1071 : f32 to vector<16xf32>
      %div3A_1073 = arith.divf %mul3A_1070, %div3A_1072 : vector<16xf32>
      %add3A_1074 = arith.constant 0.142857149 : f32
      %add3A_1075 = vector.broadcast %add3A_1074 : f32 to vector<16xf32>
      %add3A_1076 = arith.addf %add3A_1075, %div3A_1073 : vector<16xf32>
      %mul3A_1077 = arith.mulf %mul3A_1070, %add3A_1076 : vector<16xf32>
      %add3A_1078 = arith.constant 2.000000e-01 : f32
      %add3A_1079 = vector.broadcast %add3A_1078 : f32 to vector<16xf32>
      %add3A_1080 = arith.addf %add3A_1079, %mul3A_1077 : vector<16xf32>
      %mul3A_1081 = arith.mulf %mul3A_1070, %add3A_1080 : vector<16xf32>
      %add3A_1082 = arith.constant 0.333333343 : f32
      %add3A_1083 = vector.broadcast %add3A_1082 : f32 to vector<16xf32>
      %add3A_1084 = arith.addf %add3A_1083, %mul3A_1081 : vector<16xf32>
      %mul3A_1085 = arith.mulf %mul3A_1070, %add3A_1084 : vector<16xf32>
      %add3A_1086 = arith.constant 1.000000e+00 : f32
      %add3A_1087 = vector.broadcast %add3A_1086 : f32 to vector<16xf32>
      %add3A_1088 = arith.addf %add3A_1087, %mul3A_1085 : vector<16xf32>
      %convert_element_type3A_1089 = arith.sitofp %sub3A_1058 : vector<16xi32> to vector<16xf32>
      %mul3A_1090 = arith.constant 0.693147182 : f32
      %mul3A_1091 = vector.broadcast %mul3A_1090 : f32 to vector<16xf32>
      %mul3A_1092 = arith.mulf %convert_element_type3A_1089, %mul3A_1091 : vector<16xf32>
      %mul3A_1093 = arith.constant 2.000000e+00 : f32
      %mul3A_1094 = vector.broadcast %mul3A_1093 : f32 to vector<16xf32>
      %mul3A_1095 = arith.mulf %mul3A_1094, %div3A : vector<16xf32>
      %mul3A_1096 = arith.mulf %mul3A_1095, %add3A_1088 : vector<16xf32>
      %add3A_1097 = arith.addf %mul3A_1092, %mul3A_1096 : vector<16xf32>
      %add3A_1098 = arith.addf %scan3A_756, %add3A_1097 : vector<16xf32>
      %sub3A_1099 = arith.subf %add3A_1098, %add3A_1054 : vector<16xf32>
      scf.yield %sub3A_1099 : vector<16xf32>
    }
    %scan3A_750 = arith.constant 128 : i32
    %swap3A_751 = arith.constant 0 : index
    %swap3A_752 = tpu.vector_load %arg7[%swap3A_751] {strides = array<i32>} : memref<16xf32, #tpu.memory_space<vmem>>, vector<16xf32>,
    %swap3A_753 = vector.shape_cast %swap3A_752 : vector<16xf32> to vector<16xf32>
    %swap3A_754 = vector.shape_cast %scan3A_749 : vector<16xf32> to vector<16xf32>
    tpu.vector_store %arg7[%swap3A_751], %swap3A_754 {strides = array<i32>} : memref<16xf32, #tpu.memory_space<vmem>>, vector<16xf32>,
    "tpu.region"() ({
      %run_scoped3A = tpu.sem_alloc : memref<!tpu.dma_semaphore, #tpu.memory_space<semaphore_mem>>
      %dma_start3A_755 = arith.constant 0 : i32
      %dma_start3A_756 = tpu.memref_slice %arg4[%add3A, %dma_start3A_755] : memref<32x16xf32, #tpu.memory_space<hbm>> -> memref<1x16xf32, #tpu.memory_space<hbm>>
      %dma_start3A_757 = tpu.memref_squeeze %dma_start3A_756 : memref<1x16xf32, #tpu.memory_space<hbm>> -> memref<16xf32, #tpu.memory_space<hbm>>
      %dma_start3A_758 = arith.constant 0 : i32
      %dma_start3A_759 = tpu.memref_slice %arg4[%add3A, %dma_start3A_758] : memref<32x16xf32, #tpu.memory_space<hbm>> -> memref<1x16xf32, #tpu.memory_space<hbm>>
      %dma_start3A_760 = tpu.memref_squeeze %dma_start3A_759 : memref<1x16xf32, #tpu.memory_space<hbm>> -> memref<16xf32, #tpu.memory_space<hbm>>
      tpu.enqueue_dma source(%arg7 : memref<16xf32, #tpu.memory_space<vmem>>) target(%dma_start3A_760 : memref<16xf32, #tpu.memory_space<hbm>>) target_semaphore(%run_scoped3A : memref<!tpu.dma_semaphore, #tpu.memory_space<semaphore_mem>>)
      %dma_wait3A_761 = arith.constant 0 : i32
      %dma_wait3A_762 = tpu.memref_slice %arg4[%add3A, %dma_wait3A_761] : memref<32x16xf32, #tpu.memory_space<hbm>> -> memref<1x16xf32, #tpu.memory_space<hbm>>
      %dma_wait3A_763 = tpu.memref_squeeze %dma_wait3A_762 : memref<1x16xf32, #tpu.memory_space<hbm>> -> memref<16xf32, #tpu.memory_space<hbm>>
      %dma_wait3A_764 = arith.constant 0 : i32
      %dma_wait3A_765 = tpu.memref_slice %arg4[%add3A, %dma_wait3A_764] : memref<32x16xf32, #tpu.memory_space<hbm>> -> memref<1x16xf32, #tpu.memory_space<hbm>>
      %dma_wait3A_766 = tpu.memref_squeeze %dma_wait3A_765 : memref<1x16xf32, #tpu.memory_space<hbm>> -> memref<16xf32, #tpu.memory_space<hbm>>
      tpu.wait_dma2 semaphore(%run_scoped3A : memref<!tpu.dma_semaphore, #tpu.memory_space<semaphore_mem>>) src(%arg7 : memref<16xf32, #tpu.memory_space<vmem>>) dst(%dma_wait3A_766 : memref<16xf32, #tpu.memory_space<hbm>>)
      tpu.yield
    }) : () -> ()
    return
  }
}

module attributes {stable_mosaic.version = 14 : i64} {
  func.func @_ce_tc_kernel(%arg0: i32, %arg1: memref<20x65536xf32, #tpu.memory_space<vmem>>, %arg2: memref<8x8192xf32, #tpu.memory_space<vmem>>, %arg3: memref<1x20xf32, #tpu.memory_space<vmem>>, %arg4: memref<1x1xf32, #tpu.memory_space<smem>>) attributes {dimension_semantics = [#tpu.dimension_semantics<arbitrary>], iteration_bounds = array<i64: 14>, scalar_prefetch = 0 : i64, scratch_operands = 0 : i64, tpu.core_type = #tpu.core_type<tc>, window_params = [{transform_indices = @transform_0, window_bounds = array<i64: 20, 65536>}, {transform_indices = @transform_1, window_bounds = array<i64: 8, 8192>}, {pipeline_mode = #tpu.pipeline_mode<synchronous>, transform_indices = @transform_2, window_bounds = array<i64: 1, 20>}, {transform_indices = @transform_3, window_bounds = array<i64: 1, 1>}]} {
    %get3A = arith.constant 0 : index
    %get3A_0 = arith.constant 0 : index
    %get3A_1 = vector.load %arg1[%get3A, %get3A_0] : memref<20x65536xf32, #tpu.memory_space<vmem>>, vector<20x65536xf32>
    %exp3A = math.exp %get3A_1 : vector<20x65536xf32>
    %get3A_2 = arith.constant 0 : index
    %get3A_3 = arith.constant 0 : index
    %get3A_4 = vector.load %arg3[%get3A_2, %get3A_3] : memref<1x20xf32, #tpu.memory_space<vmem>>, vector<1x20xf32>
    %dot_general3A = arith.constant dense<0.000000e+00> : vector<1x65536xf32>
    %dot_general3A_5 = tpu.matmul %get3A_4, %exp3A, %dot_general3A {dimension_numbers = #tpu.dot_dimension_numbers<[1], [0], [0], [1], [0, 0, 1, 1], [], []>, transpose_lhs_hint = false} : vector<1x20xf32>, vector<20x65536xf32>, vector<1x65536xf32> -> vector<1x65536xf32>
    %log3A = math.log %dot_general3A_5 : vector<1x65536xf32>
    %reduce_sum3A = vector.shape_cast %log3A : vector<1x65536xf32> to vector<1x1x65536xf32>
    %reduce_sum3A_6 = arith.constant dense<0.000000e+00> : vector<1xf32>
    %reduce_sum3A_7 = vector.multi_reduction <add>, %reduce_sum3A, %reduce_sum3A_6 [1, 2] : vector<1x1x65536xf32> to vector<1xf32>
    %reduce_sum3A_8 = vector.shape_cast %reduce_sum3A_7 : vector<1xf32> to vector<1x1x1xf32>
    %reduce_sum3A_9 = vector.extract %reduce_sum3A_8[0, 0, 0] : f32 from vector<1x1x1xf32>
    %get3A_10 = arith.constant 0 : index
    %get3A_11 = arith.constant 0 : index
    %get3A_12 = vector.load %arg2[%get3A_10, %get3A_11] : memref<8x8192xf32, #tpu.memory_space<vmem>>, vector<8x8192xf32>
    %add3A = arith.constant 1.000000e+00 : f32
    %add3A_13 = vector.broadcast %add3A : f32 to vector<8x8192xf32>
    %add3A_14 = arith.addf %get3A_12, %add3A_13 : vector<8x8192xf32>
    %mul3A = arith.constant 1.000000e+01 : f32
    %mul3A_15 = vector.broadcast %mul3A : f32 to vector<8x8192xf32>
    %mul3A_16 = arith.mulf %add3A_14, %mul3A_15 : vector<8x8192xf32>
    %ceil3A = math.ceil %mul3A_16 : vector<8x8192xf32>
    %jit3A = arith.constant 0.000000e+00 : f32
    %jit3A_17 = arith.constant 1.900000e+01 : f32
    %max3A = vector.broadcast %jit3A : f32 to vector<8x8192xf32>
    %max3A_18 = arith.maximumf %max3A, %ceil3A : vector<8x8192xf32>
    %min3A = vector.broadcast %jit3A_17 : f32 to vector<8x8192xf32>
    %min3A_19 = arith.minimumf %min3A, %max3A_18 : vector<8x8192xf32>
    %reshape3A = vector.shape_cast %min3A_19 : vector<8x8192xf32> to vector<1x65536xf32>
    %convert_element_type3A = arith.fptosi %reshape3A : vector<1x65536xf32> to vector<1x65536xi32>
    %iota3A = tpu.iota {dimensions = array<i32: 0>} : vector<20x65536xi32>
    %eq3A = vector.broadcast %convert_element_type3A : vector<1x65536xi32> to vector<20x65536xi32>
    %eq3A_20 = arith.cmpi eq, %iota3A, %eq3A : vector<20x65536xi32>
    %jit3A_21 = arith.constant 0.000000e+00 : f32
    %broadcast_in_dim3A = vector.broadcast %jit3A_21 : f32 to vector<20x65536xf32>
    %select_n3A = arith.select %eq3A_20, %get3A_1, %broadcast_in_dim3A : vector<20x65536xi1>, vector<20x65536xf32>
    %reduce_sum3A_22 = vector.shape_cast %select_n3A : vector<20x65536xf32> to vector<1x20x65536xf32>
    %reduce_sum3A_23 = arith.constant dense<0.000000e+00> : vector<1xf32>
    %reduce_sum3A_24 = vector.multi_reduction <add>, %reduce_sum3A_22, %reduce_sum3A_23 [1, 2] : vector<1x20x65536xf32> to vector<1xf32>
    %reduce_sum3A_25 = vector.shape_cast %reduce_sum3A_24 : vector<1xf32> to vector<1x1x1xf32>
    %reduce_sum3A_26 = vector.extract %reduce_sum3A_25[0, 0, 0] : f32 from vector<1x1x1xf32>
    %eq3A_27 = arith.constant 0 : i32
    %eq3A_28 = arith.cmpi eq, %arg0, %eq3A_27 : i32
    %convert_element_type3A_29 = arith.extui %eq3A_28 : i1 to i32
    %cond3A = arith.constant 0 : i32
    %cond3A_30 = arith.cmpi ne, %convert_element_type3A_29, %cond3A : i32
    scf.if %cond3A_30 {
      %swap3A_37 = arith.constant 0.000000e+00 : f32
      %swap3A_38 = arith.constant 0 : index
      %swap3A_39 = arith.constant 0 : index
      %swap3A_40 = memref.load %arg4[%swap3A_38, %swap3A_39] : memref<1x1xf32, #tpu.memory_space<smem>>
      memref.store %swap3A_37, %arg4[%swap3A_38, %swap3A_39] : memref<1x1xf32, #tpu.memory_space<smem>>
    } else {
    }
    %get3A_31 = arith.constant 0 : index
    %get3A_32 = arith.constant 0 : index
    %get3A_33 = memref.load %arg4[%get3A_31, %get3A_32] : memref<1x1xf32, #tpu.memory_space<smem>>
    %sub3A = arith.subf %reduce_sum3A_9, %reduce_sum3A_26 : f32
    %add3A_34 = arith.addf %get3A_33, %sub3A : f32
    %swap3A = arith.constant 0 : index
    %swap3A_35 = arith.constant 0 : index
    %swap3A_36 = memref.load %arg4[%swap3A, %swap3A_35] : memref<1x1xf32, #tpu.memory_space<smem>>
    memref.store %add3A_34, %arg4[%swap3A, %swap3A_35] : memref<1x1xf32, #tpu.memory_space<smem>>
    return
  }
  func.func @transform_0(%arg0: i32) -> (i32, i32) {
    %c0_i32 = arith.constant 0 : i32
    %c0_i32_0 = arith.constant 0 : i32
    return %c0_i32, %arg0 : i32, i32
  }
  func.func @transform_1(%arg0: i32) -> (i32, i32) {
    %c0_i32 = arith.constant 0 : i32
    %c0_i32_0 = arith.constant 0 : i32
    return %arg0, %c0_i32 : i32, i32
  }
  func.func @transform_2(%arg0: i32) -> (i32, i32) {
    %c0_i32 = arith.constant 0 : i32
    %c0_i32_0 = arith.constant 0 : i32
    %c0_i32_1 = arith.constant 0 : i32
    return %c0_i32, %c0_i32_0 : i32, i32
  }
  func.func @transform_3(%arg0: i32) -> (i32, i32) {
    %c0_i32 = arith.constant 0 : i32
    %c0_i32_0 = arith.constant 0 : i32
    %c0_i32_1 = arith.constant 0 : i32
    return %c0_i32, %c0_i32_0 : i32, i32
  }
}

</mosaic_0001>

<sc_bundles>
// kernel: kernel.4.cloned.1.call-start
scs
__scs_entry_jumppad:
0x0: {  	(pc) =	sbr.rel $0x88, $3  }
0x1: {  	(tag) =	ssettag $0x0;
	lr =	simm.s32 $0x1  }
0x2: {  	[smem:$0x3F9F] =	sst lr;
	_ =	strace $0xD0000000  }
0x3: {  	_ = 	snop  }
0x4: {  	_ = 	snop  }
0x5: {  	_ = 	snop  }
0x6: {  	_ = 	snop  }
0x7: {  	_ = 	snop  }
__scs_overlays_trampoline_lowered:
0x8: {  	[smem:$0x3FAE] =	sst s0  }
0x9: {  	[smem:$0x3FAF] =	sst s1  }
0xa: {  	[smem:$0x3FB0] =	sst s2  }
0xb: {  	[smem:$0x3FB1] =	sst s3  }
0xc: {  	[smem:$0x3FB2] =	sst s4  }
0xd: {  	[smem:$0x3FB3] =	sst s5  }
0xe: {  	[smem:$0x3FB4] =	sst s6  }
0xf: {  	[smem:$0x3FB5] =	sst s7  }
0x10: {  	[smem:$0x3FB6] =	sst s8  }
0x11: {  	[smem:$0x3FB7] =	sst s9;
	s0 =	simm.s32 @!p0 $0x0  }
0x12: {  	s1 =	sld [smem:$0x3F9D];
	s0 =	simm.s32 @p0 $0x1  }
0x13: {  	[smem:$0x3FB8] =	sst s0;
	s0 =	simm.s32 @!p1 $0x0  }
0x14: {  	s2 =	sld [smem:$0x3F9C];
	s0 =	simm.s32 @p1 $0x1  }
0x15: {  	[smem:$0x3FB9] =	sst s0;
	s0 =	simm.s32 @!p2 $0x0  }
0x16: {  	s3 =	sld [smem:$0x3FDB];
	s0 =	simm.s32 @p2 $0x1  }
0x17: {  	s4 =	simm.s32 $0x1BF5;
	[smem:$0x3FBB] =	sst s0  }
0x18: {  	s0 =	sld [smem:$0x3F9E];
	_ =	swait.ge [sflag:s4], $0x0  }
0x19: {  	s7 =	sld [smem:$0x3F9F]  }
0x1a: {  	s8 =	sadd.s32 $0xFFFFE003, lr  }
0x1b: {  	s9 =	sadd.s32 $0xFFFFFEF7, lr;
	s5 =	simm.s32 $0xFFFFFFFF;
	p2 =	slt.u32 s8, $0xFFFFF086  }
0x1c: {  	p1 =	slt.u32 s9, $0xF7A;
	s5 =	simm.s32 @!p2 $0x0  }
0x1d: {  	s5 =	simm.s32 @p1 $0x1;
	p0 =	seq.s32 s7, s2  }
0x1e: {  	s7 =	smul.u32 @!p0 $0xF7A, s2;
	p2 =	seq.s32 @!p0 s5, $0x0  }
0x1f: {  	s9 =	smul.u32 $0xF7A, s1;
	s8 =	simm.s32 @!p0 $0x1BF5;
	p2 =	por !p2, p0  }
0x20: {  	[sflag:s8] =	ssyncset.s32 @!p0 $0xFFFFF086;
	s6 =	sadd.s32 @!p0 s3, s7;
	s7 =	simm.s32 @!p0 $0x108  }
0x21: {  	s3 =	sadd.s32 s3, s9;
	s6 =	sadd.s32 @!p0 $0x88, s6;
	s7 =	simm.s32 @p2 $0x1082  }
0x22: {  	[simem:s7], [sflag:s8] =	dma.local @!p0 [hbm:s6], $0xF7A  }
0x23: {  	s9 =	sor.u32 $0xD0000000, s2;
	s6 =	simm.s32 $0x108;
	_ =	swait.ge @!p0 [sflag:s8], $0x0  }
0x24: {  	s3 =	sadd.s32 $0x88, s3;
	s6 =	simm.s32 @!p1 $0x1082;
	[sflag:s4] =	ssyncset.s32 $0xFFFFF086  }
0x25: {  	[simem:s6], [sflag:s4] =	dma.local [hbm:s3], $0xF7A  }
0x26: {  	[smem:$0x3F9F] =	sst s1;
	(tag) =	ssettag s2;
	_ =	strace s9  }
0x27: {  	s1 =	sld [smem:$0x3FAF]  }
0x28: {  	s2 =	sld [smem:$0x3FB0]  }
0x29: {  	s4 =	sld [smem:$0x3FB2]  }
0x2a: {  	p0 =	seq.s32 s5, $0x0;
	s5 =	sld [smem:$0x3FB3]  }
0x2b: {  	s6 =	sld [smem:$0x3FB4]  }
0x2c: {  	s7 =	sld [smem:$0x3FB5]  }
0x2d: {  	s3 =	simm.s32 $0x108;
	s8 =	sld [smem:$0x3FB6]  }
0x2e: {  	s3 =	simm.s32 @!p0 $0x1082;
	s9 =	sld [smem:$0x3FB7]  }
0x2f: {  	lr =	sadd.s32 s0, s3;
	s0 =	sld [smem:$0x3FAE]  }
0x30: {  	s3 =	sld [smem:$0x3FB1]  }
0x31: {  	[smem:$0x3FBA] =	sst s10  }
0x32: {  	s10 =	sld [smem:$0x3FB8];
	_ =	sdelay $0x3  }
0x33: {  	p0 =	seq.s32 s10, $0x1;
	s10 =	sld [smem:$0x3FBA];
	_ =	sdelay $0x3  }
0x34: {  	[smem:$0x3FBA] =	sst s10  }
0x35: {  	s10 =	sld [smem:$0x3FB9];
	_ =	sdelay $0x3  }
0x36: {  	p1 =	seq.s32 s10, $0x1;
	s10 =	sld [smem:$0x3FBA];
	_ =	sdelay $0x3  }
0x37: {  	[smem:$0x3FBA] =	sst s10  }
0x38: {  	s10 =	sld [smem:$0x3FBB]  }
0x39: {  	_ = 	snop;
	(pc) =	sbr.ind lr, $3  }
0x3a: {  	_ = 	snop  }
0x3b: {  	_ = 	snop  }
0x3c: {  	p2 =	seq.s32 s10, $0x1;
	s10 =	sld [smem:$0x3FBA]  }
0x3d: {  	_ =	shalt  }
0x3e: {  	_ =	shalt  }
0x3f: {  	_ =	shalt  }
0x40: {  	_ =	shalt  }
0x41: {  	_ =	shalt  }
0x42: {  	_ =	shalt  }
0x43: {  	_ =	shalt  }
0x44: {  	_ =	shalt  }
0x45: {  	_ =	shalt  }
0x46: {  	_ =	shalt  }
0x47: {  	_ =	shalt  }
0x48: {  	_ =	shalt  }
0x49: {  	_ =	shalt  }
0x4a: {  	_ =	shalt  }
0x4b: {  	_ =	shalt  }
0x4c: {  	_ =	shalt  }
0x4d: {  	_ =	shalt  }
0x4e: {  	_ =	shalt  }
0x4f: {  	_ =	shalt  }
0x50: {  	_ =	shalt  }
0x51: {  	_ =	shalt  }
0x52: {  	_ =	shalt  }
0x53: {  	_ =	shalt  }
0x54: {  	_ =	shalt  }
0x55: {  	_ =	shalt  }
0x56: {  	_ =	shalt  }
0x57: {  	_ =	shalt  }
0x58: {  	_ =	shalt  }
0x59: {  	_ =	shalt  }
0x5a: {  	_ =	shalt  }
0x5b: {  	_ =	shalt  }
0x5c: {  	_ =	shalt  }
0x5d: {  	_ =	shalt  }
0x5e: {  	_ =	shalt  }
0x5f: {  	_ =	shalt  }
0x60: {  	_ =	shalt  }
0x61: {  	_ =	shalt  }
0x62: {  	_ =	shalt  }
0x63: {  	_ =	shalt  }
0x64: {  	_ =	shalt  }
0x65: {  	_ =	shalt  }
0x66: {  	_ =	shalt  }
0x67: {  	_ =	shalt  }
0x68: {  	_ =	shalt  }
0x69: {  	_ =	shalt  }
0x6a: {  	_ =	shalt  }
0x6b: {  	_ =	shalt  }
0x6c: {  	_ =	shalt  }
0x6d: {  	_ =	shalt  }
0x6e: {  	_ =	shalt  }
0x6f: {  	_ =	shalt  }
0x70: {  	_ =	shalt  }
0x71: {  	_ =	shalt  }
0x72: {  	_ =	shalt  }
0x73: {  	_ =	shalt  }
0x74: {  	_ =	shalt  }
0x75: {  	_ =	shalt  }
0x76: {  	_ =	shalt  }
0x77: {  	_ =	shalt  }
0x78: {  	_ =	shalt  }
0x79: {  	_ =	shalt  }
0x7a: {  	_ =	shalt  }
0x7b: {  	_ =	shalt  }
0x7c: {  	_ =	shalt  }
0x7d: {  	_ =	shalt  }
0x7e: {  	_ =	shalt  }
0x7f: {  	_ =	shalt  }
0x80: {  	_ =	shalt  }
0x81: {  	_ =	shalt  }
0x82: {  	_ =	shalt  }
0x83: {  	_ =	shalt  }
0x84: {  	_ =	shalt  }
0x85: {  	_ =	shalt  }
0x86: {  	_ =	shalt  }
0x87: {  	_ =	shalt  }
.Lfunc_end0:
.L_simem_size_0:
called_computation_lowered:
.L_overlay_start_0:
0x88: {  	s2 =	sld [smem:$0x3FD9]  }
0x89: {  	s3 =	sld [smem:$0x3FFE];
	_ =	sdelay $0x1  }
0x8a: {  	s1 =	srdreg.scid  }
0x8b: {  	s0 =	sand.u32 $0x1, s1  }
0x8c: {  	s17 =	sshll.u32 s0, $0xA;
	s2 =	sadd.s32 s3, s2  }
0x8d: {  	s2 =	sadd.s32 s2, s17  }
0x8e: {  	[smem:$0x3FC6] =	sst s2  }
0x8f: {  	_ = 	snop  }
0x90: {  	s2 =	sld [smem:$0x3FC9]  }
0x91: {  	s18 =	sld [smem:$0x3FC8];
	(tm) =	ssettm $0x1  }
0x92: {  	s4 =	sld [smem:$0x3FFB];
	_ =	sdelay $0x3  }
0x93: {  	_ =	strace s4  }
0x94: {  	s4 =	sld [smem:$0x3FFC];
	_ =	sdelay $0x3  }
0x95: {  	_ =	strace s4  }
0x96: {  	s4 =	sld [smem:$0x3FFD];
	_ =	sdelay $0x3  }
0x97: {  	_ =	strace s4  }
0x98: {  	_ =	strace $0x8FFFFFFF  }
0x99: {  	s19 =	sld [smem:$0x3FDB];
	_ =	sdelay $0x1  }
0x9a: {  	s5 =	simm.s32 $_scs_section_size  }
0x9b: {  	s6 =	simm.s32 $_size__tile_overlayer_lowered;
	s7 =	simm.s32 $_tile_overlayer_lowered  }
0x9c: {  	s22 =	simm.s32 $0x1BFF;
	s21 =	sshll.u32 s7, $0x1;
	s4 =	sadd.s32 s5, s19  }
0x9d: {  	s8 =	simm.s32 $0x0;
	s20 =	sshll.u32 s6, $0x1;
	s6 =	sadd.s32 s21, s4  }
0x9e: {  	[timem:s8], [sflag:s22] =	dma.local [hbm:s6], s20  }
0x9f: {  	_ =	swait.ge [sflag:s22], s20  }
0xa0: {  	s5 =	ssub.s32 $0x0, s20;
	[sflag:s22] =	ssyncset.done $0x0  }
0xa1: {  	[sflag:s22] =	ssyncadd.s32 s5;
	_ =	sdelay $0x1  }
0xa2: {  	s23 =	simm.s32 $0x1B8B  }
0xa3: {  	_ =	swait.ge [sflag:s23], $0x1  }
0xa4: {  	[sflag:s23] =	ssyncset.done $0x0  }
0xa5: {  	s25 =	simm.s32 $0x1B8E;
	s24 =	sld [smem:$0x3FFE];
	[sflag:s23] =	ssyncadd.s32 $0xFFFFFFFF  }
0xa6: {  	s26 =	simm.s32 $execute0_lowered;
	[smem:$0x3FD2] =	sst s25  }
0xa7: {  	s6 =	sshll.u32 s26, $0x1;
	_ =	strace $0x80000046;
	[dreg:$0x1] =	wrdreg $0xFFFFFFFF  }
0xa8: {  	s28 =	simm.s32 $_size_execute0_lowered;
	s4 =	sadd.s32 s4, s6;
	[dreg:$0x0] =	wrdreg $0x0  }
0xa9: {  	s6 =	sshll.u32 s28, $0x1;
	[dreg:$0x2] =	wrdreg s4  }
0xaa: {  	[dreg:$0x3] =	wrdreg s6  }
0xab: {  	[dreg:$0x4] =	wrdreg $0xC0  }
0xac: {  	_ =	task [dreg:s8], $0x5FFFF  }
0xad: {  	[dreg:$0x1] =	wrdreg $0xFFFFFFFF  }
0xae: {  	[dreg:$0x0] =	wrdreg $0x60  }
0xaf: {  	[dreg:$0x2] =	wrdreg s2  }
0xb0: {  	[dreg:$0x3] =	wrdreg s18  }
0xb1: {  	[dreg:$0x4] =	wrdreg s24  }
0xb2: {  	[dreg:$0x5] =	wrdreg $0x9  }
0xb3: {  	_ =	task.clear_ibuf [dreg:s8], $0x6FFFF;
	_ =	strace $0x90000046  }
0xb4: {  	s29 =	simm.s32 $0x9;
	_ =	strace $0x80000048  }
0xb5: {  	_ =	swait.ge [sflag:s29], $0x1  }
0xb6: {  	[sflag:s29] =	ssyncadd.s32 $0xFFFFFFFF  }
0xb7: {  	_ =	strace $0x90000048  }
0xb8: {  	_ =	sfence  }
0xb9: {  	s30 =	sld [smem:$0x0];
	_ =	sdelay $0x2  }
0xba: {  	s31 =	sshll.u32 s1, $0xD;
	s1 =	sshrl.u32 s1, $0x2  }
0xbb: {  	s3 =	sand.u32 $0x4000, s31;
	s1 =	sadd.s32 s1, s30  }
0xbc: {  	s0 =	sor.u32 s3, s0;
	s1 =	sshll.u32 s1, $0x11  }
0xbd: {  	s0 =	sor.u32 s1, s0  }
0xbe: {  	s0 =	sadd.s32 $0x8F2B, s0  }
0xbf: {  	[sflag:s0] =	ssyncadd.remote.s32 $0x1  }
0xc0: {  	_ =	sfence.sel $0xFFFF  }
0xc1: {  	[dreg:$0x0] =	wrdreg $0xFFFFFFFF;
	(pc) =	sbr.abs _section_cstart, $3  }
0xc2: {  	[dreg:$0x1] =	wrdreg $0xFFFFFFFF  }
0xc3: {  	_ =	task.clear_ibuf [dreg:s8], $0x2FFFF;
	_ =	strace $0x9FFFFFFF  }
0xc4: {  	(tm) =	ssettm $0x7FFFFFFF  }
0xc5: {  	_ =	shalt  }
tec
execute0_lowered:
.L_overlay_start_1:
0x0: {  	(tag) =	ssettag $0x1  }
0x1: {  	s2 =	srdreg.scid;
	s5 =	stileid.u32  }
0x2: {  	s4 =	sand.u32 $0x1, s2;
	s5 =	sshll.u32 s5, $0x1  }
0x3: {  	s0 =	rddreg [dreg:$0x0];
	s5 =	sor.u32 s4, s5  }
0x4: {  	s1 =	rddreg [dreg:$0x1];
	s6 =	sshll.u32 s5, $0xC  }
0x5: {  	s3 =	rddreg [dreg:$0x2];
	s2 =	simm.s32 $0x0;
	s14 =	sadd.s32 s6, s0  }
0x6: {  	[smem:$0x7FF] =	sst s2;
	s8 =	sadd.s32 $0xE0010, s14  }
0x7: {  	_ =	strace $0x80000047;
	s10 =	sadd.s32 $0xE0020, s14;
	[dreg:$0x4] =	wrdreg s8  }
0x8: {  	s11 =	sadd.s32 $0xE0030, s14;
	[dreg:$0x5] =	wrdreg s10  }
0x9: {  	s12 =	sadd.s32 $0xE0040, s14;
	[dreg:$0x6] =	wrdreg s11  }
0xa: {  	s13 =	sadd.s32 $0xE0050, s14;
	[dreg:$0x7] =	wrdreg s12  }
0xb: {  	s15 =	sadd.s32 $0xE0060, s14;
	[dreg:$0x8] =	wrdreg s13  }
0xc: {  	s16 =	sadd.s32 $0xE0070, s14;
	[dreg:$0x9] =	wrdreg s15  }
0xd: {  	s17 =	sadd.s32 $0x1E0010, s14;
	[dreg:$0xa] =	wrdreg s16  }
0xe: {  	s18 =	sadd.s32 $0x1E0020, s14;
	[dreg:$0xb] =	wrdreg s17  }
0xf: {  	s19 =	sadd.s32 $0x1E0030, s14;
	[dreg:$0xc] =	wrdreg s18  }
0x10: {  	s20 =	sadd.s32 $0x1E0040, s14;
	[dreg:$0xd] =	wrdreg s19  }
0x11: {  	s22 =	sadd.s32 $0x1E0050, s14;
	[dreg:$0xe] =	wrdreg s20  }
0x12: {  	s23 =	sadd.s32 $0x1E0060, s14;
	[dreg:$0xf] =	wrdreg s22  }
0x13: {  	s24 =	sadd.s32 $0x1E0070, s14;
	[dreg:$0x10] =	wrdreg s23  }
0x14: {  	s25 =	sadd.s32 $0x2E0010, s14;
	[dreg:$0x11] =	wrdreg s24  }
0x15: {  	s4 =	ssub.s32 $0x2, s4;
	s26 =	sadd.s32 $0x1E0000, s14;
	[dreg:$0x12] =	wrdreg s25  }
0x16: {  	s21 =	sshrl.u32 s4, $0x1;
	s9 =	sadd.s32 $0x2E0020, s14;
	[dreg:$0x13] =	wrdreg s26  }
0x17: {  	s4 =	ssub.s32 s4, s21;
	s21 =	sadd.s32 $0x1E0800, s14;
	[dreg:$0x14] =	wrdreg s9  }
0x18: {  	s29 =	simm.s32 $0x5000;
	s10 =	sadd.s32 $0x2E0000, s14;
	[dreg:$0x1f] =	wrdreg s21  }
0x19: {  	s30 =	simm.s32 $0x6000;
	s11 =	sadd.s32 $0x2E0030, s14;
	[dreg:$0x15] =	wrdreg s10  }
0x1a: {  	s31 =	simm.s32 $0x7000;
	s12 =	sadd.s32 $0xE0810, s14;
	[dreg:$0x16] =	wrdreg s11  }
0x1b: {  	s5 =	sshll.u32 s5, $0x4;
	s13 =	sadd.s32 $0xE0820, s14;
	[dreg:$0x17] =	wrdreg s12  }
0x1c: {  	s7 =	sor.u32 $0xE0000, s6;
	s15 =	sadd.s32 $0xE0830, s14;
	[dreg:$0x18] =	wrdreg s13  }
0x1d: {  	s3 =	sadd.s32 s5, s3;
	s16 =	sadd.s32 $0xE0840, s14;
	[dreg:$0x19] =	wrdreg s15  }
0x1e: {  	s28 =	sor.u32 $0xE0800, s6;
	s17 =	sadd.s32 $0xE0850, s14;
	[dreg:$0x1a] =	wrdreg s16  }
0x1f: {  	s18 =	sadd.s32 $0xE0860, s14;
	s19 =	sadd.s32 $0xE0870, s14;
	[dreg:$0x1b] =	wrdreg s17  }
0x20: {  	s20 =	sadd.s32 s0, s7;
	s22 =	sadd.s32 $0x1E0810, s14;
	[dreg:$0x1c] =	wrdreg s18  }
0x21: {  	s23 =	sshrl.u32 s7, $0x3;
	s24 =	sadd.s32 $0x1E0820, s14;
	[dreg:$0x1d] =	wrdreg s19  }
0x22: {  	v0 =	vimm.f32 $9.000000000e+00;
	s25 =	sadd.s32 $0x1E0830, s14;
	s26 =	sadd.s32 $0x1E0840, s14;
	[dreg:$0x1e] =	wrdreg s20  }
0x23: {  	(erf) = vrcp.f32 v0;
	s7 =	sadd.s32 s0, s28;
	s8 =	sadd.s32 $0x1E0860, s14;
	[smem:$0x7F9] =	sst s22  }
0x24: {  	s9 =	sadd.s32 $0x1E0870, s14;
	s28 =	sshrl.u32 s28, $0x3;
	[smem:$0x7FA] =	sst s24  }
0x25: {  	s21 =	simm.s32 $0x7800;
	s0 =	simm.s32 $0x9800;
	[smem:$0x7FB] =	sst s25  }
0x26: {  	s6 =	sadd.s32 s1, s23;
	[smem:$0x7FD] =	sst s26;
	s10 =	sadd.s32 $0x2E0800, s14  }
0x27: {  	s11 =	sadd.s32 $0x2E0810, s14;
	s12 =	sadd.s32 s1, s28;
	s13 =	sadd.s32 $0x2E0820, s14  }
0x28: {  	s15 =	sadd.s32 $0x200, s3;
	s16 =	smax.u32 s4, $0x1;
	s17 =	simm.s32 $0x80  }
0x29: {  	s18 =	simm.s32 $0x400;
	s19 =	simm.s32 $0x5800;
	s20 =	simm.s32 $0x6800  }
0x2a: {  	s1 =	simm.s32 $0x8000;
	s22 =	simm.s32 $0x8800;
	s23 =	simm.s32 $0x9000  }
0x2b: {  	s24 =	simm.s32 $0x2;
	s3 =	simm.s32 $0x1;
	[smem:$0x7FC] =	sst s6  }
0x2c: {  	v1 =	vimm.f32 $0.0e+00;
	v2 =	vimm.s32 $0x0;
	s25 =	simm.s32 $0x0;
	s6 =	sadd.s32 $0x1E0850, s14;
	s14 =	sadd.s32 $0x2E0830, s14;
	v0 =	vpop (erf)  }
.LBB2_1:
0x2d: {  	[tilespmem:$0xA800] =	vst v1;
	s4 =	rddreg [dreg:$0x1e]  }
0x2e: {  	[tilespmem:s2], [sflag:$0x1] =	stream.strided.gather [hbm4b:s4+s17], $0x800, s18, s17, $0x38;
	[tilespmem:$0xA880] =	vst v63  }
0x2f: {  	s26 =	rddreg [dreg:$0x4];
	s5 =	simm.s32 $0x800  }
0x30: {  	[tilespmem:s5], [sflag:$0x1] =	stream.strided.gather [hbm4b:s26+s17], $0x800, s18, s17, $0x38;
	[tilespmem:$0xA880] =	vst v63  }
0x31: {  	s5 =	rddreg [dreg:$0x5];
	s26 =	simm.s32 $0x1000  }
0x32: {  	[tilespmem:s26], [sflag:$0x1] =	stream.strided.gather [hbm4b:s5+s17], $0x800, s18, s17, $0x38;
	[tilespmem:$0xA880] =	vst v63  }
0x33: {  	s5 =	rddreg [dreg:$0x6];
	s26 =	simm.s32 $0x1800  }
0x34: {  	[tilespmem:s26], [sflag:$0x1] =	stream.strided.gather [hbm4b:s5+s17], $0x800, s18, s17, $0x38;
	[tilespmem:$0xA880] =	vst v63  }
0x35: {  	s5 =	rddreg [dreg:$0x7];
	s26 =	simm.s32 $0x2000  }
0x36: {  	[tilespmem:s26], [sflag:$0x1] =	stream.strided.gather [hbm4b:s5+s17], $0x800, s18, s17, $0x38;
	[tilespmem:$0xA880] =	vst v63  }
0x37: {  	s5 =	rddreg [dreg:$0x8];
	s26 =	simm.s32 $0x2800  }
0x38: {  	[tilespmem:s26], [sflag:$0x1] =	stream.strided.gather [hbm4b:s5+s17], $0x800, s18, s17, $0x38;
	[tilespmem:$0xA880] =	vst v63  }
0x39: {  	s5 =	rddreg [dreg:$0x9];
	s26 =	simm.s32 $0x3000  }
0x3a: {  	[tilespmem:s26], [sflag:$0x1] =	stream.strided.gather [hbm4b:s5+s17], $0x800, s18, s17, $0x38;
	[tilespmem:$0xA880] =	vst v63  }
0x3b: {  	s5 =	rddreg [dreg:$0xa];
	s26 =	simm.s32 $0x3800  }
0x3c: {  	[tilespmem:s26], [sflag:$0x1] =	stream.strided.gather [hbm4b:s5+s17], $0x800, s18, s17, $0x38;
	[tilespmem:$0xA880] =	vst v63  }
0x3d: {  	s5 =	rddreg [dreg:$0x13];
	s26 =	simm.s32 $0x4000  }
0x3e: {  	[tilespmem:s26], [sflag:$0x1] =	stream.strided.gather [hbm4b:s5+s17], $0x800, s18, s17, $0x38;
	[tilespmem:$0xA880] =	vst v63  }
0x3f: {  	s5 =	rddreg [dreg:$0xb];
	s26 =	simm.s32 $0x4800  }
0x40: {  	[tilespmem:s26], [sflag:$0x1] =	stream.strided.gather [hbm4b:s5+s17], $0x800, s18, s17, $0x38;
	[tilespmem:$0xA880] =	vst v63  }
0x41: {  	s26 =	rddreg [dreg:$0xc]  }
0x42: {  	s5 =	rddreg [dreg:$0xd]  }
0x43: {  	[tilespmem:s29], [sflag:$0x1] =	stream.strided.gather [hbm4b:s26+s17], $0x800, s18, s17, $0x38;
	[tilespmem:$0xA880] =	vst v63  }
0x44: {  	s26 =	rddreg [dreg:$0xe]  }
0x45: {  	[tilespmem:s19], [sflag:$0x1] =	stream.strided.gather [hbm4b:s5+s17], $0x800, s18, s17, $0x38;
	[tilespmem:$0xA880] =	vst v63  }
0x46: {  	s5 =	rddreg [dreg:$0xf]  }
0x47: {  	[tilespmem:s30], [sflag:$0x1] =	stream.strided.gather [hbm4b:s26+s17], $0x800, s18, s17, $0x38;
	[tilespmem:$0xA880] =	vst v63  }
0x48: {  	s26 =	rddreg [dreg:$0x10]  }
0x49: {  	[tilespmem:s20], [sflag:$0x1] =	stream.strided.gather [hbm4b:s5+s17], $0x800, s18, s17, $0x38;
	[tilespmem:$0xA880] =	vst v63  }
0x4a: {  	s5 =	rddreg [dreg:$0x11]  }
0x4b: {  	[tilespmem:s31], [sflag:$0x1] =	stream.strided.gather [hbm4b:s26+s17], $0x800, s18, s17, $0x38;
	[tilespmem:$0xA880] =	vst v63  }
0x4c: {  	s26 =	rddreg [dreg:$0x15]  }
0x4d: {  	[tilespmem:s21], [sflag:$0x1] =	stream.strided.gather [hbm4b:s5+s17], $0x800, s18, s17, $0x38;
	[tilespmem:$0xA880] =	vst v63  }
0x4e: {  	s5 =	rddreg [dreg:$0x12]  }
0x4f: {  	[tilespmem:s1], [sflag:$0x1] =	stream.strided.gather [hbm4b:s26+s17], $0x800, s18, s17, $0x38;
	[tilespmem:$0xA880] =	vst v63  }
0x50: {  	s26 =	rddreg [dreg:$0x14]  }
0x51: {  	[tilespmem:s22], [sflag:$0x1] =	stream.strided.gather [hbm4b:s5+s17], $0x800, s18, s17, $0x38;
	[tilespmem:$0xA880] =	vst v63  }
0x52: {  	s5 =	rddreg [dreg:$0x16]  }
0x53: {  	[tilespmem:s23], [sflag:$0x1] =	stream.strided.gather [hbm4b:s26+s17], $0x800, s18, s17, $0x38;
	[tilespmem:$0xA880] =	vst v63  }
0x54: {  	s26 =	sld [smem:$0x7FC]  }
0x55: {  	[tilespmem:s0], [sflag:$0x1] =	stream.strided.gather [hbm4b:s5+s17], $0x800, s18, s17, $0x38;
	[tilespmem:$0xA880] =	vst v63  }
0x56: {  	s4 =	simm.s32 $0xA000  }
0x57: {  	[tilespmem:s4], [sflag:$0x2] =	stream.linear.gather [hbm4b:s26+s2], $0x800, $0x38;
	[tilespmem:$0xA880] =	vst v63  }
0x58: {  	_ =	swait.ge [sflag:s24], $0x800  }
0x59: {  	[sflag:s24] =	ssyncset.done $0x0  }
0x5a: {  	[sflag:s24] =	ssyncadd.s32 $0xFFFFF800  }
0x5b: {  	_ =	swait.ge [sflag:s3], $0x800  }
0x5c: {  	[sflag:s3] =	ssyncset.done $0x0  }
0x5d: {  	[sflag:s3] =	ssyncadd.s32 $0xFFFFF800  }
0x5e: {  	_ =	swait.ge [sflag:s3], $0x800  }
0x5f: {  	[sflag:s3] =	ssyncset.done $0x0  }
0x60: {  	[sflag:s3] =	ssyncadd.s32 $0xFFFFF800  }
0x61: {  	_ =	swait.ge [sflag:s3], $0x800  }
0x62: {  	[sflag:s3] =	ssyncset.done $0x0  }
0x63: {  	[sflag:s3] =	ssyncadd.s32 $0xFFFFF800  }
0x64: {  	_ =	swait.ge [sflag:s3], $0x800  }
0x65: {  	[sflag:s3] =	ssyncset.done $0x0  }
0x66: {  	[sflag:s3] =	ssyncadd.s32 $0xFFFFF800  }
0x67: {  	_ =	swait.ge [sflag:s3], $0x800  }
0x68: {  	[sflag:s3] =	ssyncset.done $0x0  }
0x69: {  	[sflag:s3] =	ssyncadd.s32 $0xFFFFF800  }
0x6a: {  	_ =	swait.ge [sflag:s3], $0x800  }
0x6b: {  	[sflag:s3] =	ssyncset.done $0x0  }
0x6c: {  	[sflag:s3] =	ssyncadd.s32 $0xFFFFF800  }
0x6d: {  	_ =	swait.ge [sflag:s3], $0x800  }
0x6e: {  	[sflag:s3] =	ssyncset.done $0x0  }
0x6f: {  	[sflag:s3] =	ssyncadd.s32 $0xFFFFF800  }
0x70: {  	_ =	swait.ge [sflag:s3], $0x800  }
0x71: {  	[sflag:s3] =	ssyncset.done $0x0  }
0x72: {  	[sflag:s3] =	ssyncadd.s32 $0xFFFFF800  }
0x73: {  	_ =	swait.ge [sflag:s3], $0x800  }
0x74: {  	[sflag:s3] =	ssyncset.done $0x0  }
0x75: {  	[sflag:s3] =	ssyncadd.s32 $0xFFFFF800  }
0x76: {  	_ =	swait.ge [sflag:s3], $0x800  }
0x77: {  	[sflag:s3] =	ssyncset.done $0x0  }
0x78: {  	[sflag:s3] =	ssyncadd.s32 $0xFFFFF800  }
0x79: {  	_ =	swait.ge [sflag:s3], $0x800  }
0x7a: {  	[sflag:s3] =	ssyncset.done $0x0  }
0x7b: {  	[sflag:s3] =	ssyncadd.s32 $0xFFFFF800  }
0x7c: {  	_ =	swait.ge [sflag:s3], $0x800  }
0x7d: {  	[sflag:s3] =	ssyncset.done $0x0  }
0x7e: {  	[sflag:s3] =	ssyncadd.s32 $0xFFFFF800  }
0x7f: {  	_ =	swait.ge [sflag:s3], $0x800  }
0x80: {  	[sflag:s3] =	ssyncset.done $0x0  }
0x81: {  	[sflag:s3] =	ssyncadd.s32 $0xFFFFF800  }
0x82: {  	_ =	swait.ge [sflag:s3], $0x800  }
0x83: {  	[sflag:s3] =	ssyncset.done $0x0  }
0x84: {  	[sflag:s3] =	ssyncadd.s32 $0xFFFFF800  }
0x85: {  	_ =	swait.ge [sflag:s3], $0x800  }
0x86: {  	[sflag:s3] =	ssyncset.done $0x0  }
0x87: {  	[sflag:s3] =	ssyncadd.s32 $0xFFFFF800  }
0x88: {  	_ =	swait.ge [sflag:s3], $0x800  }
0x89: {  	[sflag:s3] =	ssyncset.done $0x0  }
0x8a: {  	[sflag:s3] =	ssyncadd.s32 $0xFFFFF800  }
0x8b: {  	_ =	swait.ge [sflag:s3], $0x800  }
0x8c: {  	[sflag:s3] =	ssyncset.done $0x0  }
0x8d: {  	[sflag:s3] =	ssyncadd.s32 $0xFFFFF800  }
0x8e: {  	_ =	swait.ge [sflag:s3], $0x800  }
0x8f: {  	[sflag:s3] =	ssyncset.done $0x0  }
0x90: {  	[sflag:s3] =	ssyncadd.s32 $0xFFFFF800  }
0x91: {  	_ =	swait.ge [sflag:s3], $0x800  }
0x92: {  	[sflag:s3] =	ssyncset.done $0x0  }
0x93: {  	[sflag:s3] =	ssyncadd.s32 $0xFFFFF800  }
0x94: {  	_ =	swait.ge [sflag:s3], $0x800  }
0x95: {  	[sflag:s3] =	ssyncset.done $0x0  }
0x96: {  	[sflag:s3] =	ssyncadd.s32 $0xFFFFF800  }
0x97: {  	s26 =	sand.u32 $0x7F0, s2;
	v29 =	vld [tilespmem:s2+$0x0]  }
0x98: {  	v4 =	vld [tilespmem:s26+$0x8000]  }
0x99: {  	v26 =	vld [tilespmem:s26+$0x800]  }
0x9a: {  	v25 =	vld [tilespmem:s26+$0x1000]  }
0x9b: {  	v7 =	vld [tilespmem:s26+$0x7800]  }
0x9c: {  	v23 =	vld [tilespmem:s26+$0x1800];
	v3 =	vmul.f32 $1.442695020e+00, v29  }
0x9d: {  	v8 =	vld [tilespmem:s26+$0x7000];
	v5 =	vmul.f32 $1.442695020e+00, v4  }
0x9e: {  	v20 =	vld [tilespmem:s26+$0x2000];
	v6 =	vmul.f32 $1.442695020e+00, v26;
	(erf) = vpow2.f32 v3  }
0x9f: {  	(erf) = vpow2.f32 v5  }
0xa0: {  	v3 =	vmul.f32 $1.442695020e+00, v25;
	(erf) = vpow2.f32 v6  }
0xa1: {  	v24 =	vld [tilespmem:s26+$0x2800];
	v5 =	vmul.f32 $1.442695020e+00, v7;
	v6 =	vmul.f32 $1.442695020e+00, v23  }
0xa2: {  	(erf) = vpow2.f32 v3;
	v3 =	vmul.f32 $1.442695020e+00, v8  }
0xa3: {  	v19 =	vld [tilespmem:s26+$0x3000];
	(erf) = vpow2.f32 v5;
	v5 =	vmul.f32 $1.442695020e+00, v20  }
0xa4: {  	(erf) = vpow2.f32 v6  }
0xa5: {  	v35 =	vld [tilespmem:s26+$0x3800];
	(erf) = vpow2.f32 v3  }
0xa6: {  	v3 =	vmul.f32 $1.442695020e+00, v24;
	(erf) = vpow2.f32 v5  }
0xa7: {  	v30 =	vld [tilespmem:s26+$0x4000];
	v5 =	vpop (erf)  }
0xa8: {  	v6 =	vmul.f32 $1.442695020e+00, v19;
	(erf) = vpow2.f32 v3;
	v3 =	vadd.f32 $0.0e+00, v5;
	v44 =	vpop (erf)  }
0xa9: {  	v27 =	vld [tilespmem:s26+$0x4800];
	v5 =	vpop (erf)  }
0xaa: {  	v9 =	vmul.f32 $1.442695020e+00, v35;
	(erf) = vpow2.f32 v6;
	v3 =	vadd.f32 v5, v3  }
0xab: {  	v22 =	vld [tilespmem:s26+$0x5000];
	v5 =	vpop (erf)  }
0xac: {  	v6 =	vmul.f32 $1.442695020e+00, v30;
	(erf) = vpow2.f32 v9;
	v37 =	vpop (erf);
	v3 =	vadd.f32 v5, v3  }
0xad: {  	v18 =	vld [tilespmem:s26+$0x5800];
	v5 =	vpop (erf)  }
0xae: {  	v9 =	vmul.f32 $1.442695020e+00, v27;
	(erf) = vpow2.f32 v6;
	v13 =	vpop (erf);
	v3 =	vadd.f32 v5, v3  }
0xaf: {  	v17 =	vld [tilespmem:s26+$0x6000];
	v5 =	vpop (erf)  }
0xb0: {  	v6 =	vmul.f32 $1.442695020e+00, v22;
	(erf) = vpow2.f32 v9;
	v3 =	vadd.f32 v5, v3  }
0xb1: {  	v16 =	vld [tilespmem:s26+$0x6800];
	v5 =	vpop (erf)  }
0xb2: {  	v9 =	vmul.f32 $1.442695020e+00, v18;
	(erf) = vpow2.f32 v6;
	v3 =	vadd.f32 v5, v3  }
0xb3: {  	v5 =	vpop (erf)  }
0xb4: {  	v10 =	vmul.f32 $1.442695020e+00, v17;
	(erf) = vpow2.f32 v9;
	v3 =	vadd.f32 v5, v3  }
0xb5: {  	v5 =	vpop (erf)  }
0xb6: {  	v12 =	vld [tilespmem:s26+$0x8800];
	v11 =	vmul.f32 $1.442695020e+00, v16;
	(erf) = vpow2.f32 v10;
	v3 =	vadd.f32 v5, v3  }
0xb7: {  	v6 =	vld [tilespmem:s26+$0x9800];
	v5 =	vpop (erf)  }
0xb8: {  	v9 =	vld [tilespmem:s26+$0x9000];
	s26 =	simm.s32 $0x10;
	(erf) = vpow2.f32 v11;
	v5 =	vadd.f32 v5, v3  }
0xb9: {  	v41 =	vld [tilespmem:s4+$0x0];
	s28 =	sand.u32 $0x7F0, s26;
	v10 =	vpop (erf)  }
0xba: {  	v11 =	vld [tilespmem:s28+$0x8800];
	v10 =	vadd.f32 v10, v5  }
0xbb: {  	v3 =	vld [tilespmem:s28+$0x9800];
	v14 =	vpop (erf)  }
0xbc: {  	v5 =	vld [tilespmem:s28+$0x9000];
	v15 =	vadd.f32 v14, v10  }
0xbd: {  	v28 =	vmul.f32 $1.442695020e+00, v12;
	v21 =	vpop (erf);
	v10 =	vld [tilespmem:s28+$0x8000]  }
0xbe: {  	v14 =	vld [tilespmem:s28+$0x7800];
	v31 =	vadd.f32 v21, v15  }
0xbf: {  	v32 =	vpop (erf);
	(erf) = vpow2.f32 v28;
	v28 =	vld [tilespmem:s28+$0x6000]  }
0xc0: {  	v33 =	vmul.f32 $1.442695020e+00, v9;
	v15 =	vld [tilespmem:s28+$0x7000];
	v32 =	vadd.f32 v32, v31  }
0xc1: {  	v36 =	vmul.f32 $1.442695020e+00, v6;
	v21 =	vld [tilespmem:s28+$0x6800];
	v34 =	vpop (erf)  }
0xc2: {  	v46 =	vadd.f32 $1.000000000e+00, v41;
	(erf) = vpow2.f32 v33;
	v33 =	vld [tilespmem:s28+$0x5000];
	v38 =	vadd.f32 v34, v32  }
0xc3: {  	(erf) = vpow2.f32 v36;
	v36 =	vld [tilespmem:s28+$0x4000]  }
0xc4: {  	v56 =	vmul.f32 $1.000000000e+01, v46;
	v31 =	vld [tilespmem:s28+$0x5800];
	v40 =	vadd.f32 v13, v38  }
0xc5: {  	v39 =	vmul.f32 $1.442695020e+00, v11;
	v55 =	vmul.f32 $1.442695020e+00, v14;
	v34 =	vld [tilespmem:s28+$0x4800]  }
0xc6: {  	v51 =	vmul.f32 $1.442695020e+00, v10;
	v32 =	vmul.f32 $1.442695020e+00, v3;
	v45 =	vadd.f32 v37, v40;
	v37 =	vld [tilespmem:s28+$0x3800]  }
0xc7: {  	v47 =	vld [tilespmem:s26+$0x0];
	v41 =	vmul.f32 $1.442695020e+00, v28;
	v54 =	vmul.f32 $1.442695020e+00, v15  }
0xc8: {  	v42 =	vld [tilespmem:s28+$0x1000];
	v38 =	vmul.f32 $1.442695020e+00, v5;
	v50 =	vmul.f32 $1.442695020e+00, v36;
	v44 =	vadd.f32 v44, v45  }
0xc9: {  	v46 =	vld [tilespmem:s28+$0x800];
	v43 =	vmul.f32 $1.442695020e+00, v31;
	v40 =	vmul.f32 $1.442695020e+00, v21;
	v49 =	vpop (erf)  }
0xca: {  	s5 =	simm.s32 $0x20;
	v13 =	vld [tilespmem:$0xA800];
	v48 =	vmul.f32 $1.442695020e+00, v34;
	v45 =	vmul.f32 $1.442695020e+00, v33;
	v44 =	vadd.f32 v49, v44  }
.LBB2_2:
0xcb: {  	p0 =	sne.s32 s5, $0x7F0;
	v52 =	vmul.f32 $1.442695020e+00, v37;
	v59 =	vtrunc.f32 v56;
	v53 =	vadd.f32 $0.0e+00, v29;
	v29 =	vpop (erf)  }
0xcc: {  	v57 =	vcvt.f32.s32 v59;
	vm0 =	vgt.f32 v56, v59;
	v60 =	vadd.f32 v29, v44  }
0xcd: {  	v58 =	vmul.f32 $1.442695020e+00, v42;
	v56 =	vmul.f32 $1.442695020e+00, v47;
	v44 =	vsel vm0, $0x1, v2;
	v49 =	vpop (erf)  }
0xce: {  	v29 =	vmovc v47;
	v59 =	vmul.f32 $1.442695020e+00, v46;
	v44 =	vadd.s32 v57, v44;
	v49 =	vadd.f32 v49, v60  }
0xcf: {  	v47 =	vld [tilespmem:s28+$0x1800];
	(erf) = vpow2.f32 v56;
	vm0 =	vlt.s32 v44, $0x1;
	vm1 =	veq.s32 v44, $0x1  }
0xd0: {  	v53 =	vnsel vm0, $0x0, v53;
	v56 =	vnsel vm1, $0x0, v26;
	v57 =	vand.u32 $0x7FFFFF, v49;
	v26 =	vmovc v46  }
0xd1: {  	vm0 =	veq.s32 v44, $0x2;
	v46 =	vld [tilespmem:s28+$0x2000];
	v53 =	vadd.f32 v56, v53;
	v56 =	vor.u32 $0x3F800000, v57  }
0xd2: {  	(erf) = vpow2.f32 v51;
	v51 =	vnsel vm0, $0x0, v25;
	v57 =	vadd.f32 $1.000000000e+00, v56;
	v25 =	vmovc v42  }
0xd3: {  	vm0 =	veq.s32 v44, $0x3;
	v42 =	vld [tilespmem:s28+$0x2800];
	(erf) = vpow2.f32 v59;
	v51 =	vadd.f32 v53, v51  }
0xd4: {  	v59 =	vnsel vm0, $0x0, v23;
	v53 =	vmul.f32 $1.442695020e+00, v47;
	(erf) = vrcp.f32 v57;
	v23 =	vmovc v47  }
0xd5: {  	vm0 =	veq.s32 v44, $0x4;
	v47 =	vld [tilespmem:s28+$0x3000];
	(erf) = vpow2.f32 v58;
	v51 =	vadd.f32 v51, v59  }
0xd6: {  	v57 =	vmul.f32 $1.442695020e+00, v46;
	(erf) = vpow2.f32 v55;
	v55 =	vnsel vm0, $0x0, v20;
	v20 =	vmovc v46  }
0xd7: {  	vm0 =	veq.s32 v44, $0x5;
	(erf) = vpow2.f32 v53;
	v46 =	vadd.f32 v51, v55  }
0xd8: {  	v55 =	vnsel vm0, $0x0, v24;
	v51 =	vmul.f32 $1.442695020e+00, v42;
	v53 =	vpop (erf);
	(erf) = vpow2.f32 v54  }
0xd9: {  	vm0 =	veq.s32 v44, $0x6;
	v24 =	vmovc v42;
	(erf) = vpow2.f32 v57;
	v54 =	vadd.f32 v46, v55  }
0xda: {  	v42 =	vmul.f32 $1.442695020e+00, v47;
	(erf) = vpow2.f32 v51;
	v51 =	vnsel vm0, $0x0, v19;
	v19 =	vmovc v47  }
0xdb: {  	v47 =	vadd.f32 $0.0e+00, v53;
	vm0 =	veq.s32 v44, $0x7;
	v46 =	vpop (erf);
	v54 =	vadd.f32 v54, v51  }
0xdc: {  	v55 =	vadd.f32 $-1.000000000e+00, v56;
	v35 =	vnsel vm0, $0x0, v35;
	v53 =	vpop (erf);
	(erf) = vpow2.f32 v42  }
0xdd: {  	vm0 =	veq.s32 v44, $0x8;
	v47 =	vadd.f32 v53, v47;
	v54 =	vadd.f32 v54, v35;
	v51 =	vpop (erf)  }
0xde: {  	v30 =	vnsel vm0, $0x0, v30;
	v53 =	vpop (erf);
	(erf) = vpow2.f32 v52;
	v51 =	vmul.f32 v51, v55  }
0xdf: {  	vm0 =	veq.s32 v44, $0x9;
	v52 =	vadd.f32 v53, v47;
	v42 =	vpop (erf);
	v53 =	vadd.f32 v54, v30  }
0xe0: {  	v27 =	vnsel vm0, $0x0, v27;
	v35 =	vpop (erf);
	(erf) = vpow2.f32 v50;
	v50 =	vmul.f32 v51, v51  }
0xe1: {  	vm0 =	veq.s32 v44, $0xA;
	v52 =	vadd.f32 v35, v52;
	v47 =	vpop (erf);
	v27 =	vadd.f32 v53, v27  }
0xe2: {  	v53 =	vnsel vm0, $0x0, v22;
	v30 =	vpop (erf);
	(erf) = vpow2.f32 v48;
	v48 =	vmul.f32 v50, v0  }
0xe3: {  	vm0 =	veq.s32 v44, $0xB;
	v30 =	vadd.f32 v30, v52;
	v35 =	vpop (erf);
	v52 =	vadd.f32 v27, v53  }
0xe4: {  	v22 =	vmovc v33;
	(erf) = vpow2.f32 v45;
	v45 =	vnsel vm0, $0x0, v18;
	v48 =	vadd.f32 $1.428571490e-01, v48;
	v18 =	vmovc v31  }
0xe5: {  	vm0 =	veq.s32 v44, $0xC;
	v53 =	vadd.f32 v35, v30;
	v31 =	vpop (erf);
	v33 =	vadd.f32 v52, v45  }
0xe6: {  	v35 =	vnsel vm0, $0x0, v17;
	v17 =	vmovc v28;
	v27 =	vmovc v34;
	(erf) = vpow2.f32 v43;
	v43 =	vmul.f32 v48, v50  }
0xe7: {  	vm0 =	veq.s32 v44, $0xD;
	v45 =	vadd.f32 v31, v53;
	v31 =	vpop (erf);
	v33 =	vadd.f32 v33, v35  }
0xe8: {  	v34 =	vnsel vm0, $0x0, v16;
	v16 =	vmovc v21;
	v30 =	vmovc v36;
	(erf) = vpow2.f32 v41;
	v41 =	vadd.f32 $2.000000030e-01, v43  }
0xe9: {  	vm0 =	veq.s32 v44, $0xE;
	v36 =	vadd.f32 v31, v45;
	v28 =	vpop (erf);
	v31 =	vadd.f32 v33, v34  }
0xea: {  	v35 =	vmovc v37;
	v33 =	vnsel vm0, $0x0, v8;
	v8 =	vmovc v15;
	(erf) = vpow2.f32 v40;
	v34 =	vmul.f32 v41, v50  }
0xeb: {  	s4 =	sadd.s32 $0x10, s4;
	vm0 =	veq.s32 v44, $0xF;
	v36 =	vadd.f32 v28, v36;
	v21 =	vpop (erf);
	v28 =	vadd.f32 v31, v33  }
0xec: {  	s28 =	sand.u32 $0x7F0, s5;
	v31 =	vnsel vm0, $0x0, v7;
	vm0 =	veq.s32 v44, $0x11;
	v7 =	vmovc v14;
	v41 =	vld [tilespmem:s4+$0x0];
	v33 =	vadd.f32 $3.333333430e-01, v34  }
0xed: {  	vm1 =	veq.s32 v44, $0x10;
	v34 =	vld [tilespmem:s28+$0x9800];
	v14 =	vadd.f32 v21, v36;
	v15 =	vpop (erf);
	v21 =	vadd.f32 v28, v31  }
0xee: {  	v28 =	vnsel vm1, $0x0, v4;
	v36 =	vshrl.u32 v49, $0x17;
	v4 =	vmovc v10;
	v31 =	vld [tilespmem:s28+$0x9000];
	v33 =	vmul.f32 v33, v50  }
0xef: {  	v37 =	vld [tilespmem:s28+$0x8800];
	v15 =	vadd.f32 v15, v14;
	v40 =	vpop (erf);
	v21 =	vadd.f32 v21, v28;
	v14 =	vadd.s32 $0xFFFFFF81, v36  }
0xf0: {  	v36 =	vadd.f32 v51, v51;
	v10 =	vld [tilespmem:s28+$0x8000];
	v28 =	vadd.f32 $1.000000000e+00, v33;
	v33 =	vcvt.s32.f32 v14  }
0xf1: {  	v48 =	vnsel vm0, $0x0, v12;
	vm0 =	veq.s32 v44, $0x12;
	v14 =	vld [tilespmem:s28+$0x7800];
	v49 =	vadd.f32 v40, v15;
	v43 =	vpop (erf)  }
0xf2: {  	v12 =	vmovc v11;
	v45 =	vadd.f32 v21, v48;
	v15 =	vld [tilespmem:s28+$0x7000];
	v33 =	vmul.f32 $6.931471820e-01, v33;
	v36 =	vmul.f32 v28, v36  }
0xf3: {  	v21 =	vld [tilespmem:s28+$0x6800];
	v48 =	vadd.f32 v43, v49;
	v40 =	vpop (erf);
	(erf) = vpow2.f32 v39;
	v43 =	vnsel vm0, $0x0, v9  }
0xf4: {  	vm0 =	vgt.s32 v44, $0x12;
	v9 =	vmovc v5;
	v5 =	vmovc v31;
	v28 =	vld [tilespmem:s28+$0x6000];
	v39 =	vadd.f32 v45, v43;
	v36 =	vadd.f32 v36, v33  }
0xf5: {  	v31 =	vld [tilespmem:s28+$0x5800];
	v40 =	vadd.f32 v40, v48;
	(erf) = vpow2.f32 v38;
	v38 =	vnsel vm0, $0x0, v6;
	v6 =	vmovc v3;
	v3 =	vmovc v34  }
0xf6: {  	v11 =	vmov v37;
	v33 =	vld [tilespmem:s28+$0x5000];
	v43 =	vadd.f32 v39, v38;
	v13 =	vadd.f32 v36, v13  }
0xf7: {  	v34 =	vld [tilespmem:s28+$0x4800];
	v40 =	vadd.f32 v47, v40;
	(erf) = vpow2.f32 v32;
	v32 =	vmul.f32 $1.442695020e+00, v3  }
0xf8: {  	v39 =	vmul.f32 $1.442695020e+00, v11;
	v38 =	vmul.f32 $1.442695020e+00, v5;
	v36 =	vld [tilespmem:s28+$0x4000];
	v13 =	vsub.f32 v13, v43  }
.Ltmp0:
0xf9: {  	v51 =	vmul.f32 $1.442695020e+00, v10;
	v55 =	vmul.f32 $1.442695020e+00, v14;
	v37 =	vld [tilespmem:s28+$0x3800];
	v44 =	vadd.f32 v42, v40;
	(pc) =	sbr.rel @p0 .LBB2_2-.Ltmp0, $4  }
0xfa: {  	s26 =	sadd.s32 $0x10, s26;
	v48 =	vadd.f32 $1.000000000e+00, v41;
	v54 =	vmul.f32 $1.442695020e+00, v15;
	v40 =	vmul.f32 $1.442695020e+00, v21;
	v42 =	vld [tilespmem:s28+$0x1000]  }
0xfb: {  	v41 =	vmul.f32 $1.442695020e+00, v28;
	v43 =	vmul.f32 $1.442695020e+00, v31;
	v47 =	vld [tilespmem:s26+$0x0];
	v44 =	vadd.f32 v46, v44  }
0xfc: {  	v56 =	vmul.f32 $1.000000000e+01, v48;
	v45 =	vmul.f32 $1.442695020e+00, v33;
	v46 =	vld [tilespmem:s28+$0x800];
	v49 =	vpop (erf)  }
0xfd: {  	s5 =	sadd.s32 $0x10, s5;
	v48 =	vmul.f32 $1.442695020e+00, v34;
	v50 =	vmul.f32 $1.442695020e+00, v36;
	v44 =	vadd.f32 v49, v44  }
0xfe: {  	v49 =	vpop (erf)  }
0xff: {  	v44 =	vadd.f32 v49, v44  }
0x100: {  	v60 =	vpop (erf)  }
0x101: {  	v44 =	vadd.f32 v60, v44  }
0x102: {  	v61 =	vmul.f32 $1.442695020e+00, v47  }
0x103: {  	v53 =	vld [tilespmem:s28+$0x1800];
	v52 =	vand.u32 $0x7FFFFF, v44  }
0x104: {  	v57 =	vmul.f32 $1.442695020e+00, v46;
	(erf) = vpow2.f32 v61;
	v58 =	vor.u32 $0x3F800000, v52  }
0x105: {  	(erf) = vpow2.f32 v51;
	v52 =	vld [tilespmem:s28+$0x2000];
	v62 =	vadd.f32 $1.000000000e+00, v58  }
0x106: {  	v59 =	vmul.f32 $1.442695020e+00, v42;
	(erf) = vpow2.f32 v57  }
0x107: {  	v49 =	vld [tilespmem:s28+$0x3000];
	(erf) = vrcp.f32 v62  }
0x108: {  	v51 =	vld [tilespmem:s28+$0x2800];
	v63 =	vmul.f32 $1.442695020e+00, v53;
	(erf) = vpow2.f32 v59  }
0x109: {  	(erf) = vpow2.f32 v55  }
0x10a: {  	v59 =	vmul.f32 $1.442695020e+00, v52;
	(erf) = vpow2.f32 v63  }
0x10b: {  	(erf) = vpow2.f32 v54  }
0x10c: {  	v57 =	vmul.f32 $1.442695020e+00, v49;
	(erf) = vpow2.f32 v59  }
0x10d: {  	v60 =	vmul.f32 $1.442695020e+00, v51;
	v61 =	vpop (erf)  }
0x10e: {  	v54 =	vadd.f32 $0.0e+00, v61;
	v55 =	vpop (erf)  }
0x10f: {  	(erf) = vpow2.f32 v60;
	v59 =	vpop (erf);
	v60 =	vmul.f32 $1.442695020e+00, v37  }
0x110: {  	(erf) = vpow2.f32 v57;
	v54 =	vadd.f32 v59, v54;
	v57 =	vpop (erf)  }
0x111: {  	v62 =	vpop (erf)  }
0x112: {  	v54 =	vadd.f32 v62, v54;
	v59 =	vpop (erf)  }
0x113: {  	(erf) = vpow2.f32 v60;
	v60 =	vpop (erf)  }
0x114: {  	(erf) = vpow2.f32 v50;
	v50 =	vtrunc.f32 v56;
	v54 =	vadd.f32 v60, v54;
	v60 =	vpop (erf)  }
0x115: {  	vm0 =	vgt.f32 v56, v50;
	v50 =	vcvt.f32.s32 v50;
	v63 =	vpop (erf)  }
0x116: {  	v62 =	vsel vm0, $0x1, v2;
	v61 =	vadd.f32 v63, v54;
	v63 =	vadd.f32 $0.0e+00, v29  }
0x117: {  	(erf) = vpow2.f32 v48;
	v29 =	vadd.s32 v50, v62  }
0x118: {  	vm12 =	vlt.s32 v29, $0x1;
	vm1 =	veq.s32 v29, $0x1;
	v54 =	vpop (erf);
	(erf) = vpow2.f32 v45  }
0x119: {  	v62 =	vnsel vm12, $0x0, v63;
	v26 =	vnsel vm1, $0x0, v26;
	v61 =	vadd.f32 v54, v61  }
0x11a: {  	vm13 =	veq.s32 v29, $0x2;
	v26 =	vadd.f32 v26, v62;
	v63 =	vpop (erf)  }
0x11b: {  	v25 =	vnsel vm13, $0x0, v25;
	(erf) = vpow2.f32 v43;
	v54 =	vadd.f32 v63, v61  }
0x11c: {  	vm14 =	veq.s32 v29, $0x3;
	v56 =	vpop (erf);
	v25 =	vadd.f32 v26, v25  }
0x11d: {  	v23 =	vnsel vm14, $0x0, v23;
	(erf) = vpow2.f32 v41;
	v61 =	vadd.f32 v56, v54  }
0x11e: {  	vm15 =	veq.s32 v29, $0x4;
	v26 =	vpop (erf);
	v23 =	vadd.f32 v25, v23  }
0x11f: {  	v20 =	vnsel vm15, $0x0, v20;
	(erf) = vpow2.f32 v40;
	v26 =	vadd.f32 v26, v61  }
0x120: {  	vm4 =	veq.s32 v29, $0x5;
	v25 =	vpop (erf);
	v20 =	vadd.f32 v23, v20  }
0x121: {  	v24 =	vnsel vm4, $0x0, v24;
	v25 =	vadd.f32 v25, v26  }
0x122: {  	v23 =	vpop (erf);
	v20 =	vadd.f32 v20, v24  }
0x123: {  	v23 =	vadd.f32 v23, v25  }
0x124: {  	vm5 =	veq.s32 v29, $0x6;
	vm6 =	veq.s32 v29, $0x7;
	v24 =	vpop (erf)  }
0x125: {  	v19 =	vnsel vm5, $0x0, v19;
	v23 =	vadd.f32 v24, v23;
	v24 =	vnsel vm6, $0x0, v35  }
0x126: {  	s4 =	sadd.s32 $0x10, s4;
	vm7 =	veq.s32 v29, $0x8;
	v19 =	vadd.f32 v20, v19;
	v20 =	vpop (erf)  }
0x127: {  	(erf) = vpow2.f32 v39;
	v26 =	vld [tilespmem:s4+$0x0];
	v20 =	vadd.f32 v20, v23;
	v23 =	vadd.f32 $-1.000000000e+00, v58  }
0x128: {  	vm8 =	veq.s32 v29, $0x9;
	(erf) = vpow2.f32 v38;
	v19 =	vadd.f32 v19, v24;
	v24 =	vpop (erf)  }
0x129: {  	v25 =	vnsel vm7, $0x0, v30;
	v20 =	vadd.f32 v24, v20;
	v23 =	vmul.f32 v57, v23  }
0x12a: {  	vm9 =	veq.s32 v29, $0xA;
	(erf) = vpow2.f32 v32;
	v19 =	vadd.f32 v19, v25  }
0x12b: {  	v24 =	vnsel vm8, $0x0, v27;
	v20 =	vadd.f32 v60, v20;
	v25 =	vmul.f32 v23, v23  }
0x12c: {  	vm10 =	veq.s32 v29, $0xB;
	v26 =	vadd.f32 $1.000000000e+00, v26;
	v19 =	vadd.f32 v19, v24  }
0x12d: {  	v22 =	vnsel vm9, $0x0, v22;
	v20 =	vadd.f32 v59, v20;
	v24 =	vmul.f32 v25, v0  }
0x12e: {  	v18 =	vnsel vm10, $0x0, v18;
	v19 =	vadd.f32 v19, v22  }
0x12f: {  	v20 =	vadd.f32 v55, v20;
	v22 =	vadd.f32 $1.428571490e-01, v24;
	v24 =	vmul.f32 $1.000000000e+01, v26  }
0x130: {  	vm11 =	veq.s32 v29, $0xC;
	v18 =	vadd.f32 v19, v18;
	v26 =	vpop (erf)  }
0x131: {  	v19 =	vadd.f32 v26, v20;
	v20 =	vmul.f32 v22, v25;
	v22 =	vtrunc.f32 v24  }
0x132: {  	v17 =	vnsel vm11, $0x0, v17;
	v26 =	vpop (erf)  }
0x133: {  	v27 =	vcvt.f32.s32 v22;
	vm12 =	vgt.f32 v24, v22;
	v19 =	vadd.f32 v26, v19  }
0x134: {  	vm13 =	veq.s32 v29, $0xD;
	v17 =	vadd.f32 v18, v17;
	v18 =	vsel vm12, $0x1, v2;
	v22 =	vpop (erf)  }
0x135: {  	v24 =	vadd.f32 $0.0e+00, v47;
	v18 =	vadd.s32 v27, v18;
	v19 =	vadd.f32 v22, v19  }
0x136: {  	vm10 =	veq.s32 v29, $0x11;
	vm14 =	vlt.s32 v18, $0x1;
	vm15 =	veq.s32 v18, $0x1  }
0x137: {  	v22 =	vnsel vm14, $0x0, v24;
	v24 =	vnsel vm15, $0x0, v46;
	v26 =	vand.u32 $0x7FFFFF, v19  }
0x138: {  	vm4 =	veq.s32 v18, $0x2;
	v22 =	vadd.f32 v24, v22;
	v24 =	vor.u32 $0x3F800000, v26  }
0x139: {  	v16 =	vnsel vm13, $0x0, v16;
	v26 =	vnsel vm4, $0x0, v42;
	v27 =	vadd.f32 $1.000000000e+00, v24  }
0x13a: {  	v16 =	vadd.f32 v17, v16;
	vm5 =	veq.s32 v18, $0x3;
	v17 =	vadd.f32 v22, v26  }
0x13b: {  	vm6 =	veq.s32 v29, $0xE;
	v22 =	vnsel vm5, $0x0, v53;
	(erf) = vrcp.f32 v27  }
0x13c: {  	v8 =	vnsel vm6, $0x0, v8;
	vm7 =	veq.s32 v18, $0x4;
	v17 =	vadd.f32 v17, v22  }
0x13d: {  	v20 =	vadd.f32 $2.000000030e-01, v20;
	v8 =	vadd.f32 v16, v8;
	v16 =	vnsel vm7, $0x0, v52  }
0x13e: {  	vm8 =	veq.s32 v29, $0xF;
	vm9 =	veq.s32 v18, $0x5;
	v16 =	vadd.f32 v17, v16  }
0x13f: {  	v7 =	vnsel vm8, $0x0, v7;
	v20 =	vmul.f32 v20, v25;
	v17 =	vnsel vm9, $0x0, v51  }
0x140: {  	vm11 =	veq.s32 v18, $0x6;
	vm13 =	veq.s32 v18, $0x7;
	v16 =	vadd.f32 v16, v17  }
0x141: {  	v7 =	vadd.f32 v8, v7;
	v8 =	vnsel vm11, $0x0, v49;
	v17 =	vnsel vm13, $0x0, v37  }
0x142: {  	v12 =	vnsel vm10, $0x0, v12;
	vm12 =	veq.s32 v29, $0x10;
	v8 =	vadd.f32 v16, v8  }
0x143: {  	v4 =	vnsel vm12, $0x0, v4;
	v20 =	vadd.f32 $3.333333430e-01, v20;
	v22 =	vadd.f32 $-1.000000000e+00, v24  }
0x144: {  	vm14 =	veq.s32 v18, $0x8;
	v4 =	vadd.f32 v7, v4;
	v8 =	vadd.f32 v8, v17;
	v17 =	vpop (erf)  }
0x145: {  	v7 =	vnsel vm14, $0x0, v36;
	v20 =	vmul.f32 v20, v25;
	v17 =	vmul.f32 v17, v22  }
0x146: {  	vm10 =	vgt.s32 v29, $0x12;
	vm15 =	veq.s32 v18, $0x9;
	v7 =	vadd.f32 v8, v7  }
0x147: {  	v8 =	vadd.f32 $1.000000000e+00, v20;
	v20 =	vnsel vm15, $0x0, v34;
	v22 =	vmul.f32 v17, v17  }
0x148: {  	vm4 =	veq.s32 v18, $0xA;
	v16 =	vshrl.u32 v44, $0x17;
	v7 =	vadd.f32 v7, v20  }
0x149: {  	v20 =	vadd.f32 v23, v23;
	v23 =	vnsel vm4, $0x0, v33;
	v24 =	vmul.f32 v22, v0  }
0x14a: {  	vm5 =	veq.s32 v18, $0xB;
	v16 =	vadd.s32 $0xFFFFFF81, v16;
	v7 =	vadd.f32 v7, v23  }
0x14b: {  	v16 =	vcvt.s32.f32 v16;
	v23 =	vnsel vm5, $0x0, v31;
	v24 =	vadd.f32 $1.428571490e-01, v24  }
0x14c: {  	vm7 =	veq.s32 v18, $0xC;
	v4 =	vadd.f32 v4, v12;
	v7 =	vadd.f32 v7, v23  }
0x14d: {  	v12 =	vmul.f32 $6.931471820e-01, v16;
	v16 =	vnsel vm7, $0x0, v28;
	v23 =	vmul.f32 v24, v22  }
0x14e: {  	vm6 =	veq.s32 v29, $0x12;
	vm8 =	veq.s32 v18, $0xD;
	v7 =	vadd.f32 v7, v16  }
0x14f: {  	v8 =	vmul.f32 v8, v20;
	v16 =	vnsel vm8, $0x0, v21;
	v20 =	vadd.f32 $2.000000030e-01, v23  }
0x150: {  	v9 =	vnsel vm6, $0x0, v9;
	vm9 =	veq.s32 v18, $0xE;
	v7 =	vadd.f32 v7, v16  }
0x151: {  	v4 =	vadd.f32 v4, v9;
	v9 =	vnsel vm9, $0x0, v15;
	v15 =	vmul.f32 v20, v22  }
0x152: {  	v6 =	vnsel vm10, $0x0, v6;
	vm11 =	veq.s32 v18, $0xF;
	v7 =	vadd.f32 v7, v9  }
0x153: {  	v8 =	vadd.f32 v8, v12;
	v9 =	vnsel vm11, $0x0, v14;
	v12 =	vadd.f32 $3.333333430e-01, v15  }
0x154: {  	vm12 =	veq.s32 v18, $0x10;
	v4 =	vadd.f32 v4, v6;
	v6 =	vadd.f32 v7, v9  }
0x155: {  	v7 =	vnsel vm12, $0x0, v10;
	v9 =	vshrl.u32 v19, $0x17;
	v10 =	vmul.f32 v12, v22  }
0x156: {  	vm13 =	veq.s32 v18, $0x11;
	v6 =	vadd.f32 v6, v7;
	v7 =	vadd.s32 $0xFFFFFF81, v9  }
0x157: {  	v7 =	vcvt.s32.f32 v7;
	v9 =	vadd.f32 $1.000000000e+00, v10;
	v10 =	vadd.f32 v17, v17  }
0x158: {  	vm14 =	veq.s32 v18, $0x12;
	v11 =	vnsel vm13, $0x0, v11;
	v8 =	vadd.f32 v8, v13  }
0x159: {  	v6 =	vadd.f32 v6, v11;
	v7 =	vmul.f32 $6.931471820e-01, v7;
	v9 =	vmul.f32 v9, v10  }
0x15a: {  	v5 =	vnsel vm14, $0x0, v5;
	v4 =	vsub.f32 v8, v4  }
0x15b: {  	vm15 =	vgt.s32 v18, $0x12;
	v5 =	vadd.f32 v6, v5;
	v6 =	vadd.f32 v9, v7  }
0x15c: {  	v3 =	vnsel vm15, $0x0, v3  }
0x15d: {  	v3 =	vadd.f32 v5, v3;
	v4 =	vadd.f32 v6, v4;
	_ =	sdelay $0x1  }
0x15e: {  	v3 =	vsub.f32 v4, v3;
	_ =	sdelay $0x1  }
0x15f: {  	s5 =	simm.s32 $0x0;
	[tilespmem:$0xA800] =	vst v3  }
0x160: {  	[tilespmem:s5], [sflag:$0x1] =	stream.strided.gather [hbm4b:s7+s17], $0x800, s18, s17, $0x38;
	[tilespmem:$0xA880] =	vst v63  }
0x161: {  	s26 =	simm.s32 $0x800;
	s4 =	rddreg [dreg:$0x17]  }
0x162: {  	[tilespmem:s26], [sflag:$0x1] =	stream.strided.gather [hbm4b:s4+s17], $0x800, s18, s17, $0x38;
	[tilespmem:$0xA880] =	vst v63  }
0x163: {  	s4 =	rddreg [dreg:$0x18];
	s26 =	simm.s32 $0x1000  }
0x164: {  	[tilespmem:s26], [sflag:$0x1] =	stream.strided.gather [hbm4b:s4+s17], $0x800, s18, s17, $0x38;
	[tilespmem:$0xA880] =	vst v63  }
0x165: {  	s4 =	rddreg [dreg:$0x19];
	s26 =	simm.s32 $0x1800  }
0x166: {  	[tilespmem:s26], [sflag:$0x1] =	stream.strided.gather [hbm4b:s4+s17], $0x800, s18, s17, $0x38;
	[tilespmem:$0xA880] =	vst v63  }
0x167: {  	s4 =	rddreg [dreg:$0x1a];
	s26 =	simm.s32 $0x2000  }
0x168: {  	[tilespmem:s26], [sflag:$0x1] =	stream.strided.gather [hbm4b:s4+s17], $0x800, s18, s17, $0x38;
	[tilespmem:$0xA880] =	vst v63  }
0x169: {  	s4 =	rddreg [dreg:$0x1b];
	s26 =	simm.s32 $0x2800  }
0x16a: {  	[tilespmem:s26], [sflag:$0x1] =	stream.strided.gather [hbm4b:s4+s17], $0x800, s18, s17, $0x38;
	[tilespmem:$0xA880] =	vst v63  }
0x16b: {  	s4 =	rddreg [dreg:$0x1c];
	s26 =	simm.s32 $0x3000  }
0x16c: {  	[tilespmem:s26], [sflag:$0x1] =	stream.strided.gather [hbm4b:s4+s17], $0x800, s18, s17, $0x38;
	[tilespmem:$0xA880] =	vst v63  }
0x16d: {  	s4 =	rddreg [dreg:$0x1d];
	s26 =	simm.s32 $0x3800  }
0x16e: {  	[tilespmem:s26], [sflag:$0x1] =	stream.strided.gather [hbm4b:s4+s17], $0x800, s18, s17, $0x38;
	[tilespmem:$0xA880] =	vst v63  }
0x16f: {  	s4 =	rddreg [dreg:$0x1f];
	s26 =	simm.s32 $0x4000  }
0x170: {  	[tilespmem:s26], [sflag:$0x1] =	stream.strided.gather [hbm4b:s4+s17], $0x800, s18, s17, $0x38;
	[tilespmem:$0xA880] =	vst v63  }
0x171: {  	s4 =	sld [smem:$0x7F9];
	_ =	sdelay $0x1  }
0x172: {  	s26 =	simm.s32 $0x4800  }
0x173: {  	[tilespmem:s26], [sflag:$0x1] =	stream.strided.gather [hbm4b:s4+s17], $0x800, s18, s17, $0x38;
	[tilespmem:$0xA880] =	vst v63  }
0x174: {  	s26 =	sld [smem:$0x7FA];
	_ =	sdelay $0x2  }
0x175: {  	[tilespmem:s29], [sflag:$0x1] =	stream.strided.gather [hbm4b:s26+s17], $0x800, s18, s17, $0x38;
	[tilespmem:$0xA880] =	vst v63  }
0x176: {  	s26 =	sld [smem:$0x7FB];
	_ =	sdelay $0x2  }
0x177: {  	[tilespmem:s19], [sflag:$0x1] =	stream.strided.gather [hbm4b:s26+s17], $0x800, s18, s17, $0x38;
	[tilespmem:$0xA880] =	vst v63  }
0x178: {  	s26 =	sld [smem:$0x7FD];
	_ =	sdelay $0x2  }
0x179: {  	[tilespmem:s30], [sflag:$0x1] =	stream.strided.gather [hbm4b:s26+s17], $0x800, s18, s17, $0x38;
	[tilespmem:$0xA880] =	vst v63  }
0x17a: {  	_ = 	snop  }
0x17b: {  	[tilespmem:s20], [sflag:$0x1] =	stream.strided.gather [hbm4b:s6+s17], $0x800, s18, s17, $0x38;
	[tilespmem:$0xA880] =	vst v63  }
0x17c: {  	_ = 	snop  }
0x17d: {  	[tilespmem:s31], [sflag:$0x1] =	stream.strided.gather [hbm4b:s8+s17], $0x800, s18, s17, $0x38;
	[tilespmem:$0xA880] =	vst v63  }
0x17e: {  	_ = 	snop  }
0x17f: {  	[tilespmem:s21], [sflag:$0x1] =	stream.strided.gather [hbm4b:s9+s17], $0x800, s18, s17, $0x38;
	[tilespmem:$0xA880] =	vst v63  }
0x180: {  	_ = 	snop  }
0x181: {  	[tilespmem:s1], [sflag:$0x1] =	stream.strided.gather [hbm4b:s10+s17], $0x800, s18, s17, $0x38;
	[tilespmem:$0xA880] =	vst v63  }
0x182: {  	_ = 	snop  }
0x183: {  	[tilespmem:s22], [sflag:$0x1] =	stream.strided.gather [hbm4b:s11+s17], $0x800, s18, s17, $0x38;
	[tilespmem:$0xA880] =	vst v63  }
0x184: {  	_ = 	snop  }
0x185: {  	[tilespmem:s23], [sflag:$0x1] =	stream.strided.gather [hbm4b:s13+s17], $0x800, s18, s17, $0x38;
	[tilespmem:$0xA880] =	vst v63  }
0x186: {  	_ = 	snop  }
0x187: {  	[tilespmem:s0], [sflag:$0x1] =	stream.strided.gather [hbm4b:s14+s17], $0x800, s18, s17, $0x38;
	[tilespmem:$0xA880] =	vst v63  }
0x188: {  	s4 =	simm.s32 $0xA000  }
0x189: {  	[tilespmem:s4], [sflag:$0x2] =	stream.linear.gather [hbm4b:s12+s5], $0x800, $0x38;
	[tilespmem:$0xA880] =	vst v63  }
0x18a: {  	_ =	swait.ge [sflag:s24], $0x800  }
0x18b: {  	[sflag:s24] =	ssyncset.done $0x0  }
0x18c: {  	[sflag:s24] =	ssyncadd.s32 $0xFFFFF800  }
0x18d: {  	_ =	swait.ge [sflag:s3], $0x800  }
0x18e: {  	[sflag:s3] =	ssyncset.done $0x0  }
0x18f: {  	[sflag:s3] =	ssyncadd.s32 $0xFFFFF800  }
0x190: {  	_ =	swait.ge [sflag:s3], $0x800  }
0x191: {  	[sflag:s3] =	ssyncset.done $0x0  }
0x192: {  	[sflag:s3] =	ssyncadd.s32 $0xFFFFF800  }
0x193: {  	_ =	swait.ge [sflag:s3], $0x800  }
0x194: {  	[sflag:s3] =	ssyncset.done $0x0  }
0x195: {  	[sflag:s3] =	ssyncadd.s32 $0xFFFFF800  }
0x196: {  	_ =	swait.ge [sflag:s3], $0x800  }
0x197: {  	[sflag:s3] =	ssyncset.done $0x0  }
0x198: {  	[sflag:s3] =	ssyncadd.s32 $0xFFFFF800  }
0x199: {  	_ =	swait.ge [sflag:s3], $0x800  }
0x19a: {  	[sflag:s3] =	ssyncset.done $0x0  }
0x19b: {  	[sflag:s3] =	ssyncadd.s32 $0xFFFFF800  }
0x19c: {  	_ =	swait.ge [sflag:s3], $0x800  }
0x19d: {  	[sflag:s3] =	ssyncset.done $0x0  }
0x19e: {  	[sflag:s3] =	ssyncadd.s32 $0xFFFFF800  }
0x19f: {  	_ =	swait.ge [sflag:s3], $0x800  }
0x1a0: {  	[sflag:s3] =	ssyncset.done $0x0  }
0x1a1: {  	[sflag:s3] =	ssyncadd.s32 $0xFFFFF800  }
0x1a2: {  	_ =	swait.ge [sflag:s3], $0x800  }
0x1a3: {  	[sflag:s3] =	ssyncset.done $0x0  }
0x1a4: {  	[sflag:s3] =	ssyncadd.s32 $0xFFFFF800  }
0x1a5: {  	_ =	swait.ge [sflag:s3], $0x800  }
0x1a6: {  	[sflag:s3] =	ssyncset.done $0x0  }
0x1a7: {  	[sflag:s3] =	ssyncadd.s32 $0xFFFFF800  }
0x1a8: {  	_ =	swait.ge [sflag:s3], $0x800  }
0x1a9: {  	[sflag:s3] =	ssyncset.done $0x0  }
0x1aa: {  	[sflag:s3] =	ssyncadd.s32 $0xFFFFF800  }
0x1ab: {  	_ =	swait.ge [sflag:s3], $0x800  }
0x1ac: {  	[sflag:s3] =	ssyncset.done $0x0  }
0x1ad: {  	[sflag:s3] =	ssyncadd.s32 $0xFFFFF800  }
0x1ae: {  	_ =	swait.ge [sflag:s3], $0x800  }
0x1af: {  	[sflag:s3] =	ssyncset.done $0x0  }
0x1b0: {  	[sflag:s3] =	ssyncadd.s32 $0xFFFFF800  }
0x1b1: {  	_ =	swait.ge [sflag:s3], $0x800  }
0x1b2: {  	[sflag:s3] =	ssyncset.done $0x0  }
0x1b3: {  	[sflag:s3] =	ssyncadd.s32 $0xFFFFF800  }
0x1b4: {  	_ =	swait.ge [sflag:s3], $0x800  }
0x1b5: {  	[sflag:s3] =	ssyncset.done $0x0  }
0x1b6: {  	[sflag:s3] =	ssyncadd.s32 $0xFFFFF800  }
0x1b7: {  	_ =	swait.ge [sflag:s3], $0x800  }
0x1b8: {  	[sflag:s3] =	ssyncset.done $0x0  }
0x1b9: {  	[sflag:s3] =	ssyncadd.s32 $0xFFFFF800  }
0x1ba: {  	_ =	swait.ge [sflag:s3], $0x800  }
0x1bb: {  	[sflag:s3] =	ssyncset.done $0x0  }
0x1bc: {  	[sflag:s3] =	ssyncadd.s32 $0xFFFFF800  }
0x1bd: {  	_ =	swait.ge [sflag:s3], $0x800  }
0x1be: {  	[sflag:s3] =	ssyncset.done $0x0  }
0x1bf: {  	[sflag:s3] =	ssyncadd.s32 $0xFFFFF800  }
0x1c0: {  	_ =	swait.ge [sflag:s3], $0x800  }
0x1c1: {  	[sflag:s3] =	ssyncset.done $0x0  }
0x1c2: {  	[sflag:s3] =	ssyncadd.s32 $0xFFFFF800  }
0x1c3: {  	_ =	swait.ge [sflag:s3], $0x800  }
0x1c4: {  	[sflag:s3] =	ssyncset.done $0x0  }
0x1c5: {  	[sflag:s3] =	ssyncadd.s32 $0xFFFFF800  }
0x1c6: {  	_ =	swait.ge [sflag:s3], $0x800  }
0x1c7: {  	[sflag:s3] =	ssyncset.done $0x0  }
0x1c8: {  	[sflag:s3] =	ssyncadd.s32 $0xFFFFF800  }
0x1c9: {  	s26 =	sand.u32 $0x7F0, s5;
	v29 =	vld [tilespmem:s5+$0x0]  }
0x1ca: {  	v4 =	vld [tilespmem:s26+$0x8000]  }
0x1cb: {  	v26 =	vld [tilespmem:s26+$0x800]  }
0x1cc: {  	v25 =	vld [tilespmem:s26+$0x1000]  }
0x1cd: {  	v7 =	vld [tilespmem:s26+$0x7800]  }
0x1ce: {  	v23 =	vld [tilespmem:s26+$0x1800];
	v3 =	vmul.f32 $1.442695020e+00, v29  }
0x1cf: {  	v8 =	vld [tilespmem:s26+$0x7000];
	v5 =	vmul.f32 $1.442695020e+00, v4  }
0x1d0: {  	v20 =	vld [tilespmem:s26+$0x2000];
	v6 =	vmul.f32 $1.442695020e+00, v26;
	(erf) = vpow2.f32 v3  }
0x1d1: {  	(erf) = vpow2.f32 v5  }
0x1d2: {  	v3 =	vmul.f32 $1.442695020e+00, v25;
	(erf) = vpow2.f32 v6  }
0x1d3: {  	v24 =	vld [tilespmem:s26+$0x2800];
	v5 =	vmul.f32 $1.442695020e+00, v7;
	v6 =	vmul.f32 $1.442695020e+00, v23  }
0x1d4: {  	(erf) = vpow2.f32 v3;
	v3 =	vmul.f32 $1.442695020e+00, v8  }
0x1d5: {  	v19 =	vld [tilespmem:s26+$0x3000];
	(erf) = vpow2.f32 v5;
	v5 =	vmul.f32 $1.442695020e+00, v20  }
0x1d6: {  	(erf) = vpow2.f32 v6  }
0x1d7: {  	v35 =	vld [tilespmem:s26+$0x3800];
	(erf) = vpow2.f32 v3  }
0x1d8: {  	v3 =	vmul.f32 $1.442695020e+00, v24;
	(erf) = vpow2.f32 v5  }
0x1d9: {  	v30 =	vld [tilespmem:s26+$0x4000];
	v5 =	vpop (erf)  }
0x1da: {  	v6 =	vmul.f32 $1.442695020e+00, v19;
	(erf) = vpow2.f32 v3;
	v3 =	vadd.f32 $0.0e+00, v5;
	v44 =	vpop (erf)  }
0x1db: {  	v27 =	vld [tilespmem:s26+$0x4800];
	v5 =	vpop (erf)  }
0x1dc: {  	v9 =	vmul.f32 $1.442695020e+00, v35;
	(erf) = vpow2.f32 v6;
	v3 =	vadd.f32 v5, v3  }
0x1dd: {  	v22 =	vld [tilespmem:s26+$0x5000];
	v5 =	vpop (erf)  }
0x1de: {  	v6 =	vmul.f32 $1.442695020e+00, v30;
	(erf) = vpow2.f32 v9;
	v62 =	vpop (erf);
	v3 =	vadd.f32 v5, v3  }
0x1df: {  	v18 =	vld [tilespmem:s26+$0x5800];
	v5 =	vpop (erf)  }
0x1e0: {  	v9 =	vmul.f32 $1.442695020e+00, v27;
	(erf) = vpow2.f32 v6;
	v13 =	vpop (erf);
	v3 =	vadd.f32 v5, v3  }
0x1e1: {  	v17 =	vld [tilespmem:s26+$0x6000];
	v5 =	vpop (erf)  }
0x1e2: {  	v6 =	vmul.f32 $1.442695020e+00, v22;
	(erf) = vpow2.f32 v9;
	v3 =	vadd.f32 v5, v3  }
0x1e3: {  	v16 =	vld [tilespmem:s26+$0x6800];
	v5 =	vpop (erf)  }
0x1e4: {  	v9 =	vmul.f32 $1.442695020e+00, v18;
	(erf) = vpow2.f32 v6;
	v3 =	vadd.f32 v5, v3  }
0x1e5: {  	v5 =	vpop (erf)  }
0x1e6: {  	v10 =	vmul.f32 $1.442695020e+00, v17;
	(erf) = vpow2.f32 v9;
	v3 =	vadd.f32 v5, v3  }
0x1e7: {  	v5 =	vpop (erf)  }
0x1e8: {  	v12 =	vld [tilespmem:s26+$0x8800];
	v11 =	vmul.f32 $1.442695020e+00, v16;
	(erf) = vpow2.f32 v10;
	v3 =	vadd.f32 v5, v3  }
0x1e9: {  	v6 =	vld [tilespmem:s26+$0x9800];
	v5 =	vpop (erf)  }
0x1ea: {  	v9 =	vld [tilespmem:s26+$0x9000];
	s26 =	simm.s32 $0x10;
	(erf) = vpow2.f32 v11;
	v5 =	vadd.f32 v5, v3  }
0x1eb: {  	v63 =	vld [tilespmem:s4+$0x0];
	s28 =	sand.u32 $0x7F0, s26;
	v10 =	vpop (erf)  }
0x1ec: {  	v33 =	vld [tilespmem:s28+$0x5000];
	v10 =	vadd.f32 v10, v5  }
0x1ed: {  	v34 =	vld [tilespmem:s28+$0x4800];
	v14 =	vpop (erf)  }
0x1ee: {  	v36 =	vld [tilespmem:s28+$0x4000];
	v15 =	vadd.f32 v14, v10  }
0x1ef: {  	v11 =	vld [tilespmem:s28+$0x8800];
	v21 =	vpop (erf)  }
0x1f0: {  	v28 =	vmul.f32 $1.442695020e+00, v12;
	v3 =	vld [tilespmem:s28+$0x9800];
	v31 =	vadd.f32 v21, v15  }
0x1f1: {  	v5 =	vld [tilespmem:s28+$0x9000];
	v55 =	vpop (erf)  }
0x1f2: {  	v56 =	vmul.f32 $1.442695020e+00, v9;
	v10 =	vld [tilespmem:s28+$0x8000];
	(erf) = vpow2.f32 v28;
	v32 =	vadd.f32 v55, v31  }
0x1f3: {  	v14 =	vld [tilespmem:s28+$0x7800];
	v57 =	vpop (erf)  }
0x1f4: {  	v58 =	vmul.f32 $1.442695020e+00, v6;
	v28 =	vld [tilespmem:s28+$0x6000];
	(erf) = vpow2.f32 v56;
	v59 =	vadd.f32 v57, v32  }
0x1f5: {  	v15 =	vld [tilespmem:s28+$0x7000]  }
0x1f6: {  	v45 =	vmul.f32 $1.442695020e+00, v33;
	v21 =	vld [tilespmem:s28+$0x6800];
	(erf) = vpow2.f32 v58;
	v60 =	vadd.f32 v13, v59  }
0x1f7: {  	v50 =	vmul.f32 $1.442695020e+00, v36;
	v48 =	vmul.f32 $1.442695020e+00, v34;
	v31 =	vld [tilespmem:s28+$0x5800]  }
0x1f8: {  	v37 =	vld [tilespmem:s28+$0x3800];
	v39 =	vmul.f32 $1.442695020e+00, v11;
	v38 =	vmul.f32 $1.442695020e+00, v5;
	v61 =	vadd.f32 v62, v60  }
0x1f9: {  	v47 =	vld [tilespmem:s26+$0x0];
	v55 =	vmul.f32 $1.442695020e+00, v14;
	v51 =	vmul.f32 $1.442695020e+00, v10;
	v62 =	vadd.f32 $1.000000000e+00, v63  }
0x1fa: {  	v42 =	vld [tilespmem:s28+$0x1000];
	v32 =	vmul.f32 $1.442695020e+00, v3;
	v41 =	vmul.f32 $1.442695020e+00, v28;
	v44 =	vadd.f32 v44, v61  }
0x1fb: {  	v46 =	vld [tilespmem:s28+$0x800];
	v40 =	vmul.f32 $1.442695020e+00, v21;
	v63 =	vpop (erf);
	v56 =	vmul.f32 $1.000000000e+01, v62  }
0x1fc: {  	s5 =	simm.s32 $0x20;
	v54 =	vmul.f32 $1.442695020e+00, v15;
	v13 =	vld [tilespmem:$0xA800];
	v43 =	vmul.f32 $1.442695020e+00, v31;
	v44 =	vadd.f32 v63, v44  }
.LBB2_4:
0x1fd: {  	p0 =	sne.s32 s5, $0x7F0;
	v52 =	vmul.f32 $1.442695020e+00, v37;
	v59 =	vtrunc.f32 v56;
	v53 =	vadd.f32 $0.0e+00, v29;
	v29 =	vpop (erf)  }
0x1fe: {  	v57 =	vcvt.f32.s32 v59;
	vm0 =	vgt.f32 v56, v59;
	v60 =	vadd.f32 v29, v44  }
0x1ff: {  	v58 =	vmul.f32 $1.442695020e+00, v42;
	v56 =	vmul.f32 $1.442695020e+00, v47;
	v44 =	vsel vm0, $0x1, v2;
	v49 =	vpop (erf)  }
0x200: {  	v29 =	vmovc v47;
	v59 =	vmul.f32 $1.442695020e+00, v46;
	v44 =	vadd.s32 v57, v44;
	v49 =	vadd.f32 v49, v60  }
0x201: {  	v47 =	vld [tilespmem:s28+$0x1800];
	(erf) = vpow2.f32 v56;
	vm0 =	vlt.s32 v44, $0x1;
	vm1 =	veq.s32 v44, $0x1  }
0x202: {  	v53 =	vnsel vm0, $0x0, v53;
	v56 =	vnsel vm1, $0x0, v26;
	v57 =	vand.u32 $0x7FFFFF, v49;
	v26 =	vmovc v46  }
0x203: {  	vm0 =	veq.s32 v44, $0x2;
	v46 =	vld [tilespmem:s28+$0x2000];
	v53 =	vadd.f32 v56, v53;
	v56 =	vor.u32 $0x3F800000, v57  }
0x204: {  	(erf) = vpow2.f32 v51;
	v51 =	vnsel vm0, $0x0, v25;
	v57 =	vadd.f32 $1.000000000e+00, v56;
	v25 =	vmovc v42  }
0x205: {  	vm0 =	veq.s32 v44, $0x3;
	v42 =	vld [tilespmem:s28+$0x2800];
	(erf) = vpow2.f32 v59;
	v51 =	vadd.f32 v53, v51  }
0x206: {  	v59 =	vnsel vm0, $0x0, v23;
	v53 =	vmul.f32 $1.442695020e+00, v47;
	(erf) = vrcp.f32 v57;
	v23 =	vmovc v47  }
0x207: {  	vm0 =	veq.s32 v44, $0x4;
	v47 =	vld [tilespmem:s28+$0x3000];
	(erf) = vpow2.f32 v58;
	v51 =	vadd.f32 v51, v59  }
0x208: {  	v57 =	vmul.f32 $1.442695020e+00, v46;
	(erf) = vpow2.f32 v55;
	v55 =	vnsel vm0, $0x0, v20;
	v20 =	vmovc v46  }
0x209: {  	vm0 =	veq.s32 v44, $0x5;
	(erf) = vpow2.f32 v53;
	v46 =	vadd.f32 v51, v55  }
0x20a: {  	v55 =	vnsel vm0, $0x0, v24;
	v51 =	vmul.f32 $1.442695020e+00, v42;
	v53 =	vpop (erf);
	(erf) = vpow2.f32 v54  }
0x20b: {  	vm0 =	veq.s32 v44, $0x6;
	v24 =	vmovc v42;
	(erf) = vpow2.f32 v57;
	v54 =	vadd.f32 v46, v55  }
0x20c: {  	v42 =	vmul.f32 $1.442695020e+00, v47;
	(erf) = vpow2.f32 v51;
	v51 =	vnsel vm0, $0x0, v19;
	v19 =	vmovc v47  }
0x20d: {  	v47 =	vadd.f32 $0.0e+00, v53;
	vm0 =	veq.s32 v44, $0x7;
	v46 =	vpop (erf);
	v54 =	vadd.f32 v54, v51  }
0x20e: {  	v55 =	vadd.f32 $-1.000000000e+00, v56;
	v35 =	vnsel vm0, $0x0, v35;
	v53 =	vpop (erf);
	(erf) = vpow2.f32 v42  }
0x20f: {  	vm0 =	veq.s32 v44, $0x8;
	v47 =	vadd.f32 v53, v47;
	v54 =	vadd.f32 v54, v35;
	v51 =	vpop (erf)  }
0x210: {  	v30 =	vnsel vm0, $0x0, v30;
	v53 =	vpop (erf);
	(erf) = vpow2.f32 v52;
	v51 =	vmul.f32 v51, v55  }
0x211: {  	vm0 =	veq.s32 v44, $0x9;
	v52 =	vadd.f32 v53, v47;
	v42 =	vpop (erf);
	v53 =	vadd.f32 v54, v30  }
0x212: {  	v27 =	vnsel vm0, $0x0, v27;
	v35 =	vpop (erf);
	(erf) = vpow2.f32 v50;
	v50 =	vmul.f32 v51, v51  }
0x213: {  	vm0 =	veq.s32 v44, $0xA;
	v52 =	vadd.f32 v35, v52;
	v47 =	vpop (erf);
	v27 =	vadd.f32 v53, v27  }
0x214: {  	v53 =	vnsel vm0, $0x0, v22;
	v30 =	vpop (erf);
	(erf) = vpow2.f32 v48;
	v48 =	vmul.f32 v50, v0  }
0x215: {  	vm0 =	veq.s32 v44, $0xB;
	v30 =	vadd.f32 v30, v52;
	v35 =	vpop (erf);
	v52 =	vadd.f32 v27, v53  }
0x216: {  	v22 =	vmovc v33;
	(erf) = vpow2.f32 v45;
	v45 =	vnsel vm0, $0x0, v18;
	v48 =	vadd.f32 $1.428571490e-01, v48;
	v18 =	vmovc v31  }
0x217: {  	vm0 =	veq.s32 v44, $0xC;
	v53 =	vadd.f32 v35, v30;
	v31 =	vpop (erf);
	v33 =	vadd.f32 v52, v45  }
0x218: {  	v35 =	vnsel vm0, $0x0, v17;
	v17 =	vmovc v28;
	v27 =	vmovc v34;
	(erf) = vpow2.f32 v43;
	v43 =	vmul.f32 v48, v50  }
0x219: {  	vm0 =	veq.s32 v44, $0xD;
	v45 =	vadd.f32 v31, v53;
	v31 =	vpop (erf);
	v33 =	vadd.f32 v33, v35  }
0x21a: {  	v34 =	vnsel vm0, $0x0, v16;
	v16 =	vmovc v21;
	v30 =	vmovc v36;
	(erf) = vpow2.f32 v41;
	v41 =	vadd.f32 $2.000000030e-01, v43  }
0x21b: {  	vm0 =	veq.s32 v44, $0xE;
	v36 =	vadd.f32 v31, v45;
	v28 =	vpop (erf);
	v31 =	vadd.f32 v33, v34  }
0x21c: {  	v35 =	vmovc v37;
	v33 =	vnsel vm0, $0x0, v8;
	v8 =	vmovc v15;
	(erf) = vpow2.f32 v40;
	v34 =	vmul.f32 v41, v50  }
0x21d: {  	s4 =	sadd.s32 $0x10, s4;
	vm0 =	veq.s32 v44, $0xF;
	v36 =	vadd.f32 v28, v36;
	v21 =	vpop (erf);
	v28 =	vadd.f32 v31, v33  }
0x21e: {  	s28 =	sand.u32 $0x7F0, s5;
	v31 =	vnsel vm0, $0x0, v7;
	vm0 =	veq.s32 v44, $0x11;
	v7 =	vmovc v14;
	v41 =	vld [tilespmem:s4+$0x0];
	v33 =	vadd.f32 $3.333333430e-01, v34  }
0x21f: {  	vm1 =	veq.s32 v44, $0x10;
	v34 =	vld [tilespmem:s28+$0x9800];
	v14 =	vadd.f32 v21, v36;
	v15 =	vpop (erf);
	v21 =	vadd.f32 v28, v31  }
0x220: {  	v28 =	vnsel vm1, $0x0, v4;
	v36 =	vshrl.u32 v49, $0x17;
	v4 =	vmovc v10;
	v31 =	vld [tilespmem:s28+$0x9000];
	v33 =	vmul.f32 v33, v50  }
0x221: {  	v37 =	vld [tilespmem:s28+$0x8800];
	v15 =	vadd.f32 v15, v14;
	v40 =	vpop (erf);
	v21 =	vadd.f32 v21, v28;
	v14 =	vadd.s32 $0xFFFFFF81, v36  }
0x222: {  	v36 =	vadd.f32 v51, v51;
	v10 =	vld [tilespmem:s28+$0x8000];
	v28 =	vadd.f32 $1.000000000e+00, v33;
	v33 =	vcvt.s32.f32 v14  }
0x223: {  	v48 =	vnsel vm0, $0x0, v12;
	vm0 =	veq.s32 v44, $0x12;
	v14 =	vld [tilespmem:s28+$0x7800];
	v49 =	vadd.f32 v40, v15;
	v43 =	vpop (erf)  }
0x224: {  	v12 =	vmovc v11;
	v45 =	vadd.f32 v21, v48;
	v15 =	vld [tilespmem:s28+$0x7000];
	v33 =	vmul.f32 $6.931471820e-01, v33;
	v36 =	vmul.f32 v28, v36  }
0x225: {  	v21 =	vld [tilespmem:s28+$0x6800];
	v48 =	vadd.f32 v43, v49;
	v40 =	vpop (erf);
	(erf) = vpow2.f32 v39;
	v43 =	vnsel vm0, $0x0, v9  }
0x226: {  	vm0 =	vgt.s32 v44, $0x12;
	v9 =	vmovc v5;
	v5 =	vmovc v31;
	v28 =	vld [tilespmem:s28+$0x6000];
	v39 =	vadd.f32 v45, v43;
	v36 =	vadd.f32 v36, v33  }
0x227: {  	v31 =	vld [tilespmem:s28+$0x5800];
	v40 =	vadd.f32 v40, v48;
	(erf) = vpow2.f32 v38;
	v38 =	vnsel vm0, $0x0, v6;
	v6 =	vmovc v3;
	v3 =	vmovc v34  }
0x228: {  	v11 =	vmov v37;
	v33 =	vld [tilespmem:s28+$0x5000];
	v43 =	vadd.f32 v39, v38;
	v13 =	vadd.f32 v36, v13  }
0x229: {  	v34 =	vld [tilespmem:s28+$0x4800];
	v40 =	vadd.f32 v47, v40;
	(erf) = vpow2.f32 v32;
	v32 =	vmul.f32 $1.442695020e+00, v3  }
0x22a: {  	v39 =	vmul.f32 $1.442695020e+00, v11;
	v38 =	vmul.f32 $1.442695020e+00, v5;
	v36 =	vld [tilespmem:s28+$0x4000];
	v13 =	vsub.f32 v13, v43  }
.Ltmp1:
0x22b: {  	v51 =	vmul.f32 $1.442695020e+00, v10;
	v55 =	vmul.f32 $1.442695020e+00, v14;
	v37 =	vld [tilespmem:s28+$0x3800];
	v44 =	vadd.f32 v42, v40;
	(pc) =	sbr.rel @p0 .LBB2_4-.Ltmp1, $4  }
0x22c: {  	s26 =	sadd.s32 $0x10, s26;
	v48 =	vadd.f32 $1.000000000e+00, v41;
	v54 =	vmul.f32 $1.442695020e+00, v15;
	v40 =	vmul.f32 $1.442695020e+00, v21;
	v42 =	vld [tilespmem:s28+$0x1000]  }
0x22d: {  	v41 =	vmul.f32 $1.442695020e+00, v28;
	v43 =	vmul.f32 $1.442695020e+00, v31;
	v47 =	vld [tilespmem:s26+$0x0];
	v44 =	vadd.f32 v46, v44  }
0x22e: {  	v56 =	vmul.f32 $1.000000000e+01, v48;
	v45 =	vmul.f32 $1.442695020e+00, v33;
	v46 =	vld [tilespmem:s28+$0x800];
	v49 =	vpop (erf)  }
0x22f: {  	s5 =	sadd.s32 $0x10, s5;
	v48 =	vmul.f32 $1.442695020e+00, v34;
	v50 =	vmul.f32 $1.442695020e+00, v36;
	v44 =	vadd.f32 v49, v44  }
0x230: {  	v49 =	vpop (erf)  }
0x231: {  	v44 =	vadd.f32 v49, v44  }
0x232: {  	v62 =	vpop (erf)  }
0x233: {  	v44 =	vadd.f32 v62, v44  }
0x234: {  	v63 =	vmul.f32 $1.442695020e+00, v47  }
0x235: {  	v53 =	vld [tilespmem:s28+$0x1800];
	v52 =	vand.u32 $0x7FFFFF, v44  }
0x236: {  	v57 =	vmul.f32 $1.442695020e+00, v46;
	(erf) = vpow2.f32 v63;
	v58 =	vor.u32 $0x3F800000, v52  }
0x237: {  	(erf) = vpow2.f32 v51;
	v52 =	vld [tilespmem:s28+$0x2000];
	v60 =	vadd.f32 $1.000000000e+00, v58  }
0x238: {  	v59 =	vmul.f32 $1.442695020e+00, v42;
	v49 =	vld [tilespmem:s28+$0x3000];
	(erf) = vpow2.f32 v57  }
0x239: {  	v51 =	vld [tilespmem:s28+$0x2800];
	(erf) = vrcp.f32 v60  }
0x23a: {  	v61 =	vmul.f32 $1.442695020e+00, v53;
	(erf) = vpow2.f32 v59  }
0x23b: {  	(erf) = vpow2.f32 v55  }
0x23c: {  	v62 =	vmul.f32 $1.442695020e+00, v52;
	(erf) = vpow2.f32 v61  }
0x23d: {  	v57 =	vmul.f32 $1.442695020e+00, v49;
	(erf) = vpow2.f32 v54  }
0x23e: {  	v63 =	vmul.f32 $1.442695020e+00, v51;
	(erf) = vpow2.f32 v62  }
0x23f: {  	v60 =	vpop (erf)  }
0x240: {  	v54 =	vadd.f32 $0.0e+00, v60;
	v55 =	vpop (erf);
	(erf) = vpow2.f32 v63  }
0x241: {  	v60 =	vmul.f32 $1.442695020e+00, v37;
	v59 =	vpop (erf)  }
0x242: {  	(erf) = vpow2.f32 v57;
	v54 =	vadd.f32 v59, v54;
	v57 =	vpop (erf)  }
0x243: {  	v61 =	vpop (erf)  }
0x244: {  	(erf) = vpow2.f32 v60;
	v54 =	vadd.f32 v61, v54;
	v59 =	vpop (erf)  }
0x245: {  	v60 =	vpop (erf)  }
0x246: {  	(erf) = vpow2.f32 v50;
	v50 =	vtrunc.f32 v56;
	v54 =	vadd.f32 v60, v54;
	v60 =	vpop (erf)  }
0x247: {  	vm0 =	vgt.f32 v56, v50;
	v62 =	vpop (erf)  }
0x248: {  	v50 =	vcvt.f32.s32 v50;
	(erf) = vpow2.f32 v48;
	v48 =	vadd.f32 v62, v54  }
0x249: {  	v63 =	vsel vm0, $0x1, v2;
	v61 =	vadd.f32 $0.0e+00, v29;
	v62 =	vpop (erf)  }
0x24a: {  	v29 =	vadd.s32 v50, v63;
	(erf) = vpow2.f32 v45;
	v63 =	vadd.f32 v62, v48  }
0x24b: {  	vm12 =	vlt.s32 v29, $0x1;
	vm1 =	veq.s32 v29, $0x1;
	v56 =	vpop (erf)  }
0x24c: {  	v54 =	vnsel vm12, $0x0, v61;
	(erf) = vpow2.f32 v43;
	v61 =	vadd.f32 v56, v63  }
0x24d: {  	vm13 =	veq.s32 v29, $0x2;
	v26 =	vnsel vm1, $0x0, v26;
	v62 =	vpop (erf)  }
0x24e: {  	v26 =	vadd.f32 v26, v54;
	(erf) = vpow2.f32 v41;
	v63 =	vadd.f32 v62, v61  }
0x24f: {  	vm14 =	veq.s32 v29, $0x3;
	v25 =	vnsel vm13, $0x0, v25;
	v43 =	vpop (erf)  }
0x250: {  	v25 =	vadd.f32 v26, v25;
	(erf) = vpow2.f32 v40;
	v26 =	vadd.f32 v43, v63  }
0x251: {  	v23 =	vnsel vm14, $0x0, v23;
	v45 =	vpop (erf)  }
0x252: {  	vm15 =	veq.s32 v29, $0x4;
	v23 =	vadd.f32 v25, v23;
	v25 =	vadd.f32 v45, v26  }
0x253: {  	v20 =	vnsel vm15, $0x0, v20;
	v48 =	vpop (erf)  }
0x254: {  	vm4 =	veq.s32 v29, $0x5;
	v20 =	vadd.f32 v23, v20;
	v23 =	vadd.f32 v48, v25  }
0x255: {  	v24 =	vnsel vm4, $0x0, v24;
	v50 =	vpop (erf)  }
0x256: {  	vm5 =	veq.s32 v29, $0x6;
	v20 =	vadd.f32 v20, v24;
	v23 =	vadd.f32 v50, v23  }
0x257: {  	v19 =	vnsel vm5, $0x0, v19;
	v54 =	vpop (erf)  }
0x258: {  	(erf) = vpow2.f32 v39;
	v19 =	vadd.f32 v20, v19;
	v20 =	vadd.f32 v54, v23  }
0x259: {  	s4 =	sadd.s32 $0x10, s4;
	vm6 =	veq.s32 v29, $0x7;
	vm7 =	veq.s32 v29, $0x8;
	vm8 =	veq.s32 v29, $0x9;
	v62 =	vpop (erf)  }
0x25a: {  	v63 =	vnsel vm7, $0x0, v30;
	v30 =	vld [tilespmem:s4+$0x0];
	(erf) = vpow2.f32 v38;
	v20 =	vadd.f32 v62, v20  }
0x25b: {  	vm9 =	veq.s32 v29, $0xA;
	vm10 =	veq.s32 v29, $0xB;
	v56 =	vnsel vm6, $0x0, v35  }
0x25c: {  	(erf) = vpow2.f32 v32;
	v19 =	vadd.f32 v19, v56;
	v20 =	vadd.f32 v60, v20  }
0x25d: {  	vm11 =	veq.s32 v29, $0xC;
	v22 =	vnsel vm9, $0x0, v22;
	v18 =	vnsel vm10, $0x0, v18  }
0x25e: {  	v17 =	vnsel vm11, $0x0, v17;
	v19 =	vadd.f32 v19, v63;
	v20 =	vadd.f32 v59, v20  }
0x25f: {  	vm13 =	veq.s32 v29, $0xD;
	v32 =	vnsel vm8, $0x0, v27;
	v26 =	vadd.f32 $1.000000000e+00, v30  }
0x260: {  	vm10 =	veq.s32 v29, $0x11;
	v19 =	vadd.f32 v19, v32;
	v20 =	vadd.f32 v55, v20  }
0x261: {  	v16 =	vnsel vm13, $0x0, v16;
	v12 =	vnsel vm10, $0x0, v12;
	vm6 =	veq.s32 v29, $0xE;
	v40 =	vpop (erf)  }
0x262: {  	v39 =	vmul.f32 $1.000000000e+01, v26;
	v19 =	vadd.f32 v19, v22;
	v41 =	vadd.f32 v40, v20  }
0x263: {  	vm10 =	vgt.s32 v29, $0x12;
	v8 =	vnsel vm6, $0x0, v8;
	vm6 =	veq.s32 v29, $0x12;
	v48 =	vpop (erf)  }
0x264: {  	v45 =	vtrunc.f32 v39;
	v18 =	vadd.f32 v19, v18;
	v19 =	vadd.f32 v48, v41  }
0x265: {  	v61 =	vadd.f32 $-1.000000000e+00, v58;
	v50 =	vcvt.f32.s32 v45;
	vm12 =	vgt.f32 v39, v45;
	v55 =	vpop (erf)  }
0x266: {  	v56 =	vadd.f32 $0.0e+00, v47;
	v54 =	vsel vm12, $0x1, v2;
	v19 =	vadd.f32 v55, v19  }
0x267: {  	v23 =	vmul.f32 v57, v61;
	v17 =	vadd.f32 v18, v17;
	v18 =	vadd.s32 v50, v54  }
0x268: {  	vm14 =	vlt.s32 v18, $0x1;
	vm15 =	veq.s32 v18, $0x1;
	v59 =	vand.u32 $0x7FFFFF, v19  }
0x269: {  	v57 =	vnsel vm14, $0x0, v56;
	v58 =	vnsel vm15, $0x0, v46;
	v60 =	vor.u32 $0x3F800000, v59  }
0x26a: {  	vm4 =	veq.s32 v18, $0x2;
	v22 =	vadd.f32 v58, v57;
	v62 =	vadd.f32 $1.000000000e+00, v60  }
0x26b: {  	v6 =	vnsel vm10, $0x0, v6;
	v9 =	vnsel vm6, $0x0, v9;
	v61 =	vnsel vm4, $0x0, v42  }
0x26c: {  	vm5 =	veq.s32 v18, $0x3;
	v63 =	vadd.f32 v22, v61;
	(erf) = vrcp.f32 v62  }
0x26d: {  	vm8 =	veq.s32 v29, $0xF;
	v25 =	vmul.f32 v23, v23;
	v26 =	vnsel vm5, $0x0, v53  }
0x26e: {  	vm7 =	veq.s32 v18, $0x4;
	v16 =	vadd.f32 v17, v16;
	v17 =	vadd.f32 v63, v26  }
0x26f: {  	v7 =	vnsel vm8, $0x0, v7;
	v35 =	vmul.f32 v25, v0;
	v27 =	vnsel vm7, $0x0, v52  }
0x270: {  	vm9 =	veq.s32 v18, $0x5;
	v8 =	vadd.f32 v16, v8;
	v16 =	vadd.f32 v17, v27  }
0x271: {  	vm12 =	veq.s32 v29, $0x10;
	v38 =	vadd.f32 $1.428571490e-01, v35;
	v30 =	vnsel vm9, $0x0, v51  }
0x272: {  	v4 =	vnsel vm12, $0x0, v4;
	vm11 =	veq.s32 v18, $0x6;
	v16 =	vadd.f32 v16, v30  }
0x273: {  	v43 =	vmul.f32 v38, v25;
	v32 =	vnsel vm11, $0x0, v49;
	v7 =	vadd.f32 v8, v7  }
0x274: {  	vm13 =	veq.s32 v18, $0x7;
	v38 =	vadd.f32 $-1.000000000e+00, v60;
	v8 =	vadd.f32 v16, v32  }
0x275: {  	v35 =	vshrl.u32 v44, $0x17;
	vm8 =	veq.s32 v18, $0xD;
	v37 =	vnsel vm13, $0x0, v37;
	v39 =	vpop (erf)  }
0x276: {  	vm14 =	veq.s32 v18, $0x8;
	v8 =	vadd.f32 v8, v37;
	v17 =	vmul.f32 v39, v38  }
0x277: {  	vm12 =	veq.s32 v18, $0x10;
	vm15 =	veq.s32 v18, $0x9;
	v40 =	vnsel vm14, $0x0, v36  }
0x278: {  	v4 =	vadd.f32 v7, v4;
	v7 =	vadd.f32 v8, v40;
	v22 =	vmul.f32 v17, v17  }
0x279: {  	vm4 =	veq.s32 v18, $0xA;
	vm5 =	veq.s32 v18, $0xB;
	v42 =	vnsel vm15, $0x0, v34  }
0x27a: {  	vm7 =	veq.s32 v18, $0xC;
	v7 =	vadd.f32 v7, v42;
	v45 =	vmul.f32 v22, v0  }
0x27b: {  	v50 =	vnsel vm8, $0x0, v21;
	v20 =	vadd.f32 $2.000000030e-01, v43;
	v44 =	vnsel vm4, $0x0, v33  }
0x27c: {  	vm9 =	veq.s32 v18, $0xE;
	v7 =	vadd.f32 v7, v44;
	v24 =	vadd.f32 $1.428571490e-01, v45  }
0x27d: {  	vm11 =	veq.s32 v18, $0xF;
	v46 =	vnsel vm5, $0x0, v31;
	v20 =	vmul.f32 v20, v25  }
0x27e: {  	vm13 =	veq.s32 v18, $0x11;
	v7 =	vadd.f32 v7, v46;
	v49 =	vmul.f32 v24, v22  }
0x27f: {  	v43 =	vadd.f32 v23, v23;
	v48 =	vnsel vm7, $0x0, v28;
	v20 =	vadd.f32 $3.333333430e-01, v20  }
0x280: {  	v52 =	vnsel vm9, $0x0, v15;
	v7 =	vadd.f32 v7, v48;
	v51 =	vadd.f32 $2.000000030e-01, v49  }
0x281: {  	v54 =	vnsel vm11, $0x0, v14;
	v20 =	vmul.f32 v20, v25;
	v4 =	vadd.f32 v4, v12  }
0x282: {  	v16 =	vadd.s32 $0xFFFFFF81, v35;
	v7 =	vadd.f32 v7, v50;
	v53 =	vmul.f32 v51, v22  }
0x283: {  	v41 =	vadd.f32 $1.000000000e+00, v20;
	v4 =	vadd.f32 v4, v9;
	v16 =	vcvt.s32.f32 v16  }
0x284: {  	v57 =	vnsel vm12, $0x0, v10;
	v7 =	vadd.f32 v7, v52;
	v55 =	vadd.f32 $3.333333430e-01, v53  }
0x285: {  	v58 =	vshrl.u32 v19, $0x17;
	v47 =	vmul.f32 $6.931471820e-01, v16;
	v8 =	vmul.f32 v41, v43  }
0x286: {  	v4 =	vadd.f32 v4, v6;
	v56 =	vadd.f32 v7, v54;
	v59 =	vmul.f32 v55, v22  }
0x287: {  	v60 =	vadd.s32 $0xFFFFFF81, v58;
	v8 =	vadd.f32 v8, v47;
	v62 =	vadd.f32 v17, v17  }
0x288: {  	v7 =	vcvt.s32.f32 v60;
	v6 =	vadd.f32 v56, v57;
	v61 =	vadd.f32 $1.000000000e+00, v59  }
0x289: {  	v11 =	vnsel vm13, $0x0, v11;
	vm14 =	veq.s32 v18, $0x12;
	v8 =	vadd.f32 v8, v13  }
0x28a: {  	v7 =	vmul.f32 $6.931471820e-01, v7;
	v6 =	vadd.f32 v6, v11;
	v9 =	vmul.f32 v61, v62  }
0x28b: {  	v5 =	vnsel vm14, $0x0, v5;
	v4 =	vsub.f32 v8, v4  }
0x28c: {  	vm15 =	vgt.s32 v18, $0x12;
	v5 =	vadd.f32 v6, v5;
	v63 =	vadd.f32 v9, v7  }
0x28d: {  	v3 =	vnsel vm15, $0x0, v3  }
0x28e: {  	v3 =	vadd.f32 v5, v3;
	v4 =	vadd.f32 v63, v4;
	_ =	sdelay $0x1  }
0x28f: {  	s25 =	sadd.s32 $0x1, s25;
	v3 =	vsub.f32 v4, v3  }
0x290: {  	p0 =	sne.s32 s25, s16  }
.Ltmp2:
0x291: {  	s28 =	simm.s32 $0xA800;
	[tilespmem:$0xA800] =	vst v3;
	(pc) =	sbr.rel @p0 .LBB2_1-.Ltmp2, $4  }
0x292: {  	[hbm4b:s15+s2] =	stream.linear.scatter [tilespmem:s28], [sflag:$0x2], $0x80, $0x38;
	[tilespmem:$0xA880] =	vst v63  }
0x293: {  	_ =	swait.ge [sflag:s24], $0x80  }
0x294: {  	[sflag:s24] =	ssyncset.done $0x0  }
0x295: {  	[sflag:s24] =	ssyncadd.s32 $0xFFFFFF80  }
0x296: {  	_ =	sfence.sel $0x180000  }
0x297: {  	[bflag:$0x0] =	sbarrier.arrive $0xFFFF  }
0x298: {  	_ =	strace $0x90000047  }
0x299: {  	s0 =	stileid.u32;
	[bflag:$0x2] =	sbarrier.arrive $0xFFFF  }
0x29a: {  	p0 =	sne.s32 s0, $0x0;
	s0 =	rddreg [dreg:$0x3]  }
0x29b: {  	s0 =	sadd.s32 @!p0 $0x100000, s0  }
0x29c: {  	[sflag:s0] =	ssyncadd.tile.s32 @!p0 $0x1;
	_ =	shalt  }
.Lfunc_end2:
_tile_overlayer_lowered:
.L_overlay_start_2:
0x29d: {  	(tag) =	ssettag $0x2  }
0x29e: {  	s0 =	rddreg [dreg:$0x0];
	s2 =	stileid.u32  }
0x29f: {  	s1 =	rddreg [dreg:$0x1];
	p0 =	sne.s32 s2, $0x0  }
0x2a0: {  	s3 =	rddreg [dreg:$0x2];
	[bflag:$0x3] =	sbarrier.arrive $0xFFFF;
	s2 =	simm.s32 @!p0 $0x1C02  }
0x2a1: {  	[timem:s3], [sflag:s2] =	dma.local @!p0 [hbm:s0], s1  }
0x2a2: {  	s0 =	simm.s32 @!p0 $0x2  }
0x2a3: {  	_ =	swait.ge @!p0 [sflag:s0], s1  }
0x2a4: {  	s1 =	ssub.s32 @!p0 $0x0, s1;
	[sflag:s0] =	ssyncset.done @!p0 $0x0  }
0x2a5: {  	[sflag:s0] =	ssyncadd.s32 @!p0 s1  }
0x2a6: {  	[bflag:$0x3] =	sbarrier.arrive $0xFFFF  }
0x2a7: {  	_ =	shalt  }

</sc_bundles>
